<compile_context>
chip_gen: v7x
topology: tpu7x:2x2x1
jax: 0.10.2.dev20260603
libtpu: 0.0.44.dev20260713+nightly
codegen_flags: <defaults>
</compile_context>

<pallas_src>
import functools

import jax
import jax.numpy as jnp
from jax import lax
from jax.experimental import pallas as pl
from jax.experimental.pallas import tpu as pltpu
from jax.experimental.pallas import tpu_sc as plsc

D = 64
A = 4096
B = 200
CHUNK = 128
SCALE = float(D) ** -0.5
NBUF = 4


def _make_sc_kernel():
    info = plsc.get_sparse_core_info()
    nc, ns = info.num_cores, info.num_subcores
    nw = nc * ns

    mesh = plsc.VectorSubcoreMesh(core_axis_name="c", subcore_axis_name="s")

    scratch = [
        pltpu.VMEM((B, CHUNK), jnp.int32),
        pltpu.VMEM((NBUF, CHUNK, D), jnp.float32),
        pltpu.VMEM((NBUF, D, CHUNK), jnp.float32),
    ] + [pltpu.SemaphoreType.DMA] * (2 * NBUF)

    @functools.partial(
        pl.kernel,
        out_type=jax.ShapeDtypeStruct((B * 8 * nw * 8, CHUNK), jnp.float32),
        mesh=mesh,
        scratch_types=scratch,
        compiler_params=pltpu.CompilerParams(use_tc_tiling_on_sc=False,
                                             needs_layout_passes=False),
    )
    def emb_kernel(idx_hbm, table_hbm, out_hbm, idx_v, in_v, tr_v, *sems):
        gsem = sems[:NBUF]
        ssem = sems[NBUF:]
        wid = lax.axis_index("s") * nc + lax.axis_index("c")
        pltpu.sync_copy(idx_hbm.at[wid], idx_v)

        lanes = lax.iota(jnp.int32, 16)
        dvecs = [lanes + 16 * g for g in range(D // 16)]

        def start_gather(bb, c):
            pltpu.async_copy(table_hbm.at[idx_v.at[c]], in_v.at[bb], gsem[bb])

        def start_store(bb, c):
            for dt in range(8):
                base = ((c * 8 + dt) * nw + wid) * 8
                pltpu.async_copy(tr_v.at[bb, pl.ds(dt * 8, 8)],
                                 out_hbm.at[pl.ds(base, 8)], ssem[bb])

        def wait_gather(bb):
            pltpu.make_async_copy(table_hbm.at[idx_v.at[0]], in_v.at[bb],
                                  gsem[bb]).wait()

        def wait_store(bb):
            pltpu.make_async_copy(tr_v.at[bb],
                                  out_hbm.at[pl.ds(0, D)], ssem[bb]).wait()

        def transpose(bb):
            dst = tr_v.at[bb]

            @functools.partial(plsc.parallel_loop, 0, CHUNK, unroll=4)
            def row(j):
                jvec = jnp.broadcast_to(j, (16,)).astype(jnp.int32)
                vals = [in_v[bb, j, pl.ds(g * 16, 16)] * SCALE
                        for g in range(D // 16)]
                for g in range(D // 16):
                    plsc.store_scatter(dst, [dvecs[g], jvec], vals[g])

            v0 = tr_v[bb, 0, pl.ds(0, 16)]
            tr_v[bb, 0, pl.ds(0, 16)] = v0

        for bb in range(NBUF):
            start_gather(bb, bb)
        for bb in range(NBUF):
            wait_gather(bb)
            transpose(bb)
            start_store(bb, bb)
            start_gather(bb, NBUF + bb)

        nsteps = B // NBUF

        def step(g0, carry):
            for bb in range(NBUF):
                c = g0 * NBUF + bb
                wait_gather(bb)
                wait_store(bb)
                transpose(bb)
                start_store(bb, c)
                start_gather(bb, c + NBUF)
            return carry

        lax.fori_loop(1, nsteps - 1, step, 0)

        for bb in range(NBUF):
            c = (nsteps - 1) * NBUF + bb
            wait_gather(bb)
            wait_store(bb)
            transpose(bb)
            start_store(bb, c)
        for bb in range(NBUF):
            wait_store(bb)

    return emb_kernel


_emb = _make_sc_kernel()


@jax.jit
def kernel(x, table):
    idx3 = (x.T.reshape(B, 32, CHUNK).transpose(1, 0, 2)
            .astype(jnp.int32))
    outp = _emb(idx3, table)
    out = (outp.reshape(B, 8, 32, 8, CHUNK)
           .transpose(2, 4, 0, 1, 3)
           .reshape(A, B, D))
    return out

# --- scband reference (transcript-rebuilt; emitter-appended) ---
"""Pipeline reference for scband-input-embedding-29214367547801 (READ-ONLY COPY).

The authoritative reference and input builder live on the scoring server;
editing this copy changes nothing except your own understanding.
"""

import jax, jax.numpy as jnp
import numpy as np

VOCAB = 1000000
D_MODEL = 64

def setup_inputs(seed: int = 0) -> dict:
    key = jax.random.key(seed)
    k1, k2 = jax.random.split(key)
    x = jax.random.randint(k1, (4096, 200), 0, VOCAB, dtype=jnp.int64) if jax.config.jax_enable_x64 else jax.random.randint(k1, (4096, 200), 0, VOCAB, dtype=jnp.int32)
    table = jax.random.normal(k2, (VOCAB, D_MODEL), dtype=jnp.float32)
    return {"x": x, "table": table}

def reference(x, table):
    out = jnp.take(table, x, axis=0) * (D_MODEL ** -0.5)
    return out

if __name__ == "__main__":
    import jax
    _d = setup_inputs()
    print(jax.jit(kernel)(*tuple(_d.values())))

</pallas_src>

<mosaic_0001>
#map = affine_map<(d0, d1) -> (0, 0, 0)>
#map1 = affine_map<(d0, d1) -> (0, 0)>
module attributes {stable_mosaic.version = 14 : i64} {
  func.func @emb_kernel(%arg0: i32, %arg1: i32, %arg2: memref<32x200x128xi32, #tpu.memory_space<hbm>>, %arg3: memref<1000000x64xf32, #tpu.memory_space<hbm>>, %arg4: memref<409600x128xf32, #tpu.memory_space<hbm>>, %arg5: memref<200x128xi32, #tpu.memory_space<vmem>>, %arg6: memref<4x128x64xf32, #tpu.memory_space<vmem>>, %arg7: memref<4x64x128xf32, #tpu.memory_space<vmem>>, %arg8: memref<!tpu.dma_semaphore, #tpu.memory_space<semaphore_mem>>, %arg9: memref<!tpu.dma_semaphore, #tpu.memory_space<semaphore_mem>>, %arg10: memref<!tpu.dma_semaphore, #tpu.memory_space<semaphore_mem>>, %arg11: memref<!tpu.dma_semaphore, #tpu.memory_space<semaphore_mem>>, %arg12: memref<!tpu.dma_semaphore, #tpu.memory_space<semaphore_mem>>, %arg13: memref<!tpu.dma_semaphore, #tpu.memory_space<semaphore_mem>>, %arg14: memref<!tpu.dma_semaphore, #tpu.memory_space<semaphore_mem>>, %arg15: memref<!tpu.dma_semaphore, #tpu.memory_space<semaphore_mem>>) attributes {dimension_semantics = [#tpu.dimension_semantics<core_parallel>, #tpu.dimension_semantics<subcore_parallel>], iteration_bounds = array<i64: 2, 16>, scalar_prefetch = 0 : i64, scratch_operands = 11 : i64, tpu.core_type = #tpu.core_type<sc_vector_subcore>, window_params = [{transform_indices = #map}, {transform_indices = #map1}, {transform_indices = #map1}]} {
    %mul3A = arith.constant 2 : i32
    %mul3A_0 = arith.muli %arg1, %mul3A : i32
    %add3A = arith.addi %mul3A_0, %arg0 : i32
    "tpu.region"() ({
      %run_scoped3A = tpu.sem_alloc : memref<!tpu.dma_semaphore, #tpu.memory_space<semaphore_mem>>
      %dma_start3A_1510 = arith.constant 0 : i32
      %dma_start3A_1511 = arith.constant 0 : i32
      %dma_start3A_1512 = tpu.memref_slice %arg2[%add3A, %dma_start3A_1510, %dma_start3A_1511] : memref<32x200x128xi32, #tpu.memory_space<hbm>> -> memref<1x200x128xi32, #tpu.memory_space<hbm>>
      %dma_start3A_1513 = tpu.memref_squeeze %dma_start3A_1512 : memref<1x200x128xi32, #tpu.memory_space<hbm>> -> memref<200x128xi32, #tpu.memory_space<hbm>>
      %dma_start3A_1514 = arith.constant 0 : i32
      %dma_start3A_1515 = arith.constant 0 : i32
      %dma_start3A_1516 = tpu.memref_slice %arg2[%add3A, %dma_start3A_1514, %dma_start3A_1515] : memref<32x200x128xi32, #tpu.memory_space<hbm>> -> memref<1x200x128xi32, #tpu.memory_space<hbm>>
      %dma_start3A_1517 = tpu.memref_squeeze %dma_start3A_1516 : memref<1x200x128xi32, #tpu.memory_space<hbm>> -> memref<200x128xi32, #tpu.memory_space<hbm>>
      tpu.enqueue_dma source(%dma_start3A_1517 : memref<200x128xi32, #tpu.memory_space<hbm>>) target(%arg5 : memref<200x128xi32, #tpu.memory_space<vmem>>) target_semaphore(%run_scoped3A : memref<!tpu.dma_semaphore, #tpu.memory_space<semaphore_mem>>)
      %dma_wait3A_1518 = arith.constant 0 : i32
      %dma_wait3A_1519 = arith.constant 0 : i32
      %dma_wait3A_1520 = tpu.memref_slice %arg2[%add3A, %dma_wait3A_1518, %dma_wait3A_1519] : memref<32x200x128xi32, #tpu.memory_space<hbm>> -> memref<1x200x128xi32, #tpu.memory_space<hbm>>
      %dma_wait3A_1521 = tpu.memref_squeeze %dma_wait3A_1520 : memref<1x200x128xi32, #tpu.memory_space<hbm>> -> memref<200x128xi32, #tpu.memory_space<hbm>>
      %dma_wait3A_1522 = arith.constant 0 : i32
      %dma_wait3A_1523 = arith.constant 0 : i32
      %dma_wait3A_1524 = tpu.memref_slice %arg2[%add3A, %dma_wait3A_1522, %dma_wait3A_1523] : memref<32x200x128xi32, #tpu.memory_space<hbm>> -> memref<1x200x128xi32, #tpu.memory_space<hbm>>
      %dma_wait3A_1525 = tpu.memref_squeeze %dma_wait3A_1524 : memref<1x200x128xi32, #tpu.memory_space<hbm>> -> memref<200x128xi32, #tpu.memory_space<hbm>>
      tpu.wait_dma2 semaphore(%run_scoped3A : memref<!tpu.dma_semaphore, #tpu.memory_space<semaphore_mem>>) src(%dma_wait3A_1525 : memref<200x128xi32, #tpu.memory_space<hbm>>) dst(%arg5 : memref<200x128xi32, #tpu.memory_space<vmem>>)
      tpu.yield
    }) : () -> ()
    %iota3A = tpu.iota {dimensions = array<i32: 0>} : vector<16xi32>
    %add3A_1 = arith.constant 0 : i32
    %add3A_2 = vector.broadcast %add3A_1 : i32 to vector<16xi32>
    %add3A_3 = arith.addi %iota3A, %add3A_2 : vector<16xi32>
    %add3A_4 = arith.constant 16 : i32
    %add3A_5 = vector.broadcast %add3A_4 : i32 to vector<16xi32>
    %add3A_6 = arith.addi %iota3A, %add3A_5 : vector<16xi32>
    %add3A_7 = arith.constant 32 : i32
    %add3A_8 = vector.broadcast %add3A_7 : i32 to vector<16xi32>
    %add3A_9 = arith.addi %iota3A, %add3A_8 : vector<16xi32>
    %add3A_10 = arith.constant 48 : i32
    %add3A_11 = vector.broadcast %add3A_10 : i32 to vector<16xi32>
    %add3A_12 = arith.addi %iota3A, %add3A_11 : vector<16xi32>
    %dma_start3A = arith.constant 0 : i32
    %dma_start3A_13 = arith.constant 0 : i32
    %dma_start3A_14 = arith.constant 0 : i32
    %dma_start3A_15 = arith.constant 0 : i32
    %dma_start3A_16 = tpu.memref_slice %arg6[%dma_start3A_13, %dma_start3A_14, %dma_start3A_15] : memref<4x128x64xf32, #tpu.memory_space<vmem>> -> memref<1x128x64xf32, #tpu.memory_space<vmem>>
    %dma_start3A_17 = tpu.memref_squeeze %dma_start3A_16 : memref<1x128x64xf32, #tpu.memory_space<vmem>> -> memref<128x64xf32, #tpu.memory_space<vmem>>
    %dma_start3A_18 = arith.constant 0 : i32
    %dma_start3A_19 = tpu.memref_slice %arg5[%dma_start3A, %dma_start3A_18] : memref<200x128xi32, #tpu.memory_space<vmem>> -> memref<1x128xi32, #tpu.memory_space<vmem>>
    %dma_start3A_20 = tpu.memref_squeeze %dma_start3A_19 : memref<1x128xi32, #tpu.memory_space<vmem>> -> memref<128xi32, #tpu.memory_space<vmem>>
    %dma_start3A_21 = arith.constant 0 : i32
    %dma_start3A_22 = arith.constant 0 : i32
    %dma_start3A_23 = tpu.memref_slice %arg3[%dma_start3A_21, %dma_start3A_22] : memref<1000000x64xf32, #tpu.memory_space<hbm>> -> memref<1000000x64xf32, #tpu.memory_space<hbm>>
    tpu.enqueue_indirect_dma source(%dma_start3A_23 : memref<1000000x64xf32, #tpu.memory_space<hbm>>) target(%dma_start3A_17 : memref<128x64xf32, #tpu.memory_space<vmem>>) offsets(%dma_start3A_20 : memref<128xi32, #tpu.memory_space<vmem>>) semaphore(%arg8 : memref<!tpu.dma_semaphore, #tpu.memory_space<semaphore_mem>>)
    %dma_start3A_24 = arith.constant 1 : i32
    %dma_start3A_25 = arith.constant 1 : i32
    %dma_start3A_26 = arith.constant 0 : i32
    %dma_start3A_27 = arith.constant 0 : i32
    %dma_start3A_28 = tpu.memref_slice %arg6[%dma_start3A_25, %dma_start3A_26, %dma_start3A_27] : memref<4x128x64xf32, #tpu.memory_space<vmem>> -> memref<1x128x64xf32, #tpu.memory_space<vmem>>
    %dma_start3A_29 = tpu.memref_squeeze %dma_start3A_28 : memref<1x128x64xf32, #tpu.memory_space<vmem>> -> memref<128x64xf32, #tpu.memory_space<vmem>>
    %dma_start3A_30 = arith.constant 0 : i32
    %dma_start3A_31 = tpu.memref_slice %arg5[%dma_start3A_24, %dma_start3A_30] : memref<200x128xi32, #tpu.memory_space<vmem>> -> memref<1x128xi32, #tpu.memory_space<vmem>>
    %dma_start3A_32 = tpu.memref_squeeze %dma_start3A_31 : memref<1x128xi32, #tpu.memory_space<vmem>> -> memref<128xi32, #tpu.memory_space<vmem>>
    %dma_start3A_33 = arith.constant 0 : i32
    %dma_start3A_34 = arith.constant 0 : i32
    %dma_start3A_35 = tpu.memref_slice %arg3[%dma_start3A_33, %dma_start3A_34] : memref<1000000x64xf32, #tpu.memory_space<hbm>> -> memref<1000000x64xf32, #tpu.memory_space<hbm>>
    tpu.enqueue_indirect_dma source(%dma_start3A_35 : memref<1000000x64xf32, #tpu.memory_space<hbm>>) target(%dma_start3A_29 : memref<128x64xf32, #tpu.memory_space<vmem>>) offsets(%dma_start3A_32 : memref<128xi32, #tpu.memory_space<vmem>>) semaphore(%arg9 : memref<!tpu.dma_semaphore, #tpu.memory_space<semaphore_mem>>)
    %dma_start3A_36 = arith.constant 2 : i32
    %dma_start3A_37 = arith.constant 2 : i32
    %dma_start3A_38 = arith.constant 0 : i32
    %dma_start3A_39 = arith.constant 0 : i32
    %dma_start3A_40 = tpu.memref_slice %arg6[%dma_start3A_37, %dma_start3A_38, %dma_start3A_39] : memref<4x128x64xf32, #tpu.memory_space<vmem>> -> memref<1x128x64xf32, #tpu.memory_space<vmem>>
    %dma_start3A_41 = tpu.memref_squeeze %dma_start3A_40 : memref<1x128x64xf32, #tpu.memory_space<vmem>> -> memref<128x64xf32, #tpu.memory_space<vmem>>
    %dma_start3A_42 = arith.constant 0 : i32
    %dma_start3A_43 = tpu.memref_slice %arg5[%dma_start3A_36, %dma_start3A_42] : memref<200x128xi32, #tpu.memory_space<vmem>> -> memref<1x128xi32, #tpu.memory_space<vmem>>
    %dma_start3A_44 = tpu.memref_squeeze %dma_start3A_43 : memref<1x128xi32, #tpu.memory_space<vmem>> -> memref<128xi32, #tpu.memory_space<vmem>>
    %dma_start3A_45 = arith.constant 0 : i32
    %dma_start3A_46 = arith.constant 0 : i32
    %dma_start3A_47 = tpu.memref_slice %arg3[%dma_start3A_45, %dma_start3A_46] : memref<1000000x64xf32, #tpu.memory_space<hbm>> -> memref<1000000x64xf32, #tpu.memory_space<hbm>>
    tpu.enqueue_indirect_dma source(%dma_start3A_47 : memref<1000000x64xf32, #tpu.memory_space<hbm>>) target(%dma_start3A_41 : memref<128x64xf32, #tpu.memory_space<vmem>>) offsets(%dma_start3A_44 : memref<128xi32, #tpu.memory_space<vmem>>) semaphore(%arg10 : memref<!tpu.dma_semaphore, #tpu.memory_space<semaphore_mem>>)
    %dma_start3A_48 = arith.constant 3 : i32
    %dma_start3A_49 = arith.constant 3 : i32
    %dma_start3A_50 = arith.constant 0 : i32
    %dma_start3A_51 = arith.constant 0 : i32
    %dma_start3A_52 = tpu.memref_slice %arg6[%dma_start3A_49, %dma_start3A_50, %dma_start3A_51] : memref<4x128x64xf32, #tpu.memory_space<vmem>> -> memref<1x128x64xf32, #tpu.memory_space<vmem>>
    %dma_start3A_53 = tpu.memref_squeeze %dma_start3A_52 : memref<1x128x64xf32, #tpu.memory_space<vmem>> -> memref<128x64xf32, #tpu.memory_space<vmem>>
    %dma_start3A_54 = arith.constant 0 : i32
    %dma_start3A_55 = tpu.memref_slice %arg5[%dma_start3A_48, %dma_start3A_54] : memref<200x128xi32, #tpu.memory_space<vmem>> -> memref<1x128xi32, #tpu.memory_space<vmem>>
    %dma_start3A_56 = tpu.memref_squeeze %dma_start3A_55 : memref<1x128xi32, #tpu.memory_space<vmem>> -> memref<128xi32, #tpu.memory_space<vmem>>
    %dma_start3A_57 = arith.constant 0 : i32
    %dma_start3A_58 = arith.constant 0 : i32
    %dma_start3A_59 = tpu.memref_slice %arg3[%dma_start3A_57, %dma_start3A_58] : memref<1000000x64xf32, #tpu.memory_space<hbm>> -> memref<1000000x64xf32, #tpu.memory_space<hbm>>
    tpu.enqueue_indirect_dma source(%dma_start3A_59 : memref<1000000x64xf32, #tpu.memory_space<hbm>>) target(%dma_start3A_53 : memref<128x64xf32, #tpu.memory_space<vmem>>) offsets(%dma_start3A_56 : memref<128xi32, #tpu.memory_space<vmem>>) semaphore(%arg11 : memref<!tpu.dma_semaphore, #tpu.memory_space<semaphore_mem>>)
    %dma_wait3A = arith.constant 0 : i32
    %dma_wait3A_60 = arith.constant 0 : i32
    %dma_wait3A_61 = arith.constant 0 : i32
    %dma_wait3A_62 = arith.constant 0 : i32
    %dma_wait3A_63 = tpu.memref_slice %arg6[%dma_wait3A_60, %dma_wait3A_61, %dma_wait3A_62] : memref<4x128x64xf32, #tpu.memory_space<vmem>> -> memref<1x128x64xf32, #tpu.memory_space<vmem>>
    %dma_wait3A_64 = tpu.memref_squeeze %dma_wait3A_63 : memref<1x128x64xf32, #tpu.memory_space<vmem>> -> memref<128x64xf32, #tpu.memory_space<vmem>>
    %dma_wait3A_65 = arith.constant 0 : i32
    %dma_wait3A_66 = tpu.memref_slice %arg5[%dma_wait3A, %dma_wait3A_65] : memref<200x128xi32, #tpu.memory_space<vmem>> -> memref<1x128xi32, #tpu.memory_space<vmem>>
    %dma_wait3A_67 = tpu.memref_squeeze %dma_wait3A_66 : memref<1x128xi32, #tpu.memory_space<vmem>> -> memref<128xi32, #tpu.memory_space<vmem>>
    %dma_wait3A_68 = arith.constant 0 : i32
    %dma_wait3A_69 = arith.constant 0 : i32
    %dma_wait3A_70 = tpu.memref_slice %arg3[%dma_wait3A_68, %dma_wait3A_69] : memref<1000000x64xf32, #tpu.memory_space<hbm>> -> memref<1000000x64xf32, #tpu.memory_space<hbm>>
    tpu.wait_indirect_dma semaphore(%arg8 : memref<!tpu.dma_semaphore, #tpu.memory_space<semaphore_mem>>) src(%dma_wait3A_70 : memref<1000000x64xf32, #tpu.memory_space<hbm>>) dst(%dma_wait3A_64 : memref<128x64xf32, #tpu.memory_space<vmem>>)
    %get3A = arith.constant 0 : i32
    %get3A_71 = arith.constant 0 : i32
    %get3A_72 = arith.index_cast %get3A : i32 to index
    %get3A_73 = arith.index_cast %get3A_71 : i32 to index
    %get3A_74 = arith.constant 0 : index
    %get3A_75 = tpu.vector_load %arg7[%get3A_72, %get3A_73, %get3A_74] {strides = array<i32>} : memref<4x64x128xf32, #tpu.memory_space<vmem>>, vector<16xf32>,
    %swap3A = arith.constant 0 : i32
    %swap3A_76 = arith.constant 0 : i32
    %swap3A_77 = arith.index_cast %swap3A : i32 to index
    %swap3A_78 = arith.index_cast %swap3A_76 : i32 to index
    %swap3A_79 = arith.constant 0 : index
    %swap3A_80 = tpu.vector_load %arg7[%swap3A_77, %swap3A_78, %swap3A_79] {strides = array<i32>} : memref<4x64x128xf32, #tpu.memory_space<vmem>>, vector<16xf32>,
    tpu.vector_store %arg7[%swap3A_77, %swap3A_78, %swap3A_79], %get3A_75 {strides = array<i32>} : memref<4x64x128xf32, #tpu.memory_space<vmem>>, vector<16xf32>,
    %add3A_81 = arith.constant 0 : i32
    %add3A_82 = arith.addi %add3A_81, %add3A : i32
    %mul3A_83 = arith.constant 8 : i32
    %mul3A_84 = arith.muli %add3A_82, %mul3A_83 : i32
    %dma_start3A_85 = arith.constant 0 : i32
    %dma_start3A_86 = arith.constant 0 : i32
    %dma_start3A_87 = arith.constant 0 : i32
    %dma_start3A_88 = tpu.memref_slice %arg7[%dma_start3A_85, %dma_start3A_86, %dma_start3A_87] : memref<4x64x128xf32, #tpu.memory_space<vmem>> -> memref<1x8x128xf32, #tpu.memory_space<vmem>>
    %dma_start3A_89 = tpu.memref_squeeze %dma_start3A_88 : memref<1x8x128xf32, #tpu.memory_space<vmem>> -> memref<8x128xf32, #tpu.memory_space<vmem>>
    %dma_start3A_90 = arith.constant 0 : i32
    %dma_start3A_91 = tpu.memref_slice %arg4[%mul3A_84, %dma_start3A_90] : memref<409600x128xf32, #tpu.memory_space<hbm>> -> memref<8x128xf32, #tpu.memory_space<hbm>>
    %dma_start3A_92 = arith.constant 0 : i32
    %dma_start3A_93 = tpu.memref_slice %arg4[%mul3A_84, %dma_start3A_92] : memref<409600x128xf32, #tpu.memory_space<hbm>> -> memref<8x128xf32, #tpu.memory_space<hbm>>
    %dma_start3A_94 = arith.constant 0 : i32
    %dma_start3A_95 = arith.constant 0 : i32
    %dma_start3A_96 = tpu.memref_slice %arg7[%dma_start3A_85, %dma_start3A_94, %dma_start3A_95] : memref<4x64x128xf32, #tpu.memory_space<vmem>> -> memref<1x8x128xf32, #tpu.memory_space<vmem>>
    %dma_start3A_97 = tpu.memref_squeeze %dma_start3A_96 : memref<1x8x128xf32, #tpu.memory_space<vmem>> -> memref<8x128xf32, #tpu.memory_space<vmem>>
    tpu.enqueue_dma source(%dma_start3A_97 : memref<8x128xf32, #tpu.memory_space<vmem>>) target(%dma_start3A_93 : memref<8x128xf32, #tpu.memory_space<hbm>>) target_semaphore(%arg12 : memref<!tpu.dma_semaphore, #tpu.memory_space<semaphore_mem>>)
    %add3A_98 = arith.constant 32 : i32
    %add3A_99 = arith.addi %add3A_98, %add3A : i32
    %mul3A_100 = arith.constant 8 : i32
    %mul3A_101 = arith.muli %add3A_99, %mul3A_100 : i32
    %dma_start3A_102 = arith.constant 0 : i32
    %dma_start3A_103 = arith.constant 8 : i32
    %dma_start3A_104 = arith.constant 0 : i32
    %dma_start3A_105 = tpu.memref_slice %arg7[%dma_start3A_102, %dma_start3A_103, %dma_start3A_104] : memref<4x64x128xf32, #tpu.memory_space<vmem>> -> memref<1x8x128xf32, #tpu.memory_space<vmem>>
    %dma_start3A_106 = tpu.memref_squeeze %dma_start3A_105 : memref<1x8x128xf32, #tpu.memory_space<vmem>> -> memref<8x128xf32, #tpu.memory_space<vmem>>
    %dma_start3A_107 = arith.constant 0 : i32
    %dma_start3A_108 = tpu.memref_slice %arg4[%mul3A_101, %dma_start3A_107] : memref<409600x128xf32, #tpu.memory_space<hbm>> -> memref<8x128xf32, #tpu.memory_space<hbm>>
    %dma_start3A_109 = arith.constant 0 : i32
    %dma_start3A_110 = tpu.memref_slice %arg4[%mul3A_101, %dma_start3A_109] : memref<409600x128xf32, #tpu.memory_space<hbm>> -> memref<8x128xf32, #tpu.memory_space<hbm>>
    %dma_start3A_111 = arith.constant 8 : i32
    %dma_start3A_112 = arith.constant 0 : i32
    %dma_start3A_113 = tpu.memref_slice %arg7[%dma_start3A_102, %dma_start3A_111, %dma_start3A_112] : memref<4x64x128xf32, #tpu.memory_space<vmem>> -> memref<1x8x128xf32, #tpu.memory_space<vmem>>
    %dma_start3A_114 = tpu.memref_squeeze %dma_start3A_113 : memref<1x8x128xf32, #tpu.memory_space<vmem>> -> memref<8x128xf32, #tpu.memory_space<vmem>>
    tpu.enqueue_dma source(%dma_start3A_114 : memref<8x128xf32, #tpu.memory_space<vmem>>) target(%dma_start3A_110 : memref<8x128xf32, #tpu.memory_space<hbm>>) target_semaphore(%arg12 : memref<!tpu.dma_semaphore, #tpu.memory_space<semaphore_mem>>)
    %add3A_115 = arith.constant 64 : i32
    %add3A_116 = arith.addi %add3A_115, %add3A : i32
    %mul3A_117 = arith.constant 8 : i32
    %mul3A_118 = arith.muli %add3A_116, %mul3A_117 : i32
    %dma_start3A_119 = arith.constant 0 : i32
    %dma_start3A_120 = arith.constant 16 : i32
    %dma_start3A_121 = arith.constant 0 : i32
    %dma_start3A_122 = tpu.memref_slice %arg7[%dma_start3A_119, %dma_start3A_120, %dma_start3A_121] : memref<4x64x128xf32, #tpu.memory_space<vmem>> -> memref<1x8x128xf32, #tpu.memory_space<vmem>>
    %dma_start3A_123 = tpu.memref_squeeze %dma_start3A_122 : memref<1x8x128xf32, #tpu.memory_space<vmem>> -> memref<8x128xf32, #tpu.memory_space<vmem>>
    %dma_start3A_124 = arith.constant 0 : i32
    %dma_start3A_125 = tpu.memref_slice %arg4[%mul3A_118, %dma_start3A_124] : memref<409600x128xf32, #tpu.memory_space<hbm>> -> memref<8x128xf32, #tpu.memory_space<hbm>>
    %dma_start3A_126 = arith.constant 0 : i32
    %dma_start3A_127 = tpu.memref_slice %arg4[%mul3A_118, %dma_start3A_126] : memref<409600x128xf32, #tpu.memory_space<hbm>> -> memref<8x128xf32, #tpu.memory_space<hbm>>
    %dma_start3A_128 = arith.constant 16 : i32
    %dma_start3A_129 = arith.constant 0 : i32
    %dma_start3A_130 = tpu.memref_slice %arg7[%dma_start3A_119, %dma_start3A_128, %dma_start3A_129] : memref<4x64x128xf32, #tpu.memory_space<vmem>> -> memref<1x8x128xf32, #tpu.memory_space<vmem>>
    %dma_start3A_131 = tpu.memref_squeeze %dma_start3A_130 : memref<1x8x128xf32, #tpu.memory_space<vmem>> -> memref<8x128xf32, #tpu.memory_space<vmem>>
    tpu.enqueue_dma source(%dma_start3A_131 : memref<8x128xf32, #tpu.memory_space<vmem>>) target(%dma_start3A_127 : memref<8x128xf32, #tpu.memory_space<hbm>>) target_semaphore(%arg12 : memref<!tpu.dma_semaphore, #tpu.memory_space<semaphore_mem>>)
    %add3A_132 = arith.constant 96 : i32
    %add3A_133 = arith.addi %add3A_132, %add3A : i32
    %mul3A_134 = arith.constant 8 : i32
    %mul3A_135 = arith.muli %add3A_133, %mul3A_134 : i32
    %dma_start3A_136 = arith.constant 0 : i32
    %dma_start3A_137 = arith.constant 24 : i32
    %dma_start3A_138 = arith.constant 0 : i32
    %dma_start3A_139 = tpu.memref_slice %arg7[%dma_start3A_136, %dma_start3A_137, %dma_start3A_138] : memref<4x64x128xf32, #tpu.memory_space<vmem>> -> memref<1x8x128xf32, #tpu.memory_space<vmem>>
    %dma_start3A_140 = tpu.memref_squeeze %dma_start3A_139 : memref<1x8x128xf32, #tpu.memory_space<vmem>> -> memref<8x128xf32, #tpu.memory_space<vmem>>
    %dma_start3A_141 = arith.constant 0 : i32
    %dma_start3A_142 = tpu.memref_slice %arg4[%mul3A_135, %dma_start3A_141] : memref<409600x128xf32, #tpu.memory_space<hbm>> -> memref<8x128xf32, #tpu.memory_space<hbm>>
    %dma_start3A_143 = arith.constant 0 : i32
    %dma_start3A_144 = tpu.memref_slice %arg4[%mul3A_135, %dma_start3A_143] : memref<409600x128xf32, #tpu.memory_space<hbm>> -> memref<8x128xf32, #tpu.memory_space<hbm>>
    %dma_start3A_145 = arith.constant 24 : i32
    %dma_start3A_146 = arith.constant 0 : i32
    %dma_start3A_147 = tpu.memref_slice %arg7[%dma_start3A_136, %dma_start3A_145, %dma_start3A_146] : memref<4x64x128xf32, #tpu.memory_space<vmem>> -> memref<1x8x128xf32, #tpu.memory_space<vmem>>
    %dma_start3A_148 = tpu.memref_squeeze %dma_start3A_147 : memref<1x8x128xf32, #tpu.memory_space<vmem>> -> memref<8x128xf32, #tpu.memory_space<vmem>>
    tpu.enqueue_dma source(%dma_start3A_148 : memref<8x128xf32, #tpu.memory_space<vmem>>) target(%dma_start3A_144 : memref<8x128xf32, #tpu.memory_space<hbm>>) target_semaphore(%arg12 : memref<!tpu.dma_semaphore, #tpu.memory_space<semaphore_mem>>)
    %add3A_149 = arith.constant 128 : i32
    %add3A_150 = arith.addi %add3A_149, %add3A : i32
    %mul3A_151 = arith.constant 8 : i32
    %mul3A_152 = arith.muli %add3A_150, %mul3A_151 : i32
    %dma_start3A_153 = arith.constant 0 : i32
    %dma_start3A_154 = arith.constant 32 : i32
    %dma_start3A_155 = arith.constant 0 : i32
    %dma_start3A_156 = tpu.memref_slice %arg7[%dma_start3A_153, %dma_start3A_154, %dma_start3A_155] : memref<4x64x128xf32, #tpu.memory_space<vmem>> -> memref<1x8x128xf32, #tpu.memory_space<vmem>>
    %dma_start3A_157 = tpu.memref_squeeze %dma_start3A_156 : memref<1x8x128xf32, #tpu.memory_space<vmem>> -> memref<8x128xf32, #tpu.memory_space<vmem>>
    %dma_start3A_158 = arith.constant 0 : i32
    %dma_start3A_159 = tpu.memref_slice %arg4[%mul3A_152, %dma_start3A_158] : memref<409600x128xf32, #tpu.memory_space<hbm>> -> memref<8x128xf32, #tpu.memory_space<hbm>>
    %dma_start3A_160 = arith.constant 0 : i32
    %dma_start3A_161 = tpu.memref_slice %arg4[%mul3A_152, %dma_start3A_160] : memref<409600x128xf32, #tpu.memory_space<hbm>> -> memref<8x128xf32, #tpu.memory_space<hbm>>
    %dma_start3A_162 = arith.constant 32 : i32
    %dma_start3A_163 = arith.constant 0 : i32
    %dma_start3A_164 = tpu.memref_slice %arg7[%dma_start3A_153, %dma_start3A_162, %dma_start3A_163] : memref<4x64x128xf32, #tpu.memory_space<vmem>> -> memref<1x8x128xf32, #tpu.memory_space<vmem>>
    %dma_start3A_165 = tpu.memref_squeeze %dma_start3A_164 : memref<1x8x128xf32, #tpu.memory_space<vmem>> -> memref<8x128xf32, #tpu.memory_space<vmem>>
    tpu.enqueue_dma source(%dma_start3A_165 : memref<8x128xf32, #tpu.memory_space<vmem>>) target(%dma_start3A_161 : memref<8x128xf32, #tpu.memory_space<hbm>>) target_semaphore(%arg12 : memref<!tpu.dma_semaphore, #tpu.memory_space<semaphore_mem>>)
    %add3A_166 = arith.constant 160 : i32
    %add3A_167 = arith.addi %add3A_166, %add3A : i32
    %mul3A_168 = arith.constant 8 : i32
    %mul3A_169 = arith.muli %add3A_167, %mul3A_168 : i32
    %dma_start3A_170 = arith.constant 0 : i32
    %dma_start3A_171 = arith.constant 40 : i32
    %dma_start3A_172 = arith.constant 0 : i32
    %dma_start3A_173 = tpu.memref_slice %arg7[%dma_start3A_170, %dma_start3A_171, %dma_start3A_172] : memref<4x64x128xf32, #tpu.memory_space<vmem>> -> memref<1x8x128xf32, #tpu.memory_space<vmem>>
    %dma_start3A_174 = tpu.memref_squeeze %dma_start3A_173 : memref<1x8x128xf32, #tpu.memory_space<vmem>> -> memref<8x128xf32, #tpu.memory_space<vmem>>
    %dma_start3A_175 = arith.constant 0 : i32
    %dma_start3A_176 = tpu.memref_slice %arg4[%mul3A_169, %dma_start3A_175] : memref<409600x128xf32, #tpu.memory_space<hbm>> -> memref<8x128xf32, #tpu.memory_space<hbm>>
    %dma_start3A_177 = arith.constant 0 : i32
    %dma_start3A_178 = tpu.memref_slice %arg4[%mul3A_169, %dma_start3A_177] : memref<409600x128xf32, #tpu.memory_space<hbm>> -> memref<8x128xf32, #tpu.memory_space<hbm>>
    %dma_start3A_179 = arith.constant 40 : i32
    %dma_start3A_180 = arith.constant 0 : i32
    %dma_start3A_181 = tpu.memref_slice %arg7[%dma_start3A_170, %dma_start3A_179, %dma_start3A_180] : memref<4x64x128xf32, #tpu.memory_space<vmem>> -> memref<1x8x128xf32, #tpu.memory_space<vmem>>
    %dma_start3A_182 = tpu.memref_squeeze %dma_start3A_181 : memref<1x8x128xf32, #tpu.memory_space<vmem>> -> memref<8x128xf32, #tpu.memory_space<vmem>>
    tpu.enqueue_dma source(%dma_start3A_182 : memref<8x128xf32, #tpu.memory_space<vmem>>) target(%dma_start3A_178 : memref<8x128xf32, #tpu.memory_space<hbm>>) target_semaphore(%arg12 : memref<!tpu.dma_semaphore, #tpu.memory_space<semaphore_mem>>)
    %add3A_183 = arith.constant 192 : i32
    %add3A_184 = arith.addi %add3A_183, %add3A : i32
    %mul3A_185 = arith.constant 8 : i32
    %mul3A_186 = arith.muli %add3A_184, %mul3A_185 : i32
    %dma_start3A_187 = arith.constant 0 : i32
    %dma_start3A_188 = arith.constant 48 : i32
    %dma_start3A_189 = arith.constant 0 : i32
    %dma_start3A_190 = tpu.memref_slice %arg7[%dma_start3A_187, %dma_start3A_188, %dma_start3A_189] : memref<4x64x128xf32, #tpu.memory_space<vmem>> -> memref<1x8x128xf32, #tpu.memory_space<vmem>>
    %dma_start3A_191 = tpu.memref_squeeze %dma_start3A_190 : memref<1x8x128xf32, #tpu.memory_space<vmem>> -> memref<8x128xf32, #tpu.memory_space<vmem>>
    %dma_start3A_192 = arith.constant 0 : i32
    %dma_start3A_193 = tpu.memref_slice %arg4[%mul3A_186, %dma_start3A_192] : memref<409600x128xf32, #tpu.memory_space<hbm>> -> memref<8x128xf32, #tpu.memory_space<hbm>>
    %dma_start3A_194 = arith.constant 0 : i32
    %dma_start3A_195 = tpu.memref_slice %arg4[%mul3A_186, %dma_start3A_194] : memref<409600x128xf32, #tpu.memory_space<hbm>> -> memref<8x128xf32, #tpu.memory_space<hbm>>
    %dma_start3A_196 = arith.constant 48 : i32
    %dma_start3A_197 = arith.constant 0 : i32
    %dma_start3A_198 = tpu.memref_slice %arg7[%dma_start3A_187, %dma_start3A_196, %dma_start3A_197] : memref<4x64x128xf32, #tpu.memory_space<vmem>> -> memref<1x8x128xf32, #tpu.memory_space<vmem>>
    %dma_start3A_199 = tpu.memref_squeeze %dma_start3A_198 : memref<1x8x128xf32, #tpu.memory_space<vmem>> -> memref<8x128xf32, #tpu.memory_space<vmem>>
    tpu.enqueue_dma source(%dma_start3A_199 : memref<8x128xf32, #tpu.memory_space<vmem>>) target(%dma_start3A_195 : memref<8x128xf32, #tpu.memory_space<hbm>>) target_semaphore(%arg12 : memref<!tpu.dma_semaphore, #tpu.memory_space<semaphore_mem>>)
    %add3A_200 = arith.constant 224 : i32
    %add3A_201 = arith.addi %add3A_200, %add3A : i32
    %mul3A_202 = arith.constant 8 : i32
    %mul3A_203 = arith.muli %add3A_201, %mul3A_202 : i32
    %dma_start3A_204 = arith.constant 0 : i32
    %dma_start3A_205 = arith.constant 56 : i32
    %dma_start3A_206 = arith.constant 0 : i32
    %dma_start3A_207 = tpu.memref_slice %arg7[%dma_start3A_204, %dma_start3A_205, %dma_start3A_206] : memref<4x64x128xf32, #tpu.memory_space<vmem>> -> memref<1x8x128xf32, #tpu.memory_space<vmem>>
    %dma_start3A_208 = tpu.memref_squeeze %dma_start3A_207 : memref<1x8x128xf32, #tpu.memory_space<vmem>> -> memref<8x128xf32, #tpu.memory_space<vmem>>
    %dma_start3A_209 = arith.constant 0 : i32
    %dma_start3A_210 = tpu.memref_slice %arg4[%mul3A_203, %dma_start3A_209] : memref<409600x128xf32, #tpu.memory_space<hbm>> -> memref<8x128xf32, #tpu.memory_space<hbm>>
    %dma_start3A_211 = arith.constant 0 : i32
    %dma_start3A_212 = tpu.memref_slice %arg4[%mul3A_203, %dma_start3A_211] : memref<409600x128xf32, #tpu.memory_space<hbm>> -> memref<8x128xf32, #tpu.memory_space<hbm>>
    %dma_start3A_213 = arith.constant 56 : i32
    %dma_start3A_214 = arith.constant 0 : i32
    %dma_start3A_215 = tpu.memref_slice %arg7[%dma_start3A_204, %dma_start3A_213, %dma_start3A_214] : memref<4x64x128xf32, #tpu.memory_space<vmem>> -> memref<1x8x128xf32, #tpu.memory_space<vmem>>
    %dma_start3A_216 = tpu.memref_squeeze %dma_start3A_215 : memref<1x8x128xf32, #tpu.memory_space<vmem>> -> memref<8x128xf32, #tpu.memory_space<vmem>>
    tpu.enqueue_dma source(%dma_start3A_216 : memref<8x128xf32, #tpu.memory_space<vmem>>) target(%dma_start3A_212 : memref<8x128xf32, #tpu.memory_space<hbm>>) target_semaphore(%arg12 : memref<!tpu.dma_semaphore, #tpu.memory_space<semaphore_mem>>)
    %dma_start3A_217 = arith.constant 4 : i32
    %dma_start3A_218 = arith.constant 0 : i32
    %dma_start3A_219 = arith.constant 0 : i32
    %dma_start3A_220 = arith.constant 0 : i32
    %dma_start3A_221 = tpu.memref_slice %arg6[%dma_start3A_218, %dma_start3A_219, %dma_start3A_220] : memref<4x128x64xf32, #tpu.memory_space<vmem>> -> memref<1x128x64xf32, #tpu.memory_space<vmem>>
    %dma_start3A_222 = tpu.memref_squeeze %dma_start3A_221 : memref<1x128x64xf32, #tpu.memory_space<vmem>> -> memref<128x64xf32, #tpu.memory_space<vmem>>
    %dma_start3A_223 = arith.constant 0 : i32
    %dma_start3A_224 = tpu.memref_slice %arg5[%dma_start3A_217, %dma_start3A_223] : memref<200x128xi32, #tpu.memory_space<vmem>> -> memref<1x128xi32, #tpu.memory_space<vmem>>
    %dma_start3A_225 = tpu.memref_squeeze %dma_start3A_224 : memref<1x128xi32, #tpu.memory_space<vmem>> -> memref<128xi32, #tpu.memory_space<vmem>>
    %dma_start3A_226 = arith.constant 0 : i32
    %dma_start3A_227 = arith.constant 0 : i32
    %dma_start3A_228 = tpu.memref_slice %arg3[%dma_start3A_226, %dma_start3A_227] : memref<1000000x64xf32, #tpu.memory_space<hbm>> -> memref<1000000x64xf32, #tpu.memory_space<hbm>>
    tpu.enqueue_indirect_dma source(%dma_start3A_228 : memref<1000000x64xf32, #tpu.memory_space<hbm>>) target(%dma_start3A_222 : memref<128x64xf32, #tpu.memory_space<vmem>>) offsets(%dma_start3A_225 : memref<128xi32, #tpu.memory_space<vmem>>) semaphore(%arg8 : memref<!tpu.dma_semaphore, #tpu.memory_space<semaphore_mem>>)
    %dma_wait3A_229 = arith.constant 0 : i32
    %dma_wait3A_230 = arith.constant 1 : i32
    %dma_wait3A_231 = arith.constant 0 : i32
    %dma_wait3A_232 = arith.constant 0 : i32
    %dma_wait3A_233 = tpu.memref_slice %arg6[%dma_wait3A_230, %dma_wait3A_231, %dma_wait3A_232] : memref<4x128x64xf32, #tpu.memory_space<vmem>> -> memref<1x128x64xf32, #tpu.memory_space<vmem>>
    %dma_wait3A_234 = tpu.memref_squeeze %dma_wait3A_233 : memref<1x128x64xf32, #tpu.memory_space<vmem>> -> memref<128x64xf32, #tpu.memory_space<vmem>>
    %dma_wait3A_235 = arith.constant 0 : i32
    %dma_wait3A_236 = tpu.memref_slice %arg5[%dma_wait3A_229, %dma_wait3A_235] : memref<200x128xi32, #tpu.memory_space<vmem>> -> memref<1x128xi32, #tpu.memory_space<vmem>>
    %dma_wait3A_237 = tpu.memref_squeeze %dma_wait3A_236 : memref<1x128xi32, #tpu.memory_space<vmem>> -> memref<128xi32, #tpu.memory_space<vmem>>
    %dma_wait3A_238 = arith.constant 0 : i32
    %dma_wait3A_239 = arith.constant 0 : i32
    %dma_wait3A_240 = tpu.memref_slice %arg3[%dma_wait3A_238, %dma_wait3A_239] : memref<1000000x64xf32, #tpu.memory_space<hbm>> -> memref<1000000x64xf32, #tpu.memory_space<hbm>>
    tpu.wait_indirect_dma semaphore(%arg9 : memref<!tpu.dma_semaphore, #tpu.memory_space<semaphore_mem>>) src(%dma_wait3A_240 : memref<1000000x64xf32, #tpu.memory_space<hbm>>) dst(%dma_wait3A_234 : memref<128x64xf32, #tpu.memory_space<vmem>>)
    %get3A_241 = arith.constant 1 : i32
    %get3A_242 = arith.constant 0 : i32
    %get3A_243 = arith.index_cast %get3A_241 : i32 to index
    %get3A_244 = arith.index_cast %get3A_242 : i32 to index
    %get3A_245 = arith.constant 0 : index
    %get3A_246 = tpu.vector_load %arg7[%get3A_243, %get3A_244, %get3A_245] {strides = array<i32>} : memref<4x64x128xf32, #tpu.memory_space<vmem>>, vector<16xf32>,
    %swap3A_247 = arith.constant 1 : i32
    %swap3A_248 = arith.constant 0 : i32
    %swap3A_249 = arith.index_cast %swap3A_247 : i32 to index
    %swap3A_250 = arith.index_cast %swap3A_248 : i32 to index
    %swap3A_251 = arith.constant 0 : index
    %swap3A_252 = tpu.vector_load %arg7[%swap3A_249, %swap3A_250, %swap3A_251] {strides = array<i32>} : memref<4x64x128xf32, #tpu.memory_space<vmem>>, vector<16xf32>,
    tpu.vector_store %arg7[%swap3A_249, %swap3A_250, %swap3A_251], %get3A_246 {strides = array<i32>} : memref<4x64x128xf32, #tpu.memory_space<vmem>>, vector<16xf32>,
    %add3A_253 = arith.constant 256 : i32
    %add3A_254 = arith.addi %add3A_253, %add3A : i32
    %mul3A_255 = arith.constant 8 : i32
    %mul3A_256 = arith.muli %add3A_254, %mul3A_255 : i32
    %dma_start3A_257 = arith.constant 1 : i32
    %dma_start3A_258 = arith.constant 0 : i32
    %dma_start3A_259 = arith.constant 0 : i32
    %dma_start3A_260 = tpu.memref_slice %arg7[%dma_start3A_257, %dma_start3A_258, %dma_start3A_259] : memref<4x64x128xf32, #tpu.memory_space<vmem>> -> memref<1x8x128xf32, #tpu.memory_space<vmem>>
    %dma_start3A_261 = tpu.memref_squeeze %dma_start3A_260 : memref<1x8x128xf32, #tpu.memory_space<vmem>> -> memref<8x128xf32, #tpu.memory_space<vmem>>
    %dma_start3A_262 = arith.constant 0 : i32
    %dma_start3A_263 = tpu.memref_slice %arg4[%mul3A_256, %dma_start3A_262] : memref<409600x128xf32, #tpu.memory_space<hbm>> -> memref<8x128xf32, #tpu.memory_space<hbm>>
    %dma_start3A_264 = arith.constant 0 : i32
    %dma_start3A_265 = tpu.memref_slice %arg4[%mul3A_256, %dma_start3A_264] : memref<409600x128xf32, #tpu.memory_space<hbm>> -> memref<8x128xf32, #tpu.memory_space<hbm>>
    %dma_start3A_266 = arith.constant 0 : i32
    %dma_start3A_267 = arith.constant 0 : i32
    %dma_start3A_268 = tpu.memref_slice %arg7[%dma_start3A_257, %dma_start3A_266, %dma_start3A_267] : memref<4x64x128xf32, #tpu.memory_space<vmem>> -> memref<1x8x128xf32, #tpu.memory_space<vmem>>
    %dma_start3A_269 = tpu.memref_squeeze %dma_start3A_268 : memref<1x8x128xf32, #tpu.memory_space<vmem>> -> memref<8x128xf32, #tpu.memory_space<vmem>>
    tpu.enqueue_dma source(%dma_start3A_269 : memref<8x128xf32, #tpu.memory_space<vmem>>) target(%dma_start3A_265 : memref<8x128xf32, #tpu.memory_space<hbm>>) target_semaphore(%arg13 : memref<!tpu.dma_semaphore, #tpu.memory_space<semaphore_mem>>)
    %add3A_270 = arith.constant 288 : i32
    %add3A_271 = arith.addi %add3A_270, %add3A : i32
    %mul3A_272 = arith.constant 8 : i32
    %mul3A_273 = arith.muli %add3A_271, %mul3A_272 : i32
    %dma_start3A_274 = arith.constant 1 : i32
    %dma_start3A_275 = arith.constant 8 : i32
    %dma_start3A_276 = arith.constant 0 : i32
    %dma_start3A_277 = tpu.memref_slice %arg7[%dma_start3A_274, %dma_start3A_275, %dma_start3A_276] : memref<4x64x128xf32, #tpu.memory_space<vmem>> -> memref<1x8x128xf32, #tpu.memory_space<vmem>>
    %dma_start3A_278 = tpu.memref_squeeze %dma_start3A_277 : memref<1x8x128xf32, #tpu.memory_space<vmem>> -> memref<8x128xf32, #tpu.memory_space<vmem>>
    %dma_start3A_279 = arith.constant 0 : i32
    %dma_start3A_280 = tpu.memref_slice %arg4[%mul3A_273, %dma_start3A_279] : memref<409600x128xf32, #tpu.memory_space<hbm>> -> memref<8x128xf32, #tpu.memory_space<hbm>>
    %dma_start3A_281 = arith.constant 0 : i32
    %dma_start3A_282 = tpu.memref_slice %arg4[%mul3A_273, %dma_start3A_281] : memref<409600x128xf32, #tpu.memory_space<hbm>> -> memref<8x128xf32, #tpu.memory_space<hbm>>
    %dma_start3A_283 = arith.constant 8 : i32
    %dma_start3A_284 = arith.constant 0 : i32
    %dma_start3A_285 = tpu.memref_slice %arg7[%dma_start3A_274, %dma_start3A_283, %dma_start3A_284] : memref<4x64x128xf32, #tpu.memory_space<vmem>> -> memref<1x8x128xf32, #tpu.memory_space<vmem>>
    %dma_start3A_286 = tpu.memref_squeeze %dma_start3A_285 : memref<1x8x128xf32, #tpu.memory_space<vmem>> -> memref<8x128xf32, #tpu.memory_space<vmem>>
    tpu.enqueue_dma source(%dma_start3A_286 : memref<8x128xf32, #tpu.memory_space<vmem>>) target(%dma_start3A_282 : memref<8x128xf32, #tpu.memory_space<hbm>>) target_semaphore(%arg13 : memref<!tpu.dma_semaphore, #tpu.memory_space<semaphore_mem>>)
    %add3A_287 = arith.constant 320 : i32
    %add3A_288 = arith.addi %add3A_287, %add3A : i32
    %mul3A_289 = arith.constant 8 : i32
    %mul3A_290 = arith.muli %add3A_288, %mul3A_289 : i32
    %dma_start3A_291 = arith.constant 1 : i32
    %dma_start3A_292 = arith.constant 16 : i32
    %dma_start3A_293 = arith.constant 0 : i32
    %dma_start3A_294 = tpu.memref_slice %arg7[%dma_start3A_291, %dma_start3A_292, %dma_start3A_293] : memref<4x64x128xf32, #tpu.memory_space<vmem>> -> memref<1x8x128xf32, #tpu.memory_space<vmem>>
    %dma_start3A_295 = tpu.memref_squeeze %dma_start3A_294 : memref<1x8x128xf32, #tpu.memory_space<vmem>> -> memref<8x128xf32, #tpu.memory_space<vmem>>
    %dma_start3A_296 = arith.constant 0 : i32
    %dma_start3A_297 = tpu.memref_slice %arg4[%mul3A_290, %dma_start3A_296] : memref<409600x128xf32, #tpu.memory_space<hbm>> -> memref<8x128xf32, #tpu.memory_space<hbm>>
    %dma_start3A_298 = arith.constant 0 : i32
    %dma_start3A_299 = tpu.memref_slice %arg4[%mul3A_290, %dma_start3A_298] : memref<409600x128xf32, #tpu.memory_space<hbm>> -> memref<8x128xf32, #tpu.memory_space<hbm>>
    %dma_start3A_300 = arith.constant 16 : i32
    %dma_start3A_301 = arith.constant 0 : i32
    %dma_start3A_302 = tpu.memref_slice %arg7[%dma_start3A_291, %dma_start3A_300, %dma_start3A_301] : memref<4x64x128xf32, #tpu.memory_space<vmem>> -> memref<1x8x128xf32, #tpu.memory_space<vmem>>
    %dma_start3A_303 = tpu.memref_squeeze %dma_start3A_302 : memref<1x8x128xf32, #tpu.memory_space<vmem>> -> memref<8x128xf32, #tpu.memory_space<vmem>>
    tpu.enqueue_dma source(%dma_start3A_303 : memref<8x128xf32, #tpu.memory_space<vmem>>) target(%dma_start3A_299 : memref<8x128xf32, #tpu.memory_space<hbm>>) target_semaphore(%arg13 : memref<!tpu.dma_semaphore, #tpu.memory_space<semaphore_mem>>)
    %add3A_304 = arith.constant 352 : i32
    %add3A_305 = arith.addi %add3A_304, %add3A : i32
    %mul3A_306 = arith.constant 8 : i32
    %mul3A_307 = arith.muli %add3A_305, %mul3A_306 : i32
    %dma_start3A_308 = arith.constant 1 : i32
    %dma_start3A_309 = arith.constant 24 : i32
    %dma_start3A_310 = arith.constant 0 : i32
    %dma_start3A_311 = tpu.memref_slice %arg7[%dma_start3A_308, %dma_start3A_309, %dma_start3A_310] : memref<4x64x128xf32, #tpu.memory_space<vmem>> -> memref<1x8x128xf32, #tpu.memory_space<vmem>>
    %dma_start3A_312 = tpu.memref_squeeze %dma_start3A_311 : memref<1x8x128xf32, #tpu.memory_space<vmem>> -> memref<8x128xf32, #tpu.memory_space<vmem>>
    %dma_start3A_313 = arith.constant 0 : i32
    %dma_start3A_314 = tpu.memref_slice %arg4[%mul3A_307, %dma_start3A_313] : memref<409600x128xf32, #tpu.memory_space<hbm>> -> memref<8x128xf32, #tpu.memory_space<hbm>>
    %dma_start3A_315 = arith.constant 0 : i32
    %dma_start3A_316 = tpu.memref_slice %arg4[%mul3A_307, %dma_start3A_315] : memref<409600x128xf32, #tpu.memory_space<hbm>> -> memref<8x128xf32, #tpu.memory_space<hbm>>
    %dma_start3A_317 = arith.constant 24 : i32
    %dma_start3A_318 = arith.constant 0 : i32
    %dma_start3A_319 = tpu.memref_slice %arg7[%dma_start3A_308, %dma_start3A_317, %dma_start3A_318] : memref<4x64x128xf32, #tpu.memory_space<vmem>> -> memref<1x8x128xf32, #tpu.memory_space<vmem>>
    %dma_start3A_320 = tpu.memref_squeeze %dma_start3A_319 : memref<1x8x128xf32, #tpu.memory_space<vmem>> -> memref<8x128xf32, #tpu.memory_space<vmem>>
    tpu.enqueue_dma source(%dma_start3A_320 : memref<8x128xf32, #tpu.memory_space<vmem>>) target(%dma_start3A_316 : memref<8x128xf32, #tpu.memory_space<hbm>>) target_semaphore(%arg13 : memref<!tpu.dma_semaphore, #tpu.memory_space<semaphore_mem>>)
    %add3A_321 = arith.constant 384 : i32
    %add3A_322 = arith.addi %add3A_321, %add3A : i32
    %mul3A_323 = arith.constant 8 : i32
    %mul3A_324 = arith.muli %add3A_322, %mul3A_323 : i32
    %dma_start3A_325 = arith.constant 1 : i32
    %dma_start3A_326 = arith.constant 32 : i32
    %dma_start3A_327 = arith.constant 0 : i32
    %dma_start3A_328 = tpu.memref_slice %arg7[%dma_start3A_325, %dma_start3A_326, %dma_start3A_327] : memref<4x64x128xf32, #tpu.memory_space<vmem>> -> memref<1x8x128xf32, #tpu.memory_space<vmem>>
    %dma_start3A_329 = tpu.memref_squeeze %dma_start3A_328 : memref<1x8x128xf32, #tpu.memory_space<vmem>> -> memref<8x128xf32, #tpu.memory_space<vmem>>
    %dma_start3A_330 = arith.constant 0 : i32
    %dma_start3A_331 = tpu.memref_slice %arg4[%mul3A_324, %dma_start3A_330] : memref<409600x128xf32, #tpu.memory_space<hbm>> -> memref<8x128xf32, #tpu.memory_space<hbm>>
    %dma_start3A_332 = arith.constant 0 : i32
    %dma_start3A_333 = tpu.memref_slice %arg4[%mul3A_324, %dma_start3A_332] : memref<409600x128xf32, #tpu.memory_space<hbm>> -> memref<8x128xf32, #tpu.memory_space<hbm>>
    %dma_start3A_334 = arith.constant 32 : i32
    %dma_start3A_335 = arith.constant 0 : i32
    %dma_start3A_336 = tpu.memref_slice %arg7[%dma_start3A_325, %dma_start3A_334, %dma_start3A_335] : memref<4x64x128xf32, #tpu.memory_space<vmem>> -> memref<1x8x128xf32, #tpu.memory_space<vmem>>
    %dma_start3A_337 = tpu.memref_squeeze %dma_start3A_336 : memref<1x8x128xf32, #tpu.memory_space<vmem>> -> memref<8x128xf32, #tpu.memory_space<vmem>>
    tpu.enqueue_dma source(%dma_start3A_337 : memref<8x128xf32, #tpu.memory_space<vmem>>) target(%dma_start3A_333 : memref<8x128xf32, #tpu.memory_space<hbm>>) target_semaphore(%arg13 : memref<!tpu.dma_semaphore, #tpu.memory_space<semaphore_mem>>)
    %add3A_338 = arith.constant 416 : i32
    %add3A_339 = arith.addi %add3A_338, %add3A : i32
    %mul3A_340 = arith.constant 8 : i32
    %mul3A_341 = arith.muli %add3A_339, %mul3A_340 : i32
    %dma_start3A_342 = arith.constant 1 : i32
    %dma_start3A_343 = arith.constant 40 : i32
    %dma_start3A_344 = arith.constant 0 : i32
    %dma_start3A_345 = tpu.memref_slice %arg7[%dma_start3A_342, %dma_start3A_343, %dma_start3A_344] : memref<4x64x128xf32, #tpu.memory_space<vmem>> -> memref<1x8x128xf32, #tpu.memory_space<vmem>>
    %dma_start3A_346 = tpu.memref_squeeze %dma_start3A_345 : memref<1x8x128xf32, #tpu.memory_space<vmem>> -> memref<8x128xf32, #tpu.memory_space<vmem>>
    %dma_start3A_347 = arith.constant 0 : i32
    %dma_start3A_348 = tpu.memref_slice %arg4[%mul3A_341, %dma_start3A_347] : memref<409600x128xf32, #tpu.memory_space<hbm>> -> memref<8x128xf32, #tpu.memory_space<hbm>>
    %dma_start3A_349 = arith.constant 0 : i32
    %dma_start3A_350 = tpu.memref_slice %arg4[%mul3A_341, %dma_start3A_349] : memref<409600x128xf32, #tpu.memory_space<hbm>> -> memref<8x128xf32, #tpu.memory_space<hbm>>
    %dma_start3A_351 = arith.constant 40 : i32
    %dma_start3A_352 = arith.constant 0 : i32
    %dma_start3A_353 = tpu.memref_slice %arg7[%dma_start3A_342, %dma_start3A_351, %dma_start3A_352] : memref<4x64x128xf32, #tpu.memory_space<vmem>> -> memref<1x8x128xf32, #tpu.memory_space<vmem>>
    %dma_start3A_354 = tpu.memref_squeeze %dma_start3A_353 : memref<1x8x128xf32, #tpu.memory_space<vmem>> -> memref<8x128xf32, #tpu.memory_space<vmem>>
    tpu.enqueue_dma source(%dma_start3A_354 : memref<8x128xf32, #tpu.memory_space<vmem>>) target(%dma_start3A_350 : memref<8x128xf32, #tpu.memory_space<hbm>>) target_semaphore(%arg13 : memref<!tpu.dma_semaphore, #tpu.memory_space<semaphore_mem>>)
    %add3A_355 = arith.constant 448 : i32
    %add3A_356 = arith.addi %add3A_355, %add3A : i32
    %mul3A_357 = arith.constant 8 : i32
    %mul3A_358 = arith.muli %add3A_356, %mul3A_357 : i32
    %dma_start3A_359 = arith.constant 1 : i32
    %dma_start3A_360 = arith.constant 48 : i32
    %dma_start3A_361 = arith.constant 0 : i32
    %dma_start3A_362 = tpu.memref_slice %arg7[%dma_start3A_359, %dma_start3A_360, %dma_start3A_361] : memref<4x64x128xf32, #tpu.memory_space<vmem>> -> memref<1x8x128xf32, #tpu.memory_space<vmem>>
    %dma_start3A_363 = tpu.memref_squeeze %dma_start3A_362 : memref<1x8x128xf32, #tpu.memory_space<vmem>> -> memref<8x128xf32, #tpu.memory_space<vmem>>
    %dma_start3A_364 = arith.constant 0 : i32
    %dma_start3A_365 = tpu.memref_slice %arg4[%mul3A_358, %dma_start3A_364] : memref<409600x128xf32, #tpu.memory_space<hbm>> -> memref<8x128xf32, #tpu.memory_space<hbm>>
    %dma_start3A_366 = arith.constant 0 : i32
    %dma_start3A_367 = tpu.memref_slice %arg4[%mul3A_358, %dma_start3A_366] : memref<409600x128xf32, #tpu.memory_space<hbm>> -> memref<8x128xf32, #tpu.memory_space<hbm>>
    %dma_start3A_368 = arith.constant 48 : i32
    %dma_start3A_369 = arith.constant 0 : i32
    %dma_start3A_370 = tpu.memref_slice %arg7[%dma_start3A_359, %dma_start3A_368, %dma_start3A_369] : memref<4x64x128xf32, #tpu.memory_space<vmem>> -> memref<1x8x128xf32, #tpu.memory_space<vmem>>
    %dma_start3A_371 = tpu.memref_squeeze %dma_start3A_370 : memref<1x8x128xf32, #tpu.memory_space<vmem>> -> memref<8x128xf32, #tpu.memory_space<vmem>>
    tpu.enqueue_dma source(%dma_start3A_371 : memref<8x128xf32, #tpu.memory_space<vmem>>) target(%dma_start3A_367 : memref<8x128xf32, #tpu.memory_space<hbm>>) target_semaphore(%arg13 : memref<!tpu.dma_semaphore, #tpu.memory_space<semaphore_mem>>)
    %add3A_372 = arith.constant 480 : i32
    %add3A_373 = arith.addi %add3A_372, %add3A : i32
    %mul3A_374 = arith.constant 8 : i32
    %mul3A_375 = arith.muli %add3A_373, %mul3A_374 : i32
    %dma_start3A_376 = arith.constant 1 : i32
    %dma_start3A_377 = arith.constant 56 : i32
    %dma_start3A_378 = arith.constant 0 : i32
    %dma_start3A_379 = tpu.memref_slice %arg7[%dma_start3A_376, %dma_start3A_377, %dma_start3A_378] : memref<4x64x128xf32, #tpu.memory_space<vmem>> -> memref<1x8x128xf32, #tpu.memory_space<vmem>>
    %dma_start3A_380 = tpu.memref_squeeze %dma_start3A_379 : memref<1x8x128xf32, #tpu.memory_space<vmem>> -> memref<8x128xf32, #tpu.memory_space<vmem>>
    %dma_start3A_381 = arith.constant 0 : i32
    %dma_start3A_382 = tpu.memref_slice %arg4[%mul3A_375, %dma_start3A_381] : memref<409600x128xf32, #tpu.memory_space<hbm>> -> memref<8x128xf32, #tpu.memory_space<hbm>>
    %dma_start3A_383 = arith.constant 0 : i32
    %dma_start3A_384 = tpu.memref_slice %arg4[%mul3A_375, %dma_start3A_383] : memref<409600x128xf32, #tpu.memory_space<hbm>> -> memref<8x128xf32, #tpu.memory_space<hbm>>
    %dma_start3A_385 = arith.constant 56 : i32
    %dma_start3A_386 = arith.constant 0 : i32
    %dma_start3A_387 = tpu.memref_slice %arg7[%dma_start3A_376, %dma_start3A_385, %dma_start3A_386] : memref<4x64x128xf32, #tpu.memory_space<vmem>> -> memref<1x8x128xf32, #tpu.memory_space<vmem>>
    %dma_start3A_388 = tpu.memref_squeeze %dma_start3A_387 : memref<1x8x128xf32, #tpu.memory_space<vmem>> -> memref<8x128xf32, #tpu.memory_space<vmem>>
    tpu.enqueue_dma source(%dma_start3A_388 : memref<8x128xf32, #tpu.memory_space<vmem>>) target(%dma_start3A_384 : memref<8x128xf32, #tpu.memory_space<hbm>>) target_semaphore(%arg13 : memref<!tpu.dma_semaphore, #tpu.memory_space<semaphore_mem>>)
    %dma_start3A_389 = arith.constant 5 : i32
    %dma_start3A_390 = arith.constant 1 : i32
    %dma_start3A_391 = arith.constant 0 : i32
    %dma_start3A_392 = arith.constant 0 : i32
    %dma_start3A_393 = tpu.memref_slice %arg6[%dma_start3A_390, %dma_start3A_391, %dma_start3A_392] : memref<4x128x64xf32, #tpu.memory_space<vmem>> -> memref<1x128x64xf32, #tpu.memory_space<vmem>>
    %dma_start3A_394 = tpu.memref_squeeze %dma_start3A_393 : memref<1x128x64xf32, #tpu.memory_space<vmem>> -> memref<128x64xf32, #tpu.memory_space<vmem>>
    %dma_start3A_395 = arith.constant 0 : i32
    %dma_start3A_396 = tpu.memref_slice %arg5[%dma_start3A_389, %dma_start3A_395] : memref<200x128xi32, #tpu.memory_space<vmem>> -> memref<1x128xi32, #tpu.memory_space<vmem>>
    %dma_start3A_397 = tpu.memref_squeeze %dma_start3A_396 : memref<1x128xi32, #tpu.memory_space<vmem>> -> memref<128xi32, #tpu.memory_space<vmem>>
    %dma_start3A_398 = arith.constant 0 : i32
    %dma_start3A_399 = arith.constant 0 : i32
    %dma_start3A_400 = tpu.memref_slice %arg3[%dma_start3A_398, %dma_start3A_399] : memref<1000000x64xf32, #tpu.memory_space<hbm>> -> memref<1000000x64xf32, #tpu.memory_space<hbm>>
    tpu.enqueue_indirect_dma source(%dma_start3A_400 : memref<1000000x64xf32, #tpu.memory_space<hbm>>) target(%dma_start3A_394 : memref<128x64xf32, #tpu.memory_space<vmem>>) offsets(%dma_start3A_397 : memref<128xi32, #tpu.memory_space<vmem>>) semaphore(%arg9 : memref<!tpu.dma_semaphore, #tpu.memory_space<semaphore_mem>>)
    %dma_wait3A_401 = arith.constant 0 : i32
    %dma_wait3A_402 = arith.constant 2 : i32
    %dma_wait3A_403 = arith.constant 0 : i32
    %dma_wait3A_404 = arith.constant 0 : i32
    %dma_wait3A_405 = tpu.memref_slice %arg6[%dma_wait3A_402, %dma_wait3A_403, %dma_wait3A_404] : memref<4x128x64xf32, #tpu.memory_space<vmem>> -> memref<1x128x64xf32, #tpu.memory_space<vmem>>
    %dma_wait3A_406 = tpu.memref_squeeze %dma_wait3A_405 : memref<1x128x64xf32, #tpu.memory_space<vmem>> -> memref<128x64xf32, #tpu.memory_space<vmem>>
    %dma_wait3A_407 = arith.constant 0 : i32
    %dma_wait3A_408 = tpu.memref_slice %arg5[%dma_wait3A_401, %dma_wait3A_407] : memref<200x128xi32, #tpu.memory_space<vmem>> -> memref<1x128xi32, #tpu.memory_space<vmem>>
    %dma_wait3A_409 = tpu.memref_squeeze %dma_wait3A_408 : memref<1x128xi32, #tpu.memory_space<vmem>> -> memref<128xi32, #tpu.memory_space<vmem>>
    %dma_wait3A_410 = arith.constant 0 : i32
    %dma_wait3A_411 = arith.constant 0 : i32
    %dma_wait3A_412 = tpu.memref_slice %arg3[%dma_wait3A_410, %dma_wait3A_411] : memref<1000000x64xf32, #tpu.memory_space<hbm>> -> memref<1000000x64xf32, #tpu.memory_space<hbm>>
    tpu.wait_indirect_dma semaphore(%arg10 : memref<!tpu.dma_semaphore, #tpu.memory_space<semaphore_mem>>) src(%dma_wait3A_412 : memref<1000000x64xf32, #tpu.memory_space<hbm>>) dst(%dma_wait3A_406 : memref<128x64xf32, #tpu.memory_space<vmem>>)
    %get3A_413 = arith.constant 2 : i32
    %get3A_414 = arith.constant 0 : i32
    %get3A_415 = arith.index_cast %get3A_413 : i32 to index
    %get3A_416 = arith.index_cast %get3A_414 : i32 to index
    %get3A_417 = arith.constant 0 : index
    %get3A_418 = tpu.vector_load %arg7[%get3A_415, %get3A_416, %get3A_417] {strides = array<i32>} : memref<4x64x128xf32, #tpu.memory_space<vmem>>, vector<16xf32>,
    %swap3A_419 = arith.constant 2 : i32
    %swap3A_420 = arith.constant 0 : i32
    %swap3A_421 = arith.index_cast %swap3A_419 : i32 to index
    %swap3A_422 = arith.index_cast %swap3A_420 : i32 to index
    %swap3A_423 = arith.constant 0 : index
    %swap3A_424 = tpu.vector_load %arg7[%swap3A_421, %swap3A_422, %swap3A_423] {strides = array<i32>} : memref<4x64x128xf32, #tpu.memory_space<vmem>>, vector<16xf32>,
    tpu.vector_store %arg7[%swap3A_421, %swap3A_422, %swap3A_423], %get3A_418 {strides = array<i32>} : memref<4x64x128xf32, #tpu.memory_space<vmem>>, vector<16xf32>,
    %add3A_425 = arith.constant 512 : i32
    %add3A_426 = arith.addi %add3A_425, %add3A : i32
    %mul3A_427 = arith.constant 8 : i32
    %mul3A_428 = arith.muli %add3A_426, %mul3A_427 : i32
    %dma_start3A_429 = arith.constant 2 : i32
    %dma_start3A_430 = arith.constant 0 : i32
    %dma_start3A_431 = arith.constant 0 : i32
    %dma_start3A_432 = tpu.memref_slice %arg7[%dma_start3A_429, %dma_start3A_430, %dma_start3A_431] : memref<4x64x128xf32, #tpu.memory_space<vmem>> -> memref<1x8x128xf32, #tpu.memory_space<vmem>>
    %dma_start3A_433 = tpu.memref_squeeze %dma_start3A_432 : memref<1x8x128xf32, #tpu.memory_space<vmem>> -> memref<8x128xf32, #tpu.memory_space<vmem>>
    %dma_start3A_434 = arith.constant 0 : i32
    %dma_start3A_435 = tpu.memref_slice %arg4[%mul3A_428, %dma_start3A_434] : memref<409600x128xf32, #tpu.memory_space<hbm>> -> memref<8x128xf32, #tpu.memory_space<hbm>>
    %dma_start3A_436 = arith.constant 0 : i32
    %dma_start3A_437 = tpu.memref_slice %arg4[%mul3A_428, %dma_start3A_436] : memref<409600x128xf32, #tpu.memory_space<hbm>> -> memref<8x128xf32, #tpu.memory_space<hbm>>
    %dma_start3A_438 = arith.constant 0 : i32
    %dma_start3A_439 = arith.constant 0 : i32
    %dma_start3A_440 = tpu.memref_slice %arg7[%dma_start3A_429, %dma_start3A_438, %dma_start3A_439] : memref<4x64x128xf32, #tpu.memory_space<vmem>> -> memref<1x8x128xf32, #tpu.memory_space<vmem>>
    %dma_start3A_441 = tpu.memref_squeeze %dma_start3A_440 : memref<1x8x128xf32, #tpu.memory_space<vmem>> -> memref<8x128xf32, #tpu.memory_space<vmem>>
    tpu.enqueue_dma source(%dma_start3A_441 : memref<8x128xf32, #tpu.memory_space<vmem>>) target(%dma_start3A_437 : memref<8x128xf32, #tpu.memory_space<hbm>>) target_semaphore(%arg14 : memref<!tpu.dma_semaphore, #tpu.memory_space<semaphore_mem>>)
    %add3A_442 = arith.constant 544 : i32
    %add3A_443 = arith.addi %add3A_442, %add3A : i32
    %mul3A_444 = arith.constant 8 : i32
    %mul3A_445 = arith.muli %add3A_443, %mul3A_444 : i32
    %dma_start3A_446 = arith.constant 2 : i32
    %dma_start3A_447 = arith.constant 8 : i32
    %dma_start3A_448 = arith.constant 0 : i32
    %dma_start3A_449 = tpu.memref_slice %arg7[%dma_start3A_446, %dma_start3A_447, %dma_start3A_448] : memref<4x64x128xf32, #tpu.memory_space<vmem>> -> memref<1x8x128xf32, #tpu.memory_space<vmem>>
    %dma_start3A_450 = tpu.memref_squeeze %dma_start3A_449 : memref<1x8x128xf32, #tpu.memory_space<vmem>> -> memref<8x128xf32, #tpu.memory_space<vmem>>
    %dma_start3A_451 = arith.constant 0 : i32
    %dma_start3A_452 = tpu.memref_slice %arg4[%mul3A_445, %dma_start3A_451] : memref<409600x128xf32, #tpu.memory_space<hbm>> -> memref<8x128xf32, #tpu.memory_space<hbm>>
    %dma_start3A_453 = arith.constant 0 : i32
    %dma_start3A_454 = tpu.memref_slice %arg4[%mul3A_445, %dma_start3A_453] : memref<409600x128xf32, #tpu.memory_space<hbm>> -> memref<8x128xf32, #tpu.memory_space<hbm>>
    %dma_start3A_455 = arith.constant 8 : i32
    %dma_start3A_456 = arith.constant 0 : i32
    %dma_start3A_457 = tpu.memref_slice %arg7[%dma_start3A_446, %dma_start3A_455, %dma_start3A_456] : memref<4x64x128xf32, #tpu.memory_space<vmem>> -> memref<1x8x128xf32, #tpu.memory_space<vmem>>
    %dma_start3A_458 = tpu.memref_squeeze %dma_start3A_457 : memref<1x8x128xf32, #tpu.memory_space<vmem>> -> memref<8x128xf32, #tpu.memory_space<vmem>>
    tpu.enqueue_dma source(%dma_start3A_458 : memref<8x128xf32, #tpu.memory_space<vmem>>) target(%dma_start3A_454 : memref<8x128xf32, #tpu.memory_space<hbm>>) target_semaphore(%arg14 : memref<!tpu.dma_semaphore, #tpu.memory_space<semaphore_mem>>)
    %add3A_459 = arith.constant 576 : i32
    %add3A_460 = arith.addi %add3A_459, %add3A : i32
    %mul3A_461 = arith.constant 8 : i32
    %mul3A_462 = arith.muli %add3A_460, %mul3A_461 : i32
    %dma_start3A_463 = arith.constant 2 : i32
    %dma_start3A_464 = arith.constant 16 : i32
    %dma_start3A_465 = arith.constant 0 : i32
    %dma_start3A_466 = tpu.memref_slice %arg7[%dma_start3A_463, %dma_start3A_464, %dma_start3A_465] : memref<4x64x128xf32, #tpu.memory_space<vmem>> -> memref<1x8x128xf32, #tpu.memory_space<vmem>>
    %dma_start3A_467 = tpu.memref_squeeze %dma_start3A_466 : memref<1x8x128xf32, #tpu.memory_space<vmem>> -> memref<8x128xf32, #tpu.memory_space<vmem>>
    %dma_start3A_468 = arith.constant 0 : i32
    %dma_start3A_469 = tpu.memref_slice %arg4[%mul3A_462, %dma_start3A_468] : memref<409600x128xf32, #tpu.memory_space<hbm>> -> memref<8x128xf32, #tpu.memory_space<hbm>>
    %dma_start3A_470 = arith.constant 0 : i32
    %dma_start3A_471 = tpu.memref_slice %arg4[%mul3A_462, %dma_start3A_470] : memref<409600x128xf32, #tpu.memory_space<hbm>> -> memref<8x128xf32, #tpu.memory_space<hbm>>
    %dma_start3A_472 = arith.constant 16 : i32
    %dma_start3A_473 = arith.constant 0 : i32
    %dma_start3A_474 = tpu.memref_slice %arg7[%dma_start3A_463, %dma_start3A_472, %dma_start3A_473] : memref<4x64x128xf32, #tpu.memory_space<vmem>> -> memref<1x8x128xf32, #tpu.memory_space<vmem>>
    %dma_start3A_475 = tpu.memref_squeeze %dma_start3A_474 : memref<1x8x128xf32, #tpu.memory_space<vmem>> -> memref<8x128xf32, #tpu.memory_space<vmem>>
    tpu.enqueue_dma source(%dma_start3A_475 : memref<8x128xf32, #tpu.memory_space<vmem>>) target(%dma_start3A_471 : memref<8x128xf32, #tpu.memory_space<hbm>>) target_semaphore(%arg14 : memref<!tpu.dma_semaphore, #tpu.memory_space<semaphore_mem>>)
    %add3A_476 = arith.constant 608 : i32
    %add3A_477 = arith.addi %add3A_476, %add3A : i32
    %mul3A_478 = arith.constant 8 : i32
    %mul3A_479 = arith.muli %add3A_477, %mul3A_478 : i32
    %dma_start3A_480 = arith.constant 2 : i32
    %dma_start3A_481 = arith.constant 24 : i32
    %dma_start3A_482 = arith.constant 0 : i32
    %dma_start3A_483 = tpu.memref_slice %arg7[%dma_start3A_480, %dma_start3A_481, %dma_start3A_482] : memref<4x64x128xf32, #tpu.memory_space<vmem>> -> memref<1x8x128xf32, #tpu.memory_space<vmem>>
    %dma_start3A_484 = tpu.memref_squeeze %dma_start3A_483 : memref<1x8x128xf32, #tpu.memory_space<vmem>> -> memref<8x128xf32, #tpu.memory_space<vmem>>
    %dma_start3A_485 = arith.constant 0 : i32
    %dma_start3A_486 = tpu.memref_slice %arg4[%mul3A_479, %dma_start3A_485] : memref<409600x128xf32, #tpu.memory_space<hbm>> -> memref<8x128xf32, #tpu.memory_space<hbm>>
    %dma_start3A_487 = arith.constant 0 : i32
    %dma_start3A_488 = tpu.memref_slice %arg4[%mul3A_479, %dma_start3A_487] : memref<409600x128xf32, #tpu.memory_space<hbm>> -> memref<8x128xf32, #tpu.memory_space<hbm>>
    %dma_start3A_489 = arith.constant 24 : i32
    %dma_start3A_490 = arith.constant 0 : i32
    %dma_start3A_491 = tpu.memref_slice %arg7[%dma_start3A_480, %dma_start3A_489, %dma_start3A_490] : memref<4x64x128xf32, #tpu.memory_space<vmem>> -> memref<1x8x128xf32, #tpu.memory_space<vmem>>
    %dma_start3A_492 = tpu.memref_squeeze %dma_start3A_491 : memref<1x8x128xf32, #tpu.memory_space<vmem>> -> memref<8x128xf32, #tpu.memory_space<vmem>>
    tpu.enqueue_dma source(%dma_start3A_492 : memref<8x128xf32, #tpu.memory_space<vmem>>) target(%dma_start3A_488 : memref<8x128xf32, #tpu.memory_space<hbm>>) target_semaphore(%arg14 : memref<!tpu.dma_semaphore, #tpu.memory_space<semaphore_mem>>)
    %add3A_493 = arith.constant 640 : i32
    %add3A_494 = arith.addi %add3A_493, %add3A : i32
    %mul3A_495 = arith.constant 8 : i32
    %mul3A_496 = arith.muli %add3A_494, %mul3A_495 : i32
    %dma_start3A_497 = arith.constant 2 : i32
    %dma_start3A_498 = arith.constant 32 : i32
    %dma_start3A_499 = arith.constant 0 : i32
    %dma_start3A_500 = tpu.memref_slice %arg7[%dma_start3A_497, %dma_start3A_498, %dma_start3A_499] : memref<4x64x128xf32, #tpu.memory_space<vmem>> -> memref<1x8x128xf32, #tpu.memory_space<vmem>>
    %dma_start3A_501 = tpu.memref_squeeze %dma_start3A_500 : memref<1x8x128xf32, #tpu.memory_space<vmem>> -> memref<8x128xf32, #tpu.memory_space<vmem>>
    %dma_start3A_502 = arith.constant 0 : i32
    %dma_start3A_503 = tpu.memref_slice %arg4[%mul3A_496, %dma_start3A_502] : memref<409600x128xf32, #tpu.memory_space<hbm>> -> memref<8x128xf32, #tpu.memory_space<hbm>>
    %dma_start3A_504 = arith.constant 0 : i32
    %dma_start3A_505 = tpu.memref_slice %arg4[%mul3A_496, %dma_start3A_504] : memref<409600x128xf32, #tpu.memory_space<hbm>> -> memref<8x128xf32, #tpu.memory_space<hbm>>
    %dma_start3A_506 = arith.constant 32 : i32
    %dma_start3A_507 = arith.constant 0 : i32
    %dma_start3A_508 = tpu.memref_slice %arg7[%dma_start3A_497, %dma_start3A_506, %dma_start3A_507] : memref<4x64x128xf32, #tpu.memory_space<vmem>> -> memref<1x8x128xf32, #tpu.memory_space<vmem>>
    %dma_start3A_509 = tpu.memref_squeeze %dma_start3A_508 : memref<1x8x128xf32, #tpu.memory_space<vmem>> -> memref<8x128xf32, #tpu.memory_space<vmem>>
    tpu.enqueue_dma source(%dma_start3A_509 : memref<8x128xf32, #tpu.memory_space<vmem>>) target(%dma_start3A_505 : memref<8x128xf32, #tpu.memory_space<hbm>>) target_semaphore(%arg14 : memref<!tpu.dma_semaphore, #tpu.memory_space<semaphore_mem>>)
    %add3A_510 = arith.constant 672 : i32
    %add3A_511 = arith.addi %add3A_510, %add3A : i32
    %mul3A_512 = arith.constant 8 : i32
    %mul3A_513 = arith.muli %add3A_511, %mul3A_512 : i32
    %dma_start3A_514 = arith.constant 2 : i32
    %dma_start3A_515 = arith.constant 40 : i32
    %dma_start3A_516 = arith.constant 0 : i32
    %dma_start3A_517 = tpu.memref_slice %arg7[%dma_start3A_514, %dma_start3A_515, %dma_start3A_516] : memref<4x64x128xf32, #tpu.memory_space<vmem>> -> memref<1x8x128xf32, #tpu.memory_space<vmem>>
    %dma_start3A_518 = tpu.memref_squeeze %dma_start3A_517 : memref<1x8x128xf32, #tpu.memory_space<vmem>> -> memref<8x128xf32, #tpu.memory_space<vmem>>
    %dma_start3A_519 = arith.constant 0 : i32
    %dma_start3A_520 = tpu.memref_slice %arg4[%mul3A_513, %dma_start3A_519] : memref<409600x128xf32, #tpu.memory_space<hbm>> -> memref<8x128xf32, #tpu.memory_space<hbm>>
    %dma_start3A_521 = arith.constant 0 : i32
    %dma_start3A_522 = tpu.memref_slice %arg4[%mul3A_513, %dma_start3A_521] : memref<409600x128xf32, #tpu.memory_space<hbm>> -> memref<8x128xf32, #tpu.memory_space<hbm>>
    %dma_start3A_523 = arith.constant 40 : i32
    %dma_start3A_524 = arith.constant 0 : i32
    %dma_start3A_525 = tpu.memref_slice %arg7[%dma_start3A_514, %dma_start3A_523, %dma_start3A_524] : memref<4x64x128xf32, #tpu.memory_space<vmem>> -> memref<1x8x128xf32, #tpu.memory_space<vmem>>
    %dma_start3A_526 = tpu.memref_squeeze %dma_start3A_525 : memref<1x8x128xf32, #tpu.memory_space<vmem>> -> memref<8x128xf32, #tpu.memory_space<vmem>>
    tpu.enqueue_dma source(%dma_start3A_526 : memref<8x128xf32, #tpu.memory_space<vmem>>) target(%dma_start3A_522 : memref<8x128xf32, #tpu.memory_space<hbm>>) target_semaphore(%arg14 : memref<!tpu.dma_semaphore, #tpu.memory_space<semaphore_mem>>)
    %add3A_527 = arith.constant 704 : i32
    %add3A_528 = arith.addi %add3A_527, %add3A : i32
    %mul3A_529 = arith.constant 8 : i32
    %mul3A_530 = arith.muli %add3A_528, %mul3A_529 : i32
    %dma_start3A_531 = arith.constant 2 : i32
    %dma_start3A_532 = arith.constant 48 : i32
    %dma_start3A_533 = arith.constant 0 : i32
    %dma_start3A_534 = tpu.memref_slice %arg7[%dma_start3A_531, %dma_start3A_532, %dma_start3A_533] : memref<4x64x128xf32, #tpu.memory_space<vmem>> -> memref<1x8x128xf32, #tpu.memory_space<vmem>>
    %dma_start3A_535 = tpu.memref_squeeze %dma_start3A_534 : memref<1x8x128xf32, #tpu.memory_space<vmem>> -> memref<8x128xf32, #tpu.memory_space<vmem>>
    %dma_start3A_536 = arith.constant 0 : i32
    %dma_start3A_537 = tpu.memref_slice %arg4[%mul3A_530, %dma_start3A_536] : memref<409600x128xf32, #tpu.memory_space<hbm>> -> memref<8x128xf32, #tpu.memory_space<hbm>>
    %dma_start3A_538 = arith.constant 0 : i32
    %dma_start3A_539 = tpu.memref_slice %arg4[%mul3A_530, %dma_start3A_538] : memref<409600x128xf32, #tpu.memory_space<hbm>> -> memref<8x128xf32, #tpu.memory_space<hbm>>
    %dma_start3A_540 = arith.constant 48 : i32
    %dma_start3A_541 = arith.constant 0 : i32
    %dma_start3A_542 = tpu.memref_slice %arg7[%dma_start3A_531, %dma_start3A_540, %dma_start3A_541] : memref<4x64x128xf32, #tpu.memory_space<vmem>> -> memref<1x8x128xf32, #tpu.memory_space<vmem>>
    %dma_start3A_543 = tpu.memref_squeeze %dma_start3A_542 : memref<1x8x128xf32, #tpu.memory_space<vmem>> -> memref<8x128xf32, #tpu.memory_space<vmem>>
    tpu.enqueue_dma source(%dma_start3A_543 : memref<8x128xf32, #tpu.memory_space<vmem>>) target(%dma_start3A_539 : memref<8x128xf32, #tpu.memory_space<hbm>>) target_semaphore(%arg14 : memref<!tpu.dma_semaphore, #tpu.memory_space<semaphore_mem>>)
    %add3A_544 = arith.constant 736 : i32
    %add3A_545 = arith.addi %add3A_544, %add3A : i32
    %mul3A_546 = arith.constant 8 : i32
    %mul3A_547 = arith.muli %add3A_545, %mul3A_546 : i32
    %dma_start3A_548 = arith.constant 2 : i32
    %dma_start3A_549 = arith.constant 56 : i32
    %dma_start3A_550 = arith.constant 0 : i32
    %dma_start3A_551 = tpu.memref_slice %arg7[%dma_start3A_548, %dma_start3A_549, %dma_start3A_550] : memref<4x64x128xf32, #tpu.memory_space<vmem>> -> memref<1x8x128xf32, #tpu.memory_space<vmem>>
    %dma_start3A_552 = tpu.memref_squeeze %dma_start3A_551 : memref<1x8x128xf32, #tpu.memory_space<vmem>> -> memref<8x128xf32, #tpu.memory_space<vmem>>
    %dma_start3A_553 = arith.constant 0 : i32
    %dma_start3A_554 = tpu.memref_slice %arg4[%mul3A_547, %dma_start3A_553] : memref<409600x128xf32, #tpu.memory_space<hbm>> -> memref<8x128xf32, #tpu.memory_space<hbm>>
    %dma_start3A_555 = arith.constant 0 : i32
    %dma_start3A_556 = tpu.memref_slice %arg4[%mul3A_547, %dma_start3A_555] : memref<409600x128xf32, #tpu.memory_space<hbm>> -> memref<8x128xf32, #tpu.memory_space<hbm>>
    %dma_start3A_557 = arith.constant 56 : i32
    %dma_start3A_558 = arith.constant 0 : i32
    %dma_start3A_559 = tpu.memref_slice %arg7[%dma_start3A_548, %dma_start3A_557, %dma_start3A_558] : memref<4x64x128xf32, #tpu.memory_space<vmem>> -> memref<1x8x128xf32, #tpu.memory_space<vmem>>
    %dma_start3A_560 = tpu.memref_squeeze %dma_start3A_559 : memref<1x8x128xf32, #tpu.memory_space<vmem>> -> memref<8x128xf32, #tpu.memory_space<vmem>>
    tpu.enqueue_dma source(%dma_start3A_560 : memref<8x128xf32, #tpu.memory_space<vmem>>) target(%dma_start3A_556 : memref<8x128xf32, #tpu.memory_space<hbm>>) target_semaphore(%arg14 : memref<!tpu.dma_semaphore, #tpu.memory_space<semaphore_mem>>)
    %dma_start3A_561 = arith.constant 6 : i32
    %dma_start3A_562 = arith.constant 2 : i32
    %dma_start3A_563 = arith.constant 0 : i32
    %dma_start3A_564 = arith.constant 0 : i32
    %dma_start3A_565 = tpu.memref_slice %arg6[%dma_start3A_562, %dma_start3A_563, %dma_start3A_564] : memref<4x128x64xf32, #tpu.memory_space<vmem>> -> memref<1x128x64xf32, #tpu.memory_space<vmem>>
    %dma_start3A_566 = tpu.memref_squeeze %dma_start3A_565 : memref<1x128x64xf32, #tpu.memory_space<vmem>> -> memref<128x64xf32, #tpu.memory_space<vmem>>
    %dma_start3A_567 = arith.constant 0 : i32
    %dma_start3A_568 = tpu.memref_slice %arg5[%dma_start3A_561, %dma_start3A_567] : memref<200x128xi32, #tpu.memory_space<vmem>> -> memref<1x128xi32, #tpu.memory_space<vmem>>
    %dma_start3A_569 = tpu.memref_squeeze %dma_start3A_568 : memref<1x128xi32, #tpu.memory_space<vmem>> -> memref<128xi32, #tpu.memory_space<vmem>>
    %dma_start3A_570 = arith.constant 0 : i32
    %dma_start3A_571 = arith.constant 0 : i32
    %dma_start3A_572 = tpu.memref_slice %arg3[%dma_start3A_570, %dma_start3A_571] : memref<1000000x64xf32, #tpu.memory_space<hbm>> -> memref<1000000x64xf32, #tpu.memory_space<hbm>>
    tpu.enqueue_indirect_dma source(%dma_start3A_572 : memref<1000000x64xf32, #tpu.memory_space<hbm>>) target(%dma_start3A_566 : memref<128x64xf32, #tpu.memory_space<vmem>>) offsets(%dma_start3A_569 : memref<128xi32, #tpu.memory_space<vmem>>) semaphore(%arg10 : memref<!tpu.dma_semaphore, #tpu.memory_space<semaphore_mem>>)
    %dma_wait3A_573 = arith.constant 0 : i32
    %dma_wait3A_574 = arith.constant 3 : i32
    %dma_wait3A_575 = arith.constant 0 : i32
    %dma_wait3A_576 = arith.constant 0 : i32
    %dma_wait3A_577 = tpu.memref_slice %arg6[%dma_wait3A_574, %dma_wait3A_575, %dma_wait3A_576] : memref<4x128x64xf32, #tpu.memory_space<vmem>> -> memref<1x128x64xf32, #tpu.memory_space<vmem>>
    %dma_wait3A_578 = tpu.memref_squeeze %dma_wait3A_577 : memref<1x128x64xf32, #tpu.memory_space<vmem>> -> memref<128x64xf32, #tpu.memory_space<vmem>>
    %dma_wait3A_579 = arith.constant 0 : i32
    %dma_wait3A_580 = tpu.memref_slice %arg5[%dma_wait3A_573, %dma_wait3A_579] : memref<200x128xi32, #tpu.memory_space<vmem>> -> memref<1x128xi32, #tpu.memory_space<vmem>>
    %dma_wait3A_581 = tpu.memref_squeeze %dma_wait3A_580 : memref<1x128xi32, #tpu.memory_space<vmem>> -> memref<128xi32, #tpu.memory_space<vmem>>
    %dma_wait3A_582 = arith.constant 0 : i32
    %dma_wait3A_583 = arith.constant 0 : i32
    %dma_wait3A_584 = tpu.memref_slice %arg3[%dma_wait3A_582, %dma_wait3A_583] : memref<1000000x64xf32, #tpu.memory_space<hbm>> -> memref<1000000x64xf32, #tpu.memory_space<hbm>>
    tpu.wait_indirect_dma semaphore(%arg11 : memref<!tpu.dma_semaphore, #tpu.memory_space<semaphore_mem>>) src(%dma_wait3A_584 : memref<1000000x64xf32, #tpu.memory_space<hbm>>) dst(%dma_wait3A_578 : memref<128x64xf32, #tpu.memory_space<vmem>>)
    %get3A_585 = arith.constant 3 : i32
    %get3A_586 = arith.constant 0 : i32
    %get3A_587 = arith.index_cast %get3A_585 : i32 to index
    %get3A_588 = arith.index_cast %get3A_586 : i32 to index
    %get3A_589 = arith.constant 0 : index
    %get3A_590 = tpu.vector_load %arg7[%get3A_587, %get3A_588, %get3A_589] {strides = array<i32>} : memref<4x64x128xf32, #tpu.memory_space<vmem>>, vector<16xf32>,
    %swap3A_591 = arith.constant 3 : i32
    %swap3A_592 = arith.constant 0 : i32
    %swap3A_593 = arith.index_cast %swap3A_591 : i32 to index
    %swap3A_594 = arith.index_cast %swap3A_592 : i32 to index
    %swap3A_595 = arith.constant 0 : index
    %swap3A_596 = tpu.vector_load %arg7[%swap3A_593, %swap3A_594, %swap3A_595] {strides = array<i32>} : memref<4x64x128xf32, #tpu.memory_space<vmem>>, vector<16xf32>,
    tpu.vector_store %arg7[%swap3A_593, %swap3A_594, %swap3A_595], %get3A_590 {strides = array<i32>} : memref<4x64x128xf32, #tpu.memory_space<vmem>>, vector<16xf32>,
    %add3A_597 = arith.constant 768 : i32
    %add3A_598 = arith.addi %add3A_597, %add3A : i32
    %mul3A_599 = arith.constant 8 : i32
    %mul3A_600 = arith.muli %add3A_598, %mul3A_599 : i32
    %dma_start3A_601 = arith.constant 3 : i32
    %dma_start3A_602 = arith.constant 0 : i32
    %dma_start3A_603 = arith.constant 0 : i32
    %dma_start3A_604 = tpu.memref_slice %arg7[%dma_start3A_601, %dma_start3A_602, %dma_start3A_603] : memref<4x64x128xf32, #tpu.memory_space<vmem>> -> memref<1x8x128xf32, #tpu.memory_space<vmem>>
    %dma_start3A_605 = tpu.memref_squeeze %dma_start3A_604 : memref<1x8x128xf32, #tpu.memory_space<vmem>> -> memref<8x128xf32, #tpu.memory_space<vmem>>
    %dma_start3A_606 = arith.constant 0 : i32
    %dma_start3A_607 = tpu.memref_slice %arg4[%mul3A_600, %dma_start3A_606] : memref<409600x128xf32, #tpu.memory_space<hbm>> -> memref<8x128xf32, #tpu.memory_space<hbm>>
    %dma_start3A_608 = arith.constant 0 : i32
    %dma_start3A_609 = tpu.memref_slice %arg4[%mul3A_600, %dma_start3A_608] : memref<409600x128xf32, #tpu.memory_space<hbm>> -> memref<8x128xf32, #tpu.memory_space<hbm>>
    %dma_start3A_610 = arith.constant 0 : i32
    %dma_start3A_611 = arith.constant 0 : i32
    %dma_start3A_612 = tpu.memref_slice %arg7[%dma_start3A_601, %dma_start3A_610, %dma_start3A_611] : memref<4x64x128xf32, #tpu.memory_space<vmem>> -> memref<1x8x128xf32, #tpu.memory_space<vmem>>
    %dma_start3A_613 = tpu.memref_squeeze %dma_start3A_612 : memref<1x8x128xf32, #tpu.memory_space<vmem>> -> memref<8x128xf32, #tpu.memory_space<vmem>>
    tpu.enqueue_dma source(%dma_start3A_613 : memref<8x128xf32, #tpu.memory_space<vmem>>) target(%dma_start3A_609 : memref<8x128xf32, #tpu.memory_space<hbm>>) target_semaphore(%arg15 : memref<!tpu.dma_semaphore, #tpu.memory_space<semaphore_mem>>)
    %add3A_614 = arith.constant 800 : i32
    %add3A_615 = arith.addi %add3A_614, %add3A : i32
    %mul3A_616 = arith.constant 8 : i32
    %mul3A_617 = arith.muli %add3A_615, %mul3A_616 : i32
    %dma_start3A_618 = arith.constant 3 : i32
    %dma_start3A_619 = arith.constant 8 : i32
    %dma_start3A_620 = arith.constant 0 : i32
    %dma_start3A_621 = tpu.memref_slice %arg7[%dma_start3A_618, %dma_start3A_619, %dma_start3A_620] : memref<4x64x128xf32, #tpu.memory_space<vmem>> -> memref<1x8x128xf32, #tpu.memory_space<vmem>>
    %dma_start3A_622 = tpu.memref_squeeze %dma_start3A_621 : memref<1x8x128xf32, #tpu.memory_space<vmem>> -> memref<8x128xf32, #tpu.memory_space<vmem>>
    %dma_start3A_623 = arith.constant 0 : i32
    %dma_start3A_624 = tpu.memref_slice %arg4[%mul3A_617, %dma_start3A_623] : memref<409600x128xf32, #tpu.memory_space<hbm>> -> memref<8x128xf32, #tpu.memory_space<hbm>>
    %dma_start3A_625 = arith.constant 0 : i32
    %dma_start3A_626 = tpu.memref_slice %arg4[%mul3A_617, %dma_start3A_625] : memref<409600x128xf32, #tpu.memory_space<hbm>> -> memref<8x128xf32, #tpu.memory_space<hbm>>
    %dma_start3A_627 = arith.constant 8 : i32
    %dma_start3A_628 = arith.constant 0 : i32
    %dma_start3A_629 = tpu.memref_slice %arg7[%dma_start3A_618, %dma_start3A_627, %dma_start3A_628] : memref<4x64x128xf32, #tpu.memory_space<vmem>> -> memref<1x8x128xf32, #tpu.memory_space<vmem>>
    %dma_start3A_630 = tpu.memref_squeeze %dma_start3A_629 : memref<1x8x128xf32, #tpu.memory_space<vmem>> -> memref<8x128xf32, #tpu.memory_space<vmem>>
    tpu.enqueue_dma source(%dma_start3A_630 : memref<8x128xf32, #tpu.memory_space<vmem>>) target(%dma_start3A_626 : memref<8x128xf32, #tpu.memory_space<hbm>>) target_semaphore(%arg15 : memref<!tpu.dma_semaphore, #tpu.memory_space<semaphore_mem>>)
    %add3A_631 = arith.constant 832 : i32
    %add3A_632 = arith.addi %add3A_631, %add3A : i32
    %mul3A_633 = arith.constant 8 : i32
    %mul3A_634 = arith.muli %add3A_632, %mul3A_633 : i32
    %dma_start3A_635 = arith.constant 3 : i32
    %dma_start3A_636 = arith.constant 16 : i32
    %dma_start3A_637 = arith.constant 0 : i32
    %dma_start3A_638 = tpu.memref_slice %arg7[%dma_start3A_635, %dma_start3A_636, %dma_start3A_637] : memref<4x64x128xf32, #tpu.memory_space<vmem>> -> memref<1x8x128xf32, #tpu.memory_space<vmem>>
    %dma_start3A_639 = tpu.memref_squeeze %dma_start3A_638 : memref<1x8x128xf32, #tpu.memory_space<vmem>> -> memref<8x128xf32, #tpu.memory_space<vmem>>
    %dma_start3A_640 = arith.constant 0 : i32
    %dma_start3A_641 = tpu.memref_slice %arg4[%mul3A_634, %dma_start3A_640] : memref<409600x128xf32, #tpu.memory_space<hbm>> -> memref<8x128xf32, #tpu.memory_space<hbm>>
    %dma_start3A_642 = arith.constant 0 : i32
    %dma_start3A_643 = tpu.memref_slice %arg4[%mul3A_634, %dma_start3A_642] : memref<409600x128xf32, #tpu.memory_space<hbm>> -> memref<8x128xf32, #tpu.memory_space<hbm>>
    %dma_start3A_644 = arith.constant 16 : i32
    %dma_start3A_645 = arith.constant 0 : i32
    %dma_start3A_646 = tpu.memref_slice %arg7[%dma_start3A_635, %dma_start3A_644, %dma_start3A_645] : memref<4x64x128xf32, #tpu.memory_space<vmem>> -> memref<1x8x128xf32, #tpu.memory_space<vmem>>
    %dma_start3A_647 = tpu.memref_squeeze %dma_start3A_646 : memref<1x8x128xf32, #tpu.memory_space<vmem>> -> memref<8x128xf32, #tpu.memory_space<vmem>>
    tpu.enqueue_dma source(%dma_start3A_647 : memref<8x128xf32, #tpu.memory_space<vmem>>) target(%dma_start3A_643 : memref<8x128xf32, #tpu.memory_space<hbm>>) target_semaphore(%arg15 : memref<!tpu.dma_semaphore, #tpu.memory_space<semaphore_mem>>)
    %add3A_648 = arith.constant 864 : i32
    %add3A_649 = arith.addi %add3A_648, %add3A : i32
    %mul3A_650 = arith.constant 8 : i32
    %mul3A_651 = arith.muli %add3A_649, %mul3A_650 : i32
    %dma_start3A_652 = arith.constant 3 : i32
    %dma_start3A_653 = arith.constant 24 : i32
    %dma_start3A_654 = arith.constant 0 : i32
    %dma_start3A_655 = tpu.memref_slice %arg7[%dma_start3A_652, %dma_start3A_653, %dma_start3A_654] : memref<4x64x128xf32, #tpu.memory_space<vmem>> -> memref<1x8x128xf32, #tpu.memory_space<vmem>>
    %dma_start3A_656 = tpu.memref_squeeze %dma_start3A_655 : memref<1x8x128xf32, #tpu.memory_space<vmem>> -> memref<8x128xf32, #tpu.memory_space<vmem>>
    %dma_start3A_657 = arith.constant 0 : i32
    %dma_start3A_658 = tpu.memref_slice %arg4[%mul3A_651, %dma_start3A_657] : memref<409600x128xf32, #tpu.memory_space<hbm>> -> memref<8x128xf32, #tpu.memory_space<hbm>>
    %dma_start3A_659 = arith.constant 0 : i32
    %dma_start3A_660 = tpu.memref_slice %arg4[%mul3A_651, %dma_start3A_659] : memref<409600x128xf32, #tpu.memory_space<hbm>> -> memref<8x128xf32, #tpu.memory_space<hbm>>
    %dma_start3A_661 = arith.constant 24 : i32
    %dma_start3A_662 = arith.constant 0 : i32
    %dma_start3A_663 = tpu.memref_slice %arg7[%dma_start3A_652, %dma_start3A_661, %dma_start3A_662] : memref<4x64x128xf32, #tpu.memory_space<vmem>> -> memref<1x8x128xf32, #tpu.memory_space<vmem>>
    %dma_start3A_664 = tpu.memref_squeeze %dma_start3A_663 : memref<1x8x128xf32, #tpu.memory_space<vmem>> -> memref<8x128xf32, #tpu.memory_space<vmem>>
    tpu.enqueue_dma source(%dma_start3A_664 : memref<8x128xf32, #tpu.memory_space<vmem>>) target(%dma_start3A_660 : memref<8x128xf32, #tpu.memory_space<hbm>>) target_semaphore(%arg15 : memref<!tpu.dma_semaphore, #tpu.memory_space<semaphore_mem>>)
    %add3A_665 = arith.constant 896 : i32
    %add3A_666 = arith.addi %add3A_665, %add3A : i32
    %mul3A_667 = arith.constant 8 : i32
    %mul3A_668 = arith.muli %add3A_666, %mul3A_667 : i32
    %dma_start3A_669 = arith.constant 3 : i32
    %dma_start3A_670 = arith.constant 32 : i32
    %dma_start3A_671 = arith.constant 0 : i32
    %dma_start3A_672 = tpu.memref_slice %arg7[%dma_start3A_669, %dma_start3A_670, %dma_start3A_671] : memref<4x64x128xf32, #tpu.memory_space<vmem>> -> memref<1x8x128xf32, #tpu.memory_space<vmem>>
    %dma_start3A_673 = tpu.memref_squeeze %dma_start3A_672 : memref<1x8x128xf32, #tpu.memory_space<vmem>> -> memref<8x128xf32, #tpu.memory_space<vmem>>
    %dma_start3A_674 = arith.constant 0 : i32
    %dma_start3A_675 = tpu.memref_slice %arg4[%mul3A_668, %dma_start3A_674] : memref<409600x128xf32, #tpu.memory_space<hbm>> -> memref<8x128xf32, #tpu.memory_space<hbm>>
    %dma_start3A_676 = arith.constant 0 : i32
    %dma_start3A_677 = tpu.memref_slice %arg4[%mul3A_668, %dma_start3A_676] : memref<409600x128xf32, #tpu.memory_space<hbm>> -> memref<8x128xf32, #tpu.memory_space<hbm>>
    %dma_start3A_678 = arith.constant 32 : i32
    %dma_start3A_679 = arith.constant 0 : i32
    %dma_start3A_680 = tpu.memref_slice %arg7[%dma_start3A_669, %dma_start3A_678, %dma_start3A_679] : memref<4x64x128xf32, #tpu.memory_space<vmem>> -> memref<1x8x128xf32, #tpu.memory_space<vmem>>
    %dma_start3A_681 = tpu.memref_squeeze %dma_start3A_680 : memref<1x8x128xf32, #tpu.memory_space<vmem>> -> memref<8x128xf32, #tpu.memory_space<vmem>>
    tpu.enqueue_dma source(%dma_start3A_681 : memref<8x128xf32, #tpu.memory_space<vmem>>) target(%dma_start3A_677 : memref<8x128xf32, #tpu.memory_space<hbm>>) target_semaphore(%arg15 : memref<!tpu.dma_semaphore, #tpu.memory_space<semaphore_mem>>)
    %add3A_682 = arith.constant 928 : i32
    %add3A_683 = arith.addi %add3A_682, %add3A : i32
    %mul3A_684 = arith.constant 8 : i32
    %mul3A_685 = arith.muli %add3A_683, %mul3A_684 : i32
    %dma_start3A_686 = arith.constant 3 : i32
    %dma_start3A_687 = arith.constant 40 : i32
    %dma_start3A_688 = arith.constant 0 : i32
    %dma_start3A_689 = tpu.memref_slice %arg7[%dma_start3A_686, %dma_start3A_687, %dma_start3A_688] : memref<4x64x128xf32, #tpu.memory_space<vmem>> -> memref<1x8x128xf32, #tpu.memory_space<vmem>>
    %dma_start3A_690 = tpu.memref_squeeze %dma_start3A_689 : memref<1x8x128xf32, #tpu.memory_space<vmem>> -> memref<8x128xf32, #tpu.memory_space<vmem>>
    %dma_start3A_691 = arith.constant 0 : i32
    %dma_start3A_692 = tpu.memref_slice %arg4[%mul3A_685, %dma_start3A_691] : memref<409600x128xf32, #tpu.memory_space<hbm>> -> memref<8x128xf32, #tpu.memory_space<hbm>>
    %dma_start3A_693 = arith.constant 0 : i32
    %dma_start3A_694 = tpu.memref_slice %arg4[%mul3A_685, %dma_start3A_693] : memref<409600x128xf32, #tpu.memory_space<hbm>> -> memref<8x128xf32, #tpu.memory_space<hbm>>
    %dma_start3A_695 = arith.constant 40 : i32
    %dma_start3A_696 = arith.constant 0 : i32
    %dma_start3A_697 = tpu.memref_slice %arg7[%dma_start3A_686, %dma_start3A_695, %dma_start3A_696] : memref<4x64x128xf32, #tpu.memory_space<vmem>> -> memref<1x8x128xf32, #tpu.memory_space<vmem>>
    %dma_start3A_698 = tpu.memref_squeeze %dma_start3A_697 : memref<1x8x128xf32, #tpu.memory_space<vmem>> -> memref<8x128xf32, #tpu.memory_space<vmem>>
    tpu.enqueue_dma source(%dma_start3A_698 : memref<8x128xf32, #tpu.memory_space<vmem>>) target(%dma_start3A_694 : memref<8x128xf32, #tpu.memory_space<hbm>>) target_semaphore(%arg15 : memref<!tpu.dma_semaphore, #tpu.memory_space<semaphore_mem>>)
    %add3A_699 = arith.constant 960 : i32
    %add3A_700 = arith.addi %add3A_699, %add3A : i32
    %mul3A_701 = arith.constant 8 : i32
    %mul3A_702 = arith.muli %add3A_700, %mul3A_701 : i32
    %dma_start3A_703 = arith.constant 3 : i32
    %dma_start3A_704 = arith.constant 48 : i32
    %dma_start3A_705 = arith.constant 0 : i32
    %dma_start3A_706 = tpu.memref_slice %arg7[%dma_start3A_703, %dma_start3A_704, %dma_start3A_705] : memref<4x64x128xf32, #tpu.memory_space<vmem>> -> memref<1x8x128xf32, #tpu.memory_space<vmem>>
    %dma_start3A_707 = tpu.memref_squeeze %dma_start3A_706 : memref<1x8x128xf32, #tpu.memory_space<vmem>> -> memref<8x128xf32, #tpu.memory_space<vmem>>
    %dma_start3A_708 = arith.constant 0 : i32
    %dma_start3A_709 = tpu.memref_slice %arg4[%mul3A_702, %dma_start3A_708] : memref<409600x128xf32, #tpu.memory_space<hbm>> -> memref<8x128xf32, #tpu.memory_space<hbm>>
    %dma_start3A_710 = arith.constant 0 : i32
    %dma_start3A_711 = tpu.memref_slice %arg4[%mul3A_702, %dma_start3A_710] : memref<409600x128xf32, #tpu.memory_space<hbm>> -> memref<8x128xf32, #tpu.memory_space<hbm>>
    %dma_start3A_712 = arith.constant 48 : i32
    %dma_start3A_713 = arith.constant 0 : i32
    %dma_start3A_714 = tpu.memref_slice %arg7[%dma_start3A_703, %dma_start3A_712, %dma_start3A_713] : memref<4x64x128xf32, #tpu.memory_space<vmem>> -> memref<1x8x128xf32, #tpu.memory_space<vmem>>
    %dma_start3A_715 = tpu.memref_squeeze %dma_start3A_714 : memref<1x8x128xf32, #tpu.memory_space<vmem>> -> memref<8x128xf32, #tpu.memory_space<vmem>>
    tpu.enqueue_dma source(%dma_start3A_715 : memref<8x128xf32, #tpu.memory_space<vmem>>) target(%dma_start3A_711 : memref<8x128xf32, #tpu.memory_space<hbm>>) target_semaphore(%arg15 : memref<!tpu.dma_semaphore, #tpu.memory_space<semaphore_mem>>)
    %add3A_716 = arith.constant 992 : i32
    %add3A_717 = arith.addi %add3A_716, %add3A : i32
    %mul3A_718 = arith.constant 8 : i32
    %mul3A_719 = arith.muli %add3A_717, %mul3A_718 : i32
    %dma_start3A_720 = arith.constant 3 : i32
    %dma_start3A_721 = arith.constant 56 : i32
    %dma_start3A_722 = arith.constant 0 : i32
    %dma_start3A_723 = tpu.memref_slice %arg7[%dma_start3A_720, %dma_start3A_721, %dma_start3A_722] : memref<4x64x128xf32, #tpu.memory_space<vmem>> -> memref<1x8x128xf32, #tpu.memory_space<vmem>>
    %dma_start3A_724 = tpu.memref_squeeze %dma_start3A_723 : memref<1x8x128xf32, #tpu.memory_space<vmem>> -> memref<8x128xf32, #tpu.memory_space<vmem>>
    %dma_start3A_725 = arith.constant 0 : i32
    %dma_start3A_726 = tpu.memref_slice %arg4[%mul3A_719, %dma_start3A_725] : memref<409600x128xf32, #tpu.memory_space<hbm>> -> memref<8x128xf32, #tpu.memory_space<hbm>>
    %dma_start3A_727 = arith.constant 0 : i32
    %dma_start3A_728 = tpu.memref_slice %arg4[%mul3A_719, %dma_start3A_727] : memref<409600x128xf32, #tpu.memory_space<hbm>> -> memref<8x128xf32, #tpu.memory_space<hbm>>
    %dma_start3A_729 = arith.constant 56 : i32
    %dma_start3A_730 = arith.constant 0 : i32
    %dma_start3A_731 = tpu.memref_slice %arg7[%dma_start3A_720, %dma_start3A_729, %dma_start3A_730] : memref<4x64x128xf32, #tpu.memory_space<vmem>> -> memref<1x8x128xf32, #tpu.memory_space<vmem>>
    %dma_start3A_732 = tpu.memref_squeeze %dma_start3A_731 : memref<1x8x128xf32, #tpu.memory_space<vmem>> -> memref<8x128xf32, #tpu.memory_space<vmem>>
    tpu.enqueue_dma source(%dma_start3A_732 : memref<8x128xf32, #tpu.memory_space<vmem>>) target(%dma_start3A_728 : memref<8x128xf32, #tpu.memory_space<hbm>>) target_semaphore(%arg15 : memref<!tpu.dma_semaphore, #tpu.memory_space<semaphore_mem>>)
    %dma_start3A_733 = arith.constant 7 : i32
    %dma_start3A_734 = arith.constant 3 : i32
    %dma_start3A_735 = arith.constant 0 : i32
    %dma_start3A_736 = arith.constant 0 : i32
    %dma_start3A_737 = tpu.memref_slice %arg6[%dma_start3A_734, %dma_start3A_735, %dma_start3A_736] : memref<4x128x64xf32, #tpu.memory_space<vmem>> -> memref<1x128x64xf32, #tpu.memory_space<vmem>>
    %dma_start3A_738 = tpu.memref_squeeze %dma_start3A_737 : memref<1x128x64xf32, #tpu.memory_space<vmem>> -> memref<128x64xf32, #tpu.memory_space<vmem>>
    %dma_start3A_739 = arith.constant 0 : i32
    %dma_start3A_740 = tpu.memref_slice %arg5[%dma_start3A_733, %dma_start3A_739] : memref<200x128xi32, #tpu.memory_space<vmem>> -> memref<1x128xi32, #tpu.memory_space<vmem>>
    %dma_start3A_741 = tpu.memref_squeeze %dma_start3A_740 : memref<1x128xi32, #tpu.memory_space<vmem>> -> memref<128xi32, #tpu.memory_space<vmem>>
    %dma_start3A_742 = arith.constant 0 : i32
    %dma_start3A_743 = arith.constant 0 : i32
    %dma_start3A_744 = tpu.memref_slice %arg3[%dma_start3A_742, %dma_start3A_743] : memref<1000000x64xf32, #tpu.memory_space<hbm>> -> memref<1000000x64xf32, #tpu.memory_space<hbm>>
    tpu.enqueue_indirect_dma source(%dma_start3A_744 : memref<1000000x64xf32, #tpu.memory_space<hbm>>) target(%dma_start3A_738 : memref<128x64xf32, #tpu.memory_space<vmem>>) offsets(%dma_start3A_741 : memref<128xi32, #tpu.memory_space<vmem>>) semaphore(%arg11 : memref<!tpu.dma_semaphore, #tpu.memory_space<semaphore_mem>>)
    %scan3A = arith.constant 0 : i32
    %scan3A_745 = arith.constant 1 : i32
    %scan3A_746 = arith.constant 48 : i32
    %scan3A_747 = arith.addi %scan3A_745, %scan3A_746 : i32
    %scan3A_748 = arith.constant 1 : i32
    scf.for %scan3A_1510 = %scan3A_745 to %scan3A_747 step %scan3A_748  : i32 {
      %mul3A_1511 = arith.constant 4 : i32
      %mul3A_1512 = arith.muli %scan3A_1510, %mul3A_1511 : i32
      %add3A_1513 = arith.constant 0 : i32
      %add3A_1514 = arith.addi %mul3A_1512, %add3A_1513 : i32
      %dma_wait3A_1515 = arith.constant 0 : i32
      %dma_wait3A_1516 = arith.constant 0 : i32
      %dma_wait3A_1517 = arith.constant 0 : i32
      %dma_wait3A_1518 = arith.constant 0 : i32
      %dma_wait3A_1519 = tpu.memref_slice %arg6[%dma_wait3A_1516, %dma_wait3A_1517, %dma_wait3A_1518] : memref<4x128x64xf32, #tpu.memory_space<vmem>> -> memref<1x128x64xf32, #tpu.memory_space<vmem>>
      %dma_wait3A_1520 = tpu.memref_squeeze %dma_wait3A_1519 : memref<1x128x64xf32, #tpu.memory_space<vmem>> -> memref<128x64xf32, #tpu.memory_space<vmem>>
      %dma_wait3A_1521 = arith.constant 0 : i32
      %dma_wait3A_1522 = tpu.memref_slice %arg5[%dma_wait3A_1515, %dma_wait3A_1521] : memref<200x128xi32, #tpu.memory_space<vmem>> -> memref<1x128xi32, #tpu.memory_space<vmem>>
      %dma_wait3A_1523 = tpu.memref_squeeze %dma_wait3A_1522 : memref<1x128xi32, #tpu.memory_space<vmem>> -> memref<128xi32, #tpu.memory_space<vmem>>
      %dma_wait3A_1524 = arith.constant 0 : i32
      %dma_wait3A_1525 = arith.constant 0 : i32
      %dma_wait3A_1526 = tpu.memref_slice %arg3[%dma_wait3A_1524, %dma_wait3A_1525] : memref<1000000x64xf32, #tpu.memory_space<hbm>> -> memref<1000000x64xf32, #tpu.memory_space<hbm>>
      tpu.wait_indirect_dma semaphore(%arg8 : memref<!tpu.dma_semaphore, #tpu.memory_space<semaphore_mem>>) src(%dma_wait3A_1526 : memref<1000000x64xf32, #tpu.memory_space<hbm>>) dst(%dma_wait3A_1520 : memref<128x64xf32, #tpu.memory_space<vmem>>)
      %dma_wait3A_1527 = arith.constant 0 : i32
      %dma_wait3A_1528 = arith.constant 0 : i32
      %dma_wait3A_1529 = arith.constant 0 : i32
      %dma_wait3A_1530 = tpu.memref_slice %arg7[%dma_wait3A_1527, %dma_wait3A_1528, %dma_wait3A_1529] : memref<4x64x128xf32, #tpu.memory_space<vmem>> -> memref<1x64x128xf32, #tpu.memory_space<vmem>>
      %dma_wait3A_1531 = tpu.memref_squeeze %dma_wait3A_1530 : memref<1x64x128xf32, #tpu.memory_space<vmem>> -> memref<64x128xf32, #tpu.memory_space<vmem>>
      %dma_wait3A_1532 = arith.constant 0 : i32
      %dma_wait3A_1533 = arith.constant 0 : i32
      %dma_wait3A_1534 = tpu.memref_slice %arg4[%dma_wait3A_1532, %dma_wait3A_1533] : memref<409600x128xf32, #tpu.memory_space<hbm>> -> memref<64x128xf32, #tpu.memory_space<hbm>>
      %dma_wait3A_1535 = arith.constant 0 : i32
      %dma_wait3A_1536 = arith.constant 0 : i32
      %dma_wait3A_1537 = tpu.memref_slice %arg4[%dma_wait3A_1535, %dma_wait3A_1536] : memref<409600x128xf32, #tpu.memory_space<hbm>> -> memref<64x128xf32, #tpu.memory_space<hbm>>
      %dma_wait3A_1538 = arith.constant 0 : i32
      %dma_wait3A_1539 = arith.constant 0 : i32
      %dma_wait3A_1540 = tpu.memref_slice %arg7[%dma_wait3A_1527, %dma_wait3A_1538, %dma_wait3A_1539] : memref<4x64x128xf32, #tpu.memory_space<vmem>> -> memref<1x64x128xf32, #tpu.memory_space<vmem>>
      %dma_wait3A_1541 = tpu.memref_squeeze %dma_wait3A_1540 : memref<1x64x128xf32, #tpu.memory_space<vmem>> -> memref<64x128xf32, #tpu.memory_space<vmem>>
      tpu.wait_dma2 semaphore(%arg12 : memref<!tpu.dma_semaphore, #tpu.memory_space<semaphore_mem>>) src(%dma_wait3A_1541 : memref<64x128xf32, #tpu.memory_space<vmem>>) dst(%dma_wait3A_1537 : memref<64x128xf32, #tpu.memory_space<hbm>>)
      %get3A_1542 = arith.constant 0 : i32
      %get3A_1543 = arith.constant 0 : i32
      %get3A_1544 = arith.index_cast %get3A_1542 : i32 to index
      %get3A_1545 = arith.index_cast %get3A_1543 : i32 to index
      %get3A_1546 = arith.constant 0 : index
      %get3A_1547 = tpu.vector_load %arg7[%get3A_1544, %get3A_1545, %get3A_1546] {strides = array<i32>} : memref<4x64x128xf32, #tpu.memory_space<vmem>>, vector<16xf32>,
      %swap3A_1548 = arith.constant 0 : i32
      %swap3A_1549 = arith.constant 0 : i32
      %swap3A_1550 = arith.index_cast %swap3A_1548 : i32 to index
      %swap3A_1551 = arith.index_cast %swap3A_1549 : i32 to index
      %swap3A_1552 = arith.constant 0 : index
      %swap3A_1553 = tpu.vector_load %arg7[%swap3A_1550, %swap3A_1551, %swap3A_1552] {strides = array<i32>} : memref<4x64x128xf32, #tpu.memory_space<vmem>>, vector<16xf32>,
      tpu.vector_store %arg7[%swap3A_1550, %swap3A_1551, %swap3A_1552], %get3A_1547 {strides = array<i32>} : memref<4x64x128xf32, #tpu.memory_space<vmem>>, vector<16xf32>,
      %mul3A_1554 = arith.constant 8 : i32
      %mul3A_1555 = arith.muli %add3A_1514, %mul3A_1554 : i32
      %add3A_1556 = arith.constant 0 : i32
      %add3A_1557 = arith.addi %mul3A_1555, %add3A_1556 : i32
      %mul3A_1558 = arith.constant 32 : i32
      %mul3A_1559 = arith.muli %add3A_1557, %mul3A_1558 : i32
      %add3A_1560 = arith.addi %mul3A_1559, %add3A : i32
      %mul3A_1561 = arith.constant 8 : i32
      %mul3A_1562 = arith.muli %add3A_1560, %mul3A_1561 : i32
      %dma_start3A_1563 = arith.constant 0 : i32
      %dma_start3A_1564 = arith.constant 0 : i32
      %dma_start3A_1565 = arith.constant 0 : i32
      %dma_start3A_1566 = tpu.memref_slice %arg7[%dma_start3A_1563, %dma_start3A_1564, %dma_start3A_1565] : memref<4x64x128xf32, #tpu.memory_space<vmem>> -> memref<1x8x128xf32, #tpu.memory_space<vmem>>
      %dma_start3A_1567 = tpu.memref_squeeze %dma_start3A_1566 : memref<1x8x128xf32, #tpu.memory_space<vmem>> -> memref<8x128xf32, #tpu.memory_space<vmem>>
      %dma_start3A_1568 = arith.constant 0 : i32
      %dma_start3A_1569 = tpu.memref_slice %arg4[%mul3A_1562, %dma_start3A_1568] : memref<409600x128xf32, #tpu.memory_space<hbm>> -> memref<8x128xf32, #tpu.memory_space<hbm>>
      %dma_start3A_1570 = arith.constant 0 : i32
      %dma_start3A_1571 = tpu.memref_slice %arg4[%mul3A_1562, %dma_start3A_1570] : memref<409600x128xf32, #tpu.memory_space<hbm>> -> memref<8x128xf32, #tpu.memory_space<hbm>>
      %dma_start3A_1572 = arith.constant 0 : i32
      %dma_start3A_1573 = arith.constant 0 : i32
      %dma_start3A_1574 = tpu.memref_slice %arg7[%dma_start3A_1563, %dma_start3A_1572, %dma_start3A_1573] : memref<4x64x128xf32, #tpu.memory_space<vmem>> -> memref<1x8x128xf32, #tpu.memory_space<vmem>>
      %dma_start3A_1575 = tpu.memref_squeeze %dma_start3A_1574 : memref<1x8x128xf32, #tpu.memory_space<vmem>> -> memref<8x128xf32, #tpu.memory_space<vmem>>
      tpu.enqueue_dma source(%dma_start3A_1575 : memref<8x128xf32, #tpu.memory_space<vmem>>) target(%dma_start3A_1571 : memref<8x128xf32, #tpu.memory_space<hbm>>) target_semaphore(%arg12 : memref<!tpu.dma_semaphore, #tpu.memory_space<semaphore_mem>>)
      %mul3A_1576 = arith.constant 8 : i32
      %mul3A_1577 = arith.muli %add3A_1514, %mul3A_1576 : i32
      %add3A_1578 = arith.constant 1 : i32
      %add3A_1579 = arith.addi %mul3A_1577, %add3A_1578 : i32
      %mul3A_1580 = arith.constant 32 : i32
      %mul3A_1581 = arith.muli %add3A_1579, %mul3A_1580 : i32
      %add3A_1582 = arith.addi %mul3A_1581, %add3A : i32
      %mul3A_1583 = arith.constant 8 : i32
      %mul3A_1584 = arith.muli %add3A_1582, %mul3A_1583 : i32
      %dma_start3A_1585 = arith.constant 0 : i32
      %dma_start3A_1586 = arith.constant 8 : i32
      %dma_start3A_1587 = arith.constant 0 : i32
      %dma_start3A_1588 = tpu.memref_slice %arg7[%dma_start3A_1585, %dma_start3A_1586, %dma_start3A_1587] : memref<4x64x128xf32, #tpu.memory_space<vmem>> -> memref<1x8x128xf32, #tpu.memory_space<vmem>>
      %dma_start3A_1589 = tpu.memref_squeeze %dma_start3A_1588 : memref<1x8x128xf32, #tpu.memory_space<vmem>> -> memref<8x128xf32, #tpu.memory_space<vmem>>
      %dma_start3A_1590 = arith.constant 0 : i32
      %dma_start3A_1591 = tpu.memref_slice %arg4[%mul3A_1584, %dma_start3A_1590] : memref<409600x128xf32, #tpu.memory_space<hbm>> -> memref<8x128xf32, #tpu.memory_space<hbm>>
      %dma_start3A_1592 = arith.constant 0 : i32
      %dma_start3A_1593 = tpu.memref_slice %arg4[%mul3A_1584, %dma_start3A_1592] : memref<409600x128xf32, #tpu.memory_space<hbm>> -> memref<8x128xf32, #tpu.memory_space<hbm>>
      %dma_start3A_1594 = arith.constant 8 : i32
      %dma_start3A_1595 = arith.constant 0 : i32
      %dma_start3A_1596 = tpu.memref_slice %arg7[%dma_start3A_1585, %dma_start3A_1594, %dma_start3A_1595] : memref<4x64x128xf32, #tpu.memory_space<vmem>> -> memref<1x8x128xf32, #tpu.memory_space<vmem>>
      %dma_start3A_1597 = tpu.memref_squeeze %dma_start3A_1596 : memref<1x8x128xf32, #tpu.memory_space<vmem>> -> memref<8x128xf32, #tpu.memory_space<vmem>>
      tpu.enqueue_dma source(%dma_start3A_1597 : memref<8x128xf32, #tpu.memory_space<vmem>>) target(%dma_start3A_1593 : memref<8x128xf32, #tpu.memory_space<hbm>>) target_semaphore(%arg12 : memref<!tpu.dma_semaphore, #tpu.memory_space<semaphore_mem>>)
      %mul3A_1598 = arith.constant 8 : i32
      %mul3A_1599 = arith.muli %add3A_1514, %mul3A_1598 : i32
      %add3A_1600 = arith.constant 2 : i32
      %add3A_1601 = arith.addi %mul3A_1599, %add3A_1600 : i32
      %mul3A_1602 = arith.constant 32 : i32
      %mul3A_1603 = arith.muli %add3A_1601, %mul3A_1602 : i32
      %add3A_1604 = arith.addi %mul3A_1603, %add3A : i32
      %mul3A_1605 = arith.constant 8 : i32
      %mul3A_1606 = arith.muli %add3A_1604, %mul3A_1605 : i32
      %dma_start3A_1607 = arith.constant 0 : i32
      %dma_start3A_1608 = arith.constant 16 : i32
      %dma_start3A_1609 = arith.constant 0 : i32
      %dma_start3A_1610 = tpu.memref_slice %arg7[%dma_start3A_1607, %dma_start3A_1608, %dma_start3A_1609] : memref<4x64x128xf32, #tpu.memory_space<vmem>> -> memref<1x8x128xf32, #tpu.memory_space<vmem>>
      %dma_start3A_1611 = tpu.memref_squeeze %dma_start3A_1610 : memref<1x8x128xf32, #tpu.memory_space<vmem>> -> memref<8x128xf32, #tpu.memory_space<vmem>>
      %dma_start3A_1612 = arith.constant 0 : i32
      %dma_start3A_1613 = tpu.memref_slice %arg4[%mul3A_1606, %dma_start3A_1612] : memref<409600x128xf32, #tpu.memory_space<hbm>> -> memref<8x128xf32, #tpu.memory_space<hbm>>
      %dma_start3A_1614 = arith.constant 0 : i32
      %dma_start3A_1615 = tpu.memref_slice %arg4[%mul3A_1606, %dma_start3A_1614] : memref<409600x128xf32, #tpu.memory_space<hbm>> -> memref<8x128xf32, #tpu.memory_space<hbm>>
      %dma_start3A_1616 = arith.constant 16 : i32
      %dma_start3A_1617 = arith.constant 0 : i32
      %dma_start3A_1618 = tpu.memref_slice %arg7[%dma_start3A_1607, %dma_start3A_1616, %dma_start3A_1617] : memref<4x64x128xf32, #tpu.memory_space<vmem>> -> memref<1x8x128xf32, #tpu.memory_space<vmem>>
      %dma_start3A_1619 = tpu.memref_squeeze %dma_start3A_1618 : memref<1x8x128xf32, #tpu.memory_space<vmem>> -> memref<8x128xf32, #tpu.memory_space<vmem>>
      tpu.enqueue_dma source(%dma_start3A_1619 : memref<8x128xf32, #tpu.memory_space<vmem>>) target(%dma_start3A_1615 : memref<8x128xf32, #tpu.memory_space<hbm>>) target_semaphore(%arg12 : memref<!tpu.dma_semaphore, #tpu.memory_space<semaphore_mem>>)
      %mul3A_1620 = arith.constant 8 : i32
      %mul3A_1621 = arith.muli %add3A_1514, %mul3A_1620 : i32
      %add3A_1622 = arith.constant 3 : i32
      %add3A_1623 = arith.addi %mul3A_1621, %add3A_1622 : i32
      %mul3A_1624 = arith.constant 32 : i32
      %mul3A_1625 = arith.muli %add3A_1623, %mul3A_1624 : i32
      %add3A_1626 = arith.addi %mul3A_1625, %add3A : i32
      %mul3A_1627 = arith.constant 8 : i32
      %mul3A_1628 = arith.muli %add3A_1626, %mul3A_1627 : i32
      %dma_start3A_1629 = arith.constant 0 : i32
      %dma_start3A_1630 = arith.constant 24 : i32
      %dma_start3A_1631 = arith.constant 0 : i32
      %dma_start3A_1632 = tpu.memref_slice %arg7[%dma_start3A_1629, %dma_start3A_1630, %dma_start3A_1631] : memref<4x64x128xf32, #tpu.memory_space<vmem>> -> memref<1x8x128xf32, #tpu.memory_space<vmem>>
      %dma_start3A_1633 = tpu.memref_squeeze %dma_start3A_1632 : memref<1x8x128xf32, #tpu.memory_space<vmem>> -> memref<8x128xf32, #tpu.memory_space<vmem>>
      %dma_start3A_1634 = arith.constant 0 : i32
      %dma_start3A_1635 = tpu.memref_slice %arg4[%mul3A_1628, %dma_start3A_1634] : memref<409600x128xf32, #tpu.memory_space<hbm>> -> memref<8x128xf32, #tpu.memory_space<hbm>>
      %dma_start3A_1636 = arith.constant 0 : i32
      %dma_start3A_1637 = tpu.memref_slice %arg4[%mul3A_1628, %dma_start3A_1636] : memref<409600x128xf32, #tpu.memory_space<hbm>> -> memref<8x128xf32, #tpu.memory_space<hbm>>
      %dma_start3A_1638 = arith.constant 24 : i32
      %dma_start3A_1639 = arith.constant 0 : i32
      %dma_start3A_1640 = tpu.memref_slice %arg7[%dma_start3A_1629, %dma_start3A_1638, %dma_start3A_1639] : memref<4x64x128xf32, #tpu.memory_space<vmem>> -> memref<1x8x128xf32, #tpu.memory_space<vmem>>
      %dma_start3A_1641 = tpu.memref_squeeze %dma_start3A_1640 : memref<1x8x128xf32, #tpu.memory_space<vmem>> -> memref<8x128xf32, #tpu.memory_space<vmem>>
      tpu.enqueue_dma source(%dma_start3A_1641 : memref<8x128xf32, #tpu.memory_space<vmem>>) target(%dma_start3A_1637 : memref<8x128xf32, #tpu.memory_space<hbm>>) target_semaphore(%arg12 : memref<!tpu.dma_semaphore, #tpu.memory_space<semaphore_mem>>)
      %mul3A_1642 = arith.constant 8 : i32
      %mul3A_1643 = arith.muli %add3A_1514, %mul3A_1642 : i32
      %add3A_1644 = arith.constant 4 : i32
      %add3A_1645 = arith.addi %mul3A_1643, %add3A_1644 : i32
      %mul3A_1646 = arith.constant 32 : i32
      %mul3A_1647 = arith.muli %add3A_1645, %mul3A_1646 : i32
      %add3A_1648 = arith.addi %mul3A_1647, %add3A : i32
      %mul3A_1649 = arith.constant 8 : i32
      %mul3A_1650 = arith.muli %add3A_1648, %mul3A_1649 : i32
      %dma_start3A_1651 = arith.constant 0 : i32
      %dma_start3A_1652 = arith.constant 32 : i32
      %dma_start3A_1653 = arith.constant 0 : i32
      %dma_start3A_1654 = tpu.memref_slice %arg7[%dma_start3A_1651, %dma_start3A_1652, %dma_start3A_1653] : memref<4x64x128xf32, #tpu.memory_space<vmem>> -> memref<1x8x128xf32, #tpu.memory_space<vmem>>
      %dma_start3A_1655 = tpu.memref_squeeze %dma_start3A_1654 : memref<1x8x128xf32, #tpu.memory_space<vmem>> -> memref<8x128xf32, #tpu.memory_space<vmem>>
      %dma_start3A_1656 = arith.constant 0 : i32
      %dma_start3A_1657 = tpu.memref_slice %arg4[%mul3A_1650, %dma_start3A_1656] : memref<409600x128xf32, #tpu.memory_space<hbm>> -> memref<8x128xf32, #tpu.memory_space<hbm>>
      %dma_start3A_1658 = arith.constant 0 : i32
      %dma_start3A_1659 = tpu.memref_slice %arg4[%mul3A_1650, %dma_start3A_1658] : memref<409600x128xf32, #tpu.memory_space<hbm>> -> memref<8x128xf32, #tpu.memory_space<hbm>>
      %dma_start3A_1660 = arith.constant 32 : i32
      %dma_start3A_1661 = arith.constant 0 : i32
      %dma_start3A_1662 = tpu.memref_slice %arg7[%dma_start3A_1651, %dma_start3A_1660, %dma_start3A_1661] : memref<4x64x128xf32, #tpu.memory_space<vmem>> -> memref<1x8x128xf32, #tpu.memory_space<vmem>>
      %dma_start3A_1663 = tpu.memref_squeeze %dma_start3A_1662 : memref<1x8x128xf32, #tpu.memory_space<vmem>> -> memref<8x128xf32, #tpu.memory_space<vmem>>
      tpu.enqueue_dma source(%dma_start3A_1663 : memref<8x128xf32, #tpu.memory_space<vmem>>) target(%dma_start3A_1659 : memref<8x128xf32, #tpu.memory_space<hbm>>) target_semaphore(%arg12 : memref<!tpu.dma_semaphore, #tpu.memory_space<semaphore_mem>>)
      %mul3A_1664 = arith.constant 8 : i32
      %mul3A_1665 = arith.muli %add3A_1514, %mul3A_1664 : i32
      %add3A_1666 = arith.constant 5 : i32
      %add3A_1667 = arith.addi %mul3A_1665, %add3A_1666 : i32
      %mul3A_1668 = arith.constant 32 : i32
      %mul3A_1669 = arith.muli %add3A_1667, %mul3A_1668 : i32
      %add3A_1670 = arith.addi %mul3A_1669, %add3A : i32
      %mul3A_1671 = arith.constant 8 : i32
      %mul3A_1672 = arith.muli %add3A_1670, %mul3A_1671 : i32
      %dma_start3A_1673 = arith.constant 0 : i32
      %dma_start3A_1674 = arith.constant 40 : i32
      %dma_start3A_1675 = arith.constant 0 : i32
      %dma_start3A_1676 = tpu.memref_slice %arg7[%dma_start3A_1673, %dma_start3A_1674, %dma_start3A_1675] : memref<4x64x128xf32, #tpu.memory_space<vmem>> -> memref<1x8x128xf32, #tpu.memory_space<vmem>>
      %dma_start3A_1677 = tpu.memref_squeeze %dma_start3A_1676 : memref<1x8x128xf32, #tpu.memory_space<vmem>> -> memref<8x128xf32, #tpu.memory_space<vmem>>
      %dma_start3A_1678 = arith.constant 0 : i32
      %dma_start3A_1679 = tpu.memref_slice %arg4[%mul3A_1672, %dma_start3A_1678] : memref<409600x128xf32, #tpu.memory_space<hbm>> -> memref<8x128xf32, #tpu.memory_space<hbm>>
      %dma_start3A_1680 = arith.constant 0 : i32
      %dma_start3A_1681 = tpu.memref_slice %arg4[%mul3A_1672, %dma_start3A_1680] : memref<409600x128xf32, #tpu.memory_space<hbm>> -> memref<8x128xf32, #tpu.memory_space<hbm>>
      %dma_start3A_1682 = arith.constant 40 : i32
      %dma_start3A_1683 = arith.constant 0 : i32
      %dma_start3A_1684 = tpu.memref_slice %arg7[%dma_start3A_1673, %dma_start3A_1682, %dma_start3A_1683] : memref<4x64x128xf32, #tpu.memory_space<vmem>> -> memref<1x8x128xf32, #tpu.memory_space<vmem>>
      %dma_start3A_1685 = tpu.memref_squeeze %dma_start3A_1684 : memref<1x8x128xf32, #tpu.memory_space<vmem>> -> memref<8x128xf32, #tpu.memory_space<vmem>>
      tpu.enqueue_dma source(%dma_start3A_1685 : memref<8x128xf32, #tpu.memory_space<vmem>>) target(%dma_start3A_1681 : memref<8x128xf32, #tpu.memory_space<hbm>>) target_semaphore(%arg12 : memref<!tpu.dma_semaphore, #tpu.memory_space<semaphore_mem>>)
      %mul3A_1686 = arith.constant 8 : i32
      %mul3A_1687 = arith.muli %add3A_1514, %mul3A_1686 : i32
      %add3A_1688 = arith.constant 6 : i32
      %add3A_1689 = arith.addi %mul3A_1687, %add3A_1688 : i32
      %mul3A_1690 = arith.constant 32 : i32
      %mul3A_1691 = arith.muli %add3A_1689, %mul3A_1690 : i32
      %add3A_1692 = arith.addi %mul3A_1691, %add3A : i32
      %mul3A_1693 = arith.constant 8 : i32
      %mul3A_1694 = arith.muli %add3A_1692, %mul3A_1693 : i32
      %dma_start3A_1695 = arith.constant 0 : i32
      %dma_start3A_1696 = arith.constant 48 : i32
      %dma_start3A_1697 = arith.constant 0 : i32
      %dma_start3A_1698 = tpu.memref_slice %arg7[%dma_start3A_1695, %dma_start3A_1696, %dma_start3A_1697] : memref<4x64x128xf32, #tpu.memory_space<vmem>> -> memref<1x8x128xf32, #tpu.memory_space<vmem>>
      %dma_start3A_1699 = tpu.memref_squeeze %dma_start3A_1698 : memref<1x8x128xf32, #tpu.memory_space<vmem>> -> memref<8x128xf32, #tpu.memory_space<vmem>>
      %dma_start3A_1700 = arith.constant 0 : i32
      %dma_start3A_1701 = tpu.memref_slice %arg4[%mul3A_1694, %dma_start3A_1700] : memref<409600x128xf32, #tpu.memory_space<hbm>> -> memref<8x128xf32, #tpu.memory_space<hbm>>
      %dma_start3A_1702 = arith.constant 0 : i32
      %dma_start3A_1703 = tpu.memref_slice %arg4[%mul3A_1694, %dma_start3A_1702] : memref<409600x128xf32, #tpu.memory_space<hbm>> -> memref<8x128xf32, #tpu.memory_space<hbm>>
      %dma_start3A_1704 = arith.constant 48 : i32
      %dma_start3A_1705 = arith.constant 0 : i32
      %dma_start3A_1706 = tpu.memref_slice %arg7[%dma_start3A_1695, %dma_start3A_1704, %dma_start3A_1705] : memref<4x64x128xf32, #tpu.memory_space<vmem>> -> memref<1x8x128xf32, #tpu.memory_space<vmem>>
      %dma_start3A_1707 = tpu.memref_squeeze %dma_start3A_1706 : memref<1x8x128xf32, #tpu.memory_space<vmem>> -> memref<8x128xf32, #tpu.memory_space<vmem>>
      tpu.enqueue_dma source(%dma_start3A_1707 : memref<8x128xf32, #tpu.memory_space<vmem>>) target(%dma_start3A_1703 : memref<8x128xf32, #tpu.memory_space<hbm>>) target_semaphore(%arg12 : memref<!tpu.dma_semaphore, #tpu.memory_space<semaphore_mem>>)
      %mul3A_1708 = arith.constant 8 : i32
      %mul3A_1709 = arith.muli %add3A_1514, %mul3A_1708 : i32
      %add3A_1710 = arith.constant 7 : i32
      %add3A_1711 = arith.addi %mul3A_1709, %add3A_1710 : i32
      %mul3A_1712 = arith.constant 32 : i32
      %mul3A_1713 = arith.muli %add3A_1711, %mul3A_1712 : i32
      %add3A_1714 = arith.addi %mul3A_1713, %add3A : i32
      %mul3A_1715 = arith.constant 8 : i32
      %mul3A_1716 = arith.muli %add3A_1714, %mul3A_1715 : i32
      %dma_start3A_1717 = arith.constant 0 : i32
      %dma_start3A_1718 = arith.constant 56 : i32
      %dma_start3A_1719 = arith.constant 0 : i32
      %dma_start3A_1720 = tpu.memref_slice %arg7[%dma_start3A_1717, %dma_start3A_1718, %dma_start3A_1719] : memref<4x64x128xf32, #tpu.memory_space<vmem>> -> memref<1x8x128xf32, #tpu.memory_space<vmem>>
      %dma_start3A_1721 = tpu.memref_squeeze %dma_start3A_1720 : memref<1x8x128xf32, #tpu.memory_space<vmem>> -> memref<8x128xf32, #tpu.memory_space<vmem>>
      %dma_start3A_1722 = arith.constant 0 : i32
      %dma_start3A_1723 = tpu.memref_slice %arg4[%mul3A_1716, %dma_start3A_1722] : memref<409600x128xf32, #tpu.memory_space<hbm>> -> memref<8x128xf32, #tpu.memory_space<hbm>>
      %dma_start3A_1724 = arith.constant 0 : i32
      %dma_start3A_1725 = tpu.memref_slice %arg4[%mul3A_1716, %dma_start3A_1724] : memref<409600x128xf32, #tpu.memory_space<hbm>> -> memref<8x128xf32, #tpu.memory_space<hbm>>
      %dma_start3A_1726 = arith.constant 56 : i32
      %dma_start3A_1727 = arith.constant 0 : i32
      %dma_start3A_1728 = tpu.memref_slice %arg7[%dma_start3A_1717, %dma_start3A_1726, %dma_start3A_1727] : memref<4x64x128xf32, #tpu.memory_space<vmem>> -> memref<1x8x128xf32, #tpu.memory_space<vmem>>
      %dma_start3A_1729 = tpu.memref_squeeze %dma_start3A_1728 : memref<1x8x128xf32, #tpu.memory_space<vmem>> -> memref<8x128xf32, #tpu.memory_space<vmem>>
      tpu.enqueue_dma source(%dma_start3A_1729 : memref<8x128xf32, #tpu.memory_space<vmem>>) target(%dma_start3A_1725 : memref<8x128xf32, #tpu.memory_space<hbm>>) target_semaphore(%arg12 : memref<!tpu.dma_semaphore, #tpu.memory_space<semaphore_mem>>)
      %add3A_1730 = arith.constant 4 : i32
      %add3A_1731 = arith.addi %add3A_1514, %add3A_1730 : i32
      %dma_start3A_1732 = arith.constant 0 : i32
      %dma_start3A_1733 = arith.constant 0 : i32
      %dma_start3A_1734 = arith.constant 0 : i32
      %dma_start3A_1735 = tpu.memref_slice %arg6[%dma_start3A_1732, %dma_start3A_1733, %dma_start3A_1734] : memref<4x128x64xf32, #tpu.memory_space<vmem>> -> memref<1x128x64xf32, #tpu.memory_space<vmem>>
      %dma_start3A_1736 = tpu.memref_squeeze %dma_start3A_1735 : memref<1x128x64xf32, #tpu.memory_space<vmem>> -> memref<128x64xf32, #tpu.memory_space<vmem>>
      %dma_start3A_1737 = arith.constant 0 : i32
      %dma_start3A_1738 = tpu.memref_slice %arg5[%add3A_1731, %dma_start3A_1737] : memref<200x128xi32, #tpu.memory_space<vmem>> -> memref<1x128xi32, #tpu.memory_space<vmem>>
      %dma_start3A_1739 = tpu.memref_squeeze %dma_start3A_1738 : memref<1x128xi32, #tpu.memory_space<vmem>> -> memref<128xi32, #tpu.memory_space<vmem>>
      %dma_start3A_1740 = arith.constant 0 : i32
      %dma_start3A_1741 = arith.constant 0 : i32
      %dma_start3A_1742 = tpu.memref_slice %arg3[%dma_start3A_1740, %dma_start3A_1741] : memref<1000000x64xf32, #tpu.memory_space<hbm>> -> memref<1000000x64xf32, #tpu.memory_space<hbm>>
      tpu.enqueue_indirect_dma source(%dma_start3A_1742 : memref<1000000x64xf32, #tpu.memory_space<hbm>>) target(%dma_start3A_1736 : memref<128x64xf32, #tpu.memory_space<vmem>>) offsets(%dma_start3A_1739 : memref<128xi32, #tpu.memory_space<vmem>>) semaphore(%arg8 : memref<!tpu.dma_semaphore, #tpu.memory_space<semaphore_mem>>)
      %mul3A_1743 = arith.constant 4 : i32
      %mul3A_1744 = arith.muli %scan3A_1510, %mul3A_1743 : i32
      %add3A_1745 = arith.constant 1 : i32
      %add3A_1746 = arith.addi %mul3A_1744, %add3A_1745 : i32
      %dma_wait3A_1747 = arith.constant 0 : i32
      %dma_wait3A_1748 = arith.constant 1 : i32
      %dma_wait3A_1749 = arith.constant 0 : i32
      %dma_wait3A_1750 = arith.constant 0 : i32
      %dma_wait3A_1751 = tpu.memref_slice %arg6[%dma_wait3A_1748, %dma_wait3A_1749, %dma_wait3A_1750] : memref<4x128x64xf32, #tpu.memory_space<vmem>> -> memref<1x128x64xf32, #tpu.memory_space<vmem>>
      %dma_wait3A_1752 = tpu.memref_squeeze %dma_wait3A_1751 : memref<1x128x64xf32, #tpu.memory_space<vmem>> -> memref<128x64xf32, #tpu.memory_space<vmem>>
      %dma_wait3A_1753 = arith.constant 0 : i32
      %dma_wait3A_1754 = tpu.memref_slice %arg5[%dma_wait3A_1747, %dma_wait3A_1753] : memref<200x128xi32, #tpu.memory_space<vmem>> -> memref<1x128xi32, #tpu.memory_space<vmem>>
      %dma_wait3A_1755 = tpu.memref_squeeze %dma_wait3A_1754 : memref<1x128xi32, #tpu.memory_space<vmem>> -> memref<128xi32, #tpu.memory_space<vmem>>
      %dma_wait3A_1756 = arith.constant 0 : i32
      %dma_wait3A_1757 = arith.constant 0 : i32
      %dma_wait3A_1758 = tpu.memref_slice %arg3[%dma_wait3A_1756, %dma_wait3A_1757] : memref<1000000x64xf32, #tpu.memory_space<hbm>> -> memref<1000000x64xf32, #tpu.memory_space<hbm>>
      tpu.wait_indirect_dma semaphore(%arg9 : memref<!tpu.dma_semaphore, #tpu.memory_space<semaphore_mem>>) src(%dma_wait3A_1758 : memref<1000000x64xf32, #tpu.memory_space<hbm>>) dst(%dma_wait3A_1752 : memref<128x64xf32, #tpu.memory_space<vmem>>)
      %dma_wait3A_1759 = arith.constant 1 : i32
      %dma_wait3A_1760 = arith.constant 0 : i32
      %dma_wait3A_1761 = arith.constant 0 : i32
      %dma_wait3A_1762 = tpu.memref_slice %arg7[%dma_wait3A_1759, %dma_wait3A_1760, %dma_wait3A_1761] : memref<4x64x128xf32, #tpu.memory_space<vmem>> -> memref<1x64x128xf32, #tpu.memory_space<vmem>>
      %dma_wait3A_1763 = tpu.memref_squeeze %dma_wait3A_1762 : memref<1x64x128xf32, #tpu.memory_space<vmem>> -> memref<64x128xf32, #tpu.memory_space<vmem>>
      %dma_wait3A_1764 = arith.constant 0 : i32
      %dma_wait3A_1765 = arith.constant 0 : i32
      %dma_wait3A_1766 = tpu.memref_slice %arg4[%dma_wait3A_1764, %dma_wait3A_1765] : memref<409600x128xf32, #tpu.memory_space<hbm>> -> memref<64x128xf32, #tpu.memory_space<hbm>>
      %dma_wait3A_1767 = arith.constant 0 : i32
      %dma_wait3A_1768 = arith.constant 0 : i32
      %dma_wait3A_1769 = tpu.memref_slice %arg4[%dma_wait3A_1767, %dma_wait3A_1768] : memref<409600x128xf32, #tpu.memory_space<hbm>> -> memref<64x128xf32, #tpu.memory_space<hbm>>
      %dma_wait3A_1770 = arith.constant 0 : i32
      %dma_wait3A_1771 = arith.constant 0 : i32
      %dma_wait3A_1772 = tpu.memref_slice %arg7[%dma_wait3A_1759, %dma_wait3A_1770, %dma_wait3A_1771] : memref<4x64x128xf32, #tpu.memory_space<vmem>> -> memref<1x64x128xf32, #tpu.memory_space<vmem>>
      %dma_wait3A_1773 = tpu.memref_squeeze %dma_wait3A_1772 : memref<1x64x128xf32, #tpu.memory_space<vmem>> -> memref<64x128xf32, #tpu.memory_space<vmem>>
      tpu.wait_dma2 semaphore(%arg13 : memref<!tpu.dma_semaphore, #tpu.memory_space<semaphore_mem>>) src(%dma_wait3A_1773 : memref<64x128xf32, #tpu.memory_space<vmem>>) dst(%dma_wait3A_1769 : memref<64x128xf32, #tpu.memory_space<hbm>>)
      %get3A_1774 = arith.constant 1 : i32
      %get3A_1775 = arith.constant 0 : i32
      %get3A_1776 = arith.index_cast %get3A_1774 : i32 to index
      %get3A_1777 = arith.index_cast %get3A_1775 : i32 to index
      %get3A_1778 = arith.constant 0 : index
      %get3A_1779 = tpu.vector_load %arg7[%get3A_1776, %get3A_1777, %get3A_1778] {strides = array<i32>} : memref<4x64x128xf32, #tpu.memory_space<vmem>>, vector<16xf32>,
      %swap3A_1780 = arith.constant 1 : i32
      %swap3A_1781 = arith.constant 0 : i32
      %swap3A_1782 = arith.index_cast %swap3A_1780 : i32 to index
      %swap3A_1783 = arith.index_cast %swap3A_1781 : i32 to index
      %swap3A_1784 = arith.constant 0 : index
      %swap3A_1785 = tpu.vector_load %arg7[%swap3A_1782, %swap3A_1783, %swap3A_1784] {strides = array<i32>} : memref<4x64x128xf32, #tpu.memory_space<vmem>>, vector<16xf32>,
      tpu.vector_store %arg7[%swap3A_1782, %swap3A_1783, %swap3A_1784], %get3A_1779 {strides = array<i32>} : memref<4x64x128xf32, #tpu.memory_space<vmem>>, vector<16xf32>,
      %mul3A_1786 = arith.constant 8 : i32
      %mul3A_1787 = arith.muli %add3A_1746, %mul3A_1786 : i32
      %add3A_1788 = arith.constant 0 : i32
      %add3A_1789 = arith.addi %mul3A_1787, %add3A_1788 : i32
      %mul3A_1790 = arith.constant 32 : i32
      %mul3A_1791 = arith.muli %add3A_1789, %mul3A_1790 : i32
      %add3A_1792 = arith.addi %mul3A_1791, %add3A : i32
      %mul3A_1793 = arith.constant 8 : i32
      %mul3A_1794 = arith.muli %add3A_1792, %mul3A_1793 : i32
      %dma_start3A_1795 = arith.constant 1 : i32
      %dma_start3A_1796 = arith.constant 0 : i32
      %dma_start3A_1797 = arith.constant 0 : i32
      %dma_start3A_1798 = tpu.memref_slice %arg7[%dma_start3A_1795, %dma_start3A_1796, %dma_start3A_1797] : memref<4x64x128xf32, #tpu.memory_space<vmem>> -> memref<1x8x128xf32, #tpu.memory_space<vmem>>
      %dma_start3A_1799 = tpu.memref_squeeze %dma_start3A_1798 : memref<1x8x128xf32, #tpu.memory_space<vmem>> -> memref<8x128xf32, #tpu.memory_space<vmem>>
      %dma_start3A_1800 = arith.constant 0 : i32
      %dma_start3A_1801 = tpu.memref_slice %arg4[%mul3A_1794, %dma_start3A_1800] : memref<409600x128xf32, #tpu.memory_space<hbm>> -> memref<8x128xf32, #tpu.memory_space<hbm>>
      %dma_start3A_1802 = arith.constant 0 : i32
      %dma_start3A_1803 = tpu.memref_slice %arg4[%mul3A_1794, %dma_start3A_1802] : memref<409600x128xf32, #tpu.memory_space<hbm>> -> memref<8x128xf32, #tpu.memory_space<hbm>>
      %dma_start3A_1804 = arith.constant 0 : i32
      %dma_start3A_1805 = arith.constant 0 : i32
      %dma_start3A_1806 = tpu.memref_slice %arg7[%dma_start3A_1795, %dma_start3A_1804, %dma_start3A_1805] : memref<4x64x128xf32, #tpu.memory_space<vmem>> -> memref<1x8x128xf32, #tpu.memory_space<vmem>>
      %dma_start3A_1807 = tpu.memref_squeeze %dma_start3A_1806 : memref<1x8x128xf32, #tpu.memory_space<vmem>> -> memref<8x128xf32, #tpu.memory_space<vmem>>
      tpu.enqueue_dma source(%dma_start3A_1807 : memref<8x128xf32, #tpu.memory_space<vmem>>) target(%dma_start3A_1803 : memref<8x128xf32, #tpu.memory_space<hbm>>) target_semaphore(%arg13 : memref<!tpu.dma_semaphore, #tpu.memory_space<semaphore_mem>>)
      %mul3A_1808 = arith.constant 8 : i32
      %mul3A_1809 = arith.muli %add3A_1746, %mul3A_1808 : i32
      %add3A_1810 = arith.constant 1 : i32
      %add3A_1811 = arith.addi %mul3A_1809, %add3A_1810 : i32
      %mul3A_1812 = arith.constant 32 : i32
      %mul3A_1813 = arith.muli %add3A_1811, %mul3A_1812 : i32
      %add3A_1814 = arith.addi %mul3A_1813, %add3A : i32
      %mul3A_1815 = arith.constant 8 : i32
      %mul3A_1816 = arith.muli %add3A_1814, %mul3A_1815 : i32
      %dma_start3A_1817 = arith.constant 1 : i32
      %dma_start3A_1818 = arith.constant 8 : i32
      %dma_start3A_1819 = arith.constant 0 : i32
      %dma_start3A_1820 = tpu.memref_slice %arg7[%dma_start3A_1817, %dma_start3A_1818, %dma_start3A_1819] : memref<4x64x128xf32, #tpu.memory_space<vmem>> -> memref<1x8x128xf32, #tpu.memory_space<vmem>>
      %dma_start3A_1821 = tpu.memref_squeeze %dma_start3A_1820 : memref<1x8x128xf32, #tpu.memory_space<vmem>> -> memref<8x128xf32, #tpu.memory_space<vmem>>
      %dma_start3A_1822 = arith.constant 0 : i32
      %dma_start3A_1823 = tpu.memref_slice %arg4[%mul3A_1816, %dma_start3A_1822] : memref<409600x128xf32, #tpu.memory_space<hbm>> -> memref<8x128xf32, #tpu.memory_space<hbm>>
      %dma_start3A_1824 = arith.constant 0 : i32
      %dma_start3A_1825 = tpu.memref_slice %arg4[%mul3A_1816, %dma_start3A_1824] : memref<409600x128xf32, #tpu.memory_space<hbm>> -> memref<8x128xf32, #tpu.memory_space<hbm>>
      %dma_start3A_1826 = arith.constant 8 : i32
      %dma_start3A_1827 = arith.constant 0 : i32
      %dma_start3A_1828 = tpu.memref_slice %arg7[%dma_start3A_1817, %dma_start3A_1826, %dma_start3A_1827] : memref<4x64x128xf32, #tpu.memory_space<vmem>> -> memref<1x8x128xf32, #tpu.memory_space<vmem>>
      %dma_start3A_1829 = tpu.memref_squeeze %dma_start3A_1828 : memref<1x8x128xf32, #tpu.memory_space<vmem>> -> memref<8x128xf32, #tpu.memory_space<vmem>>
      tpu.enqueue_dma source(%dma_start3A_1829 : memref<8x128xf32, #tpu.memory_space<vmem>>) target(%dma_start3A_1825 : memref<8x128xf32, #tpu.memory_space<hbm>>) target_semaphore(%arg13 : memref<!tpu.dma_semaphore, #tpu.memory_space<semaphore_mem>>)
      %mul3A_1830 = arith.constant 8 : i32
      %mul3A_1831 = arith.muli %add3A_1746, %mul3A_1830 : i32
      %add3A_1832 = arith.constant 2 : i32
      %add3A_1833 = arith.addi %mul3A_1831, %add3A_1832 : i32
      %mul3A_1834 = arith.constant 32 : i32
      %mul3A_1835 = arith.muli %add3A_1833, %mul3A_1834 : i32
      %add3A_1836 = arith.addi %mul3A_1835, %add3A : i32
      %mul3A_1837 = arith.constant 8 : i32
      %mul3A_1838 = arith.muli %add3A_1836, %mul3A_1837 : i32
      %dma_start3A_1839 = arith.constant 1 : i32
      %dma_start3A_1840 = arith.constant 16 : i32
      %dma_start3A_1841 = arith.constant 0 : i32
      %dma_start3A_1842 = tpu.memref_slice %arg7[%dma_start3A_1839, %dma_start3A_1840, %dma_start3A_1841] : memref<4x64x128xf32, #tpu.memory_space<vmem>> -> memref<1x8x128xf32, #tpu.memory_space<vmem>>
      %dma_start3A_1843 = tpu.memref_squeeze %dma_start3A_1842 : memref<1x8x128xf32, #tpu.memory_space<vmem>> -> memref<8x128xf32, #tpu.memory_space<vmem>>
      %dma_start3A_1844 = arith.constant 0 : i32
      %dma_start3A_1845 = tpu.memref_slice %arg4[%mul3A_1838, %dma_start3A_1844] : memref<409600x128xf32, #tpu.memory_space<hbm>> -> memref<8x128xf32, #tpu.memory_space<hbm>>
      %dma_start3A_1846 = arith.constant 0 : i32
      %dma_start3A_1847 = tpu.memref_slice %arg4[%mul3A_1838, %dma_start3A_1846] : memref<409600x128xf32, #tpu.memory_space<hbm>> -> memref<8x128xf32, #tpu.memory_space<hbm>>
      %dma_start3A_1848 = arith.constant 16 : i32
      %dma_start3A_1849 = arith.constant 0 : i32
      %dma_start3A_1850 = tpu.memref_slice %arg7[%dma_start3A_1839, %dma_start3A_1848, %dma_start3A_1849] : memref<4x64x128xf32, #tpu.memory_space<vmem>> -> memref<1x8x128xf32, #tpu.memory_space<vmem>>
      %dma_start3A_1851 = tpu.memref_squeeze %dma_start3A_1850 : memref<1x8x128xf32, #tpu.memory_space<vmem>> -> memref<8x128xf32, #tpu.memory_space<vmem>>
      tpu.enqueue_dma source(%dma_start3A_1851 : memref<8x128xf32, #tpu.memory_space<vmem>>) target(%dma_start3A_1847 : memref<8x128xf32, #tpu.memory_space<hbm>>) target_semaphore(%arg13 : memref<!tpu.dma_semaphore, #tpu.memory_space<semaphore_mem>>)
      %mul3A_1852 = arith.constant 8 : i32
      %mul3A_1853 = arith.muli %add3A_1746, %mul3A_1852 : i32
      %add3A_1854 = arith.constant 3 : i32
      %add3A_1855 = arith.addi %mul3A_1853, %add3A_1854 : i32
      %mul3A_1856 = arith.constant 32 : i32
      %mul3A_1857 = arith.muli %add3A_1855, %mul3A_1856 : i32
      %add3A_1858 = arith.addi %mul3A_1857, %add3A : i32
      %mul3A_1859 = arith.constant 8 : i32
      %mul3A_1860 = arith.muli %add3A_1858, %mul3A_1859 : i32
      %dma_start3A_1861 = arith.constant 1 : i32
      %dma_start3A_1862 = arith.constant 24 : i32
      %dma_start3A_1863 = arith.constant 0 : i32
      %dma_start3A_1864 = tpu.memref_slice %arg7[%dma_start3A_1861, %dma_start3A_1862, %dma_start3A_1863] : memref<4x64x128xf32, #tpu.memory_space<vmem>> -> memref<1x8x128xf32, #tpu.memory_space<vmem>>
      %dma_start3A_1865 = tpu.memref_squeeze %dma_start3A_1864 : memref<1x8x128xf32, #tpu.memory_space<vmem>> -> memref<8x128xf32, #tpu.memory_space<vmem>>
      %dma_start3A_1866 = arith.constant 0 : i32
      %dma_start3A_1867 = tpu.memref_slice %arg4[%mul3A_1860, %dma_start3A_1866] : memref<409600x128xf32, #tpu.memory_space<hbm>> -> memref<8x128xf32, #tpu.memory_space<hbm>>
      %dma_start3A_1868 = arith.constant 0 : i32
      %dma_start3A_1869 = tpu.memref_slice %arg4[%mul3A_1860, %dma_start3A_1868] : memref<409600x128xf32, #tpu.memory_space<hbm>> -> memref<8x128xf32, #tpu.memory_space<hbm>>
      %dma_start3A_1870 = arith.constant 24 : i32
      %dma_start3A_1871 = arith.constant 0 : i32
      %dma_start3A_1872 = tpu.memref_slice %arg7[%dma_start3A_1861, %dma_start3A_1870, %dma_start3A_1871] : memref<4x64x128xf32, #tpu.memory_space<vmem>> -> memref<1x8x128xf32, #tpu.memory_space<vmem>>
      %dma_start3A_1873 = tpu.memref_squeeze %dma_start3A_1872 : memref<1x8x128xf32, #tpu.memory_space<vmem>> -> memref<8x128xf32, #tpu.memory_space<vmem>>
      tpu.enqueue_dma source(%dma_start3A_1873 : memref<8x128xf32, #tpu.memory_space<vmem>>) target(%dma_start3A_1869 : memref<8x128xf32, #tpu.memory_space<hbm>>) target_semaphore(%arg13 : memref<!tpu.dma_semaphore, #tpu.memory_space<semaphore_mem>>)
      %mul3A_1874 = arith.constant 8 : i32
      %mul3A_1875 = arith.muli %add3A_1746, %mul3A_1874 : i32
      %add3A_1876 = arith.constant 4 : i32
      %add3A_1877 = arith.addi %mul3A_1875, %add3A_1876 : i32
      %mul3A_1878 = arith.constant 32 : i32
      %mul3A_1879 = arith.muli %add3A_1877, %mul3A_1878 : i32
      %add3A_1880 = arith.addi %mul3A_1879, %add3A : i32
      %mul3A_1881 = arith.constant 8 : i32
      %mul3A_1882 = arith.muli %add3A_1880, %mul3A_1881 : i32
      %dma_start3A_1883 = arith.constant 1 : i32
      %dma_start3A_1884 = arith.constant 32 : i32
      %dma_start3A_1885 = arith.constant 0 : i32
      %dma_start3A_1886 = tpu.memref_slice %arg7[%dma_start3A_1883, %dma_start3A_1884, %dma_start3A_1885] : memref<4x64x128xf32, #tpu.memory_space<vmem>> -> memref<1x8x128xf32, #tpu.memory_space<vmem>>
      %dma_start3A_1887 = tpu.memref_squeeze %dma_start3A_1886 : memref<1x8x128xf32, #tpu.memory_space<vmem>> -> memref<8x128xf32, #tpu.memory_space<vmem>>
      %dma_start3A_1888 = arith.constant 0 : i32
      %dma_start3A_1889 = tpu.memref_slice %arg4[%mul3A_1882, %dma_start3A_1888] : memref<409600x128xf32, #tpu.memory_space<hbm>> -> memref<8x128xf32, #tpu.memory_space<hbm>>
      %dma_start3A_1890 = arith.constant 0 : i32
      %dma_start3A_1891 = tpu.memref_slice %arg4[%mul3A_1882, %dma_start3A_1890] : memref<409600x128xf32, #tpu.memory_space<hbm>> -> memref<8x128xf32, #tpu.memory_space<hbm>>
      %dma_start3A_1892 = arith.constant 32 : i32
      %dma_start3A_1893 = arith.constant 0 : i32
      %dma_start3A_1894 = tpu.memref_slice %arg7[%dma_start3A_1883, %dma_start3A_1892, %dma_start3A_1893] : memref<4x64x128xf32, #tpu.memory_space<vmem>> -> memref<1x8x128xf32, #tpu.memory_space<vmem>>
      %dma_start3A_1895 = tpu.memref_squeeze %dma_start3A_1894 : memref<1x8x128xf32, #tpu.memory_space<vmem>> -> memref<8x128xf32, #tpu.memory_space<vmem>>
      tpu.enqueue_dma source(%dma_start3A_1895 : memref<8x128xf32, #tpu.memory_space<vmem>>) target(%dma_start3A_1891 : memref<8x128xf32, #tpu.memory_space<hbm>>) target_semaphore(%arg13 : memref<!tpu.dma_semaphore, #tpu.memory_space<semaphore_mem>>)
      %mul3A_1896 = arith.constant 8 : i32
      %mul3A_1897 = arith.muli %add3A_1746, %mul3A_1896 : i32
      %add3A_1898 = arith.constant 5 : i32
      %add3A_1899 = arith.addi %mul3A_1897, %add3A_1898 : i32
      %mul3A_1900 = arith.constant 32 : i32
      %mul3A_1901 = arith.muli %add3A_1899, %mul3A_1900 : i32
      %add3A_1902 = arith.addi %mul3A_1901, %add3A : i32
      %mul3A_1903 = arith.constant 8 : i32
      %mul3A_1904 = arith.muli %add3A_1902, %mul3A_1903 : i32
      %dma_start3A_1905 = arith.constant 1 : i32
      %dma_start3A_1906 = arith.constant 40 : i32
      %dma_start3A_1907 = arith.constant 0 : i32
      %dma_start3A_1908 = tpu.memref_slice %arg7[%dma_start3A_1905, %dma_start3A_1906, %dma_start3A_1907] : memref<4x64x128xf32, #tpu.memory_space<vmem>> -> memref<1x8x128xf32, #tpu.memory_space<vmem>>
      %dma_start3A_1909 = tpu.memref_squeeze %dma_start3A_1908 : memref<1x8x128xf32, #tpu.memory_space<vmem>> -> memref<8x128xf32, #tpu.memory_space<vmem>>
      %dma_start3A_1910 = arith.constant 0 : i32
      %dma_start3A_1911 = tpu.memref_slice %arg4[%mul3A_1904, %dma_start3A_1910] : memref<409600x128xf32, #tpu.memory_space<hbm>> -> memref<8x128xf32, #tpu.memory_space<hbm>>
      %dma_start3A_1912 = arith.constant 0 : i32
      %dma_start3A_1913 = tpu.memref_slice %arg4[%mul3A_1904, %dma_start3A_1912] : memref<409600x128xf32, #tpu.memory_space<hbm>> -> memref<8x128xf32, #tpu.memory_space<hbm>>
      %dma_start3A_1914 = arith.constant 40 : i32
      %dma_start3A_1915 = arith.constant 0 : i32
      %dma_start3A_1916 = tpu.memref_slice %arg7[%dma_start3A_1905, %dma_start3A_1914, %dma_start3A_1915] : memref<4x64x128xf32, #tpu.memory_space<vmem>> -> memref<1x8x128xf32, #tpu.memory_space<vmem>>
      %dma_start3A_1917 = tpu.memref_squeeze %dma_start3A_1916 : memref<1x8x128xf32, #tpu.memory_space<vmem>> -> memref<8x128xf32, #tpu.memory_space<vmem>>
      tpu.enqueue_dma source(%dma_start3A_1917 : memref<8x128xf32, #tpu.memory_space<vmem>>) target(%dma_start3A_1913 : memref<8x128xf32, #tpu.memory_space<hbm>>) target_semaphore(%arg13 : memref<!tpu.dma_semaphore, #tpu.memory_space<semaphore_mem>>)
      %mul3A_1918 = arith.constant 8 : i32
      %mul3A_1919 = arith.muli %add3A_1746, %mul3A_1918 : i32
      %add3A_1920 = arith.constant 6 : i32
      %add3A_1921 = arith.addi %mul3A_1919, %add3A_1920 : i32
      %mul3A_1922 = arith.constant 32 : i32
      %mul3A_1923 = arith.muli %add3A_1921, %mul3A_1922 : i32
      %add3A_1924 = arith.addi %mul3A_1923, %add3A : i32
      %mul3A_1925 = arith.constant 8 : i32
      %mul3A_1926 = arith.muli %add3A_1924, %mul3A_1925 : i32
      %dma_start3A_1927 = arith.constant 1 : i32
      %dma_start3A_1928 = arith.constant 48 : i32
      %dma_start3A_1929 = arith.constant 0 : i32
      %dma_start3A_1930 = tpu.memref_slice %arg7[%dma_start3A_1927, %dma_start3A_1928, %dma_start3A_1929] : memref<4x64x128xf32, #tpu.memory_space<vmem>> -> memref<1x8x128xf32, #tpu.memory_space<vmem>>
      %dma_start3A_1931 = tpu.memref_squeeze %dma_start3A_1930 : memref<1x8x128xf32, #tpu.memory_space<vmem>> -> memref<8x128xf32, #tpu.memory_space<vmem>>
      %dma_start3A_1932 = arith.constant 0 : i32
      %dma_start3A_1933 = tpu.memref_slice %arg4[%mul3A_1926, %dma_start3A_1932] : memref<409600x128xf32, #tpu.memory_space<hbm>> -> memref<8x128xf32, #tpu.memory_space<hbm>>
      %dma_start3A_1934 = arith.constant 0 : i32
      %dma_start3A_1935 = tpu.memref_slice %arg4[%mul3A_1926, %dma_start3A_1934] : memref<409600x128xf32, #tpu.memory_space<hbm>> -> memref<8x128xf32, #tpu.memory_space<hbm>>
      %dma_start3A_1936 = arith.constant 48 : i32
      %dma_start3A_1937 = arith.constant 0 : i32
      %dma_start3A_1938 = tpu.memref_slice %arg7[%dma_start3A_1927, %dma_start3A_1936, %dma_start3A_1937] : memref<4x64x128xf32, #tpu.memory_space<vmem>> -> memref<1x8x128xf32, #tpu.memory_space<vmem>>
      %dma_start3A_1939 = tpu.memref_squeeze %dma_start3A_1938 : memref<1x8x128xf32, #tpu.memory_space<vmem>> -> memref<8x128xf32, #tpu.memory_space<vmem>>
      tpu.enqueue_dma source(%dma_start3A_1939 : memref<8x128xf32, #tpu.memory_space<vmem>>) target(%dma_start3A_1935 : memref<8x128xf32, #tpu.memory_space<hbm>>) target_semaphore(%arg13 : memref<!tpu.dma_semaphore, #tpu.memory_space<semaphore_mem>>)
      %mul3A_1940 = arith.constant 8 : i32
      %mul3A_1941 = arith.muli %add3A_1746, %mul3A_1940 : i32
      %add3A_1942 = arith.constant 7 : i32
      %add3A_1943 = arith.addi %mul3A_1941, %add3A_1942 : i32
      %mul3A_1944 = arith.constant 32 : i32
      %mul3A_1945 = arith.muli %add3A_1943, %mul3A_1944 : i32
      %add3A_1946 = arith.addi %mul3A_1945, %add3A : i32
      %mul3A_1947 = arith.constant 8 : i32
      %mul3A_1948 = arith.muli %add3A_1946, %mul3A_1947 : i32
      %dma_start3A_1949 = arith.constant 1 : i32
      %dma_start3A_1950 = arith.constant 56 : i32
      %dma_start3A_1951 = arith.constant 0 : i32
      %dma_start3A_1952 = tpu.memref_slice %arg7[%dma_start3A_1949, %dma_start3A_1950, %dma_start3A_1951] : memref<4x64x128xf32, #tpu.memory_space<vmem>> -> memref<1x8x128xf32, #tpu.memory_space<vmem>>
      %dma_start3A_1953 = tpu.memref_squeeze %dma_start3A_1952 : memref<1x8x128xf32, #tpu.memory_space<vmem>> -> memref<8x128xf32, #tpu.memory_space<vmem>>
      %dma_start3A_1954 = arith.constant 0 : i32
      %dma_start3A_1955 = tpu.memref_slice %arg4[%mul3A_1948, %dma_start3A_1954] : memref<409600x128xf32, #tpu.memory_space<hbm>> -> memref<8x128xf32, #tpu.memory_space<hbm>>
      %dma_start3A_1956 = arith.constant 0 : i32
      %dma_start3A_1957 = tpu.memref_slice %arg4[%mul3A_1948, %dma_start3A_1956] : memref<409600x128xf32, #tpu.memory_space<hbm>> -> memref<8x128xf32, #tpu.memory_space<hbm>>
      %dma_start3A_1958 = arith.constant 56 : i32
      %dma_start3A_1959 = arith.constant 0 : i32
      %dma_start3A_1960 = tpu.memref_slice %arg7[%dma_start3A_1949, %dma_start3A_1958, %dma_start3A_1959] : memref<4x64x128xf32, #tpu.memory_space<vmem>> -> memref<1x8x128xf32, #tpu.memory_space<vmem>>
      %dma_start3A_1961 = tpu.memref_squeeze %dma_start3A_1960 : memref<1x8x128xf32, #tpu.memory_space<vmem>> -> memref<8x128xf32, #tpu.memory_space<vmem>>
      tpu.enqueue_dma source(%dma_start3A_1961 : memref<8x128xf32, #tpu.memory_space<vmem>>) target(%dma_start3A_1957 : memref<8x128xf32, #tpu.memory_space<hbm>>) target_semaphore(%arg13 : memref<!tpu.dma_semaphore, #tpu.memory_space<semaphore_mem>>)
      %add3A_1962 = arith.constant 4 : i32
      %add3A_1963 = arith.addi %add3A_1746, %add3A_1962 : i32
      %dma_start3A_1964 = arith.constant 1 : i32
      %dma_start3A_1965 = arith.constant 0 : i32
      %dma_start3A_1966 = arith.constant 0 : i32
      %dma_start3A_1967 = tpu.memref_slice %arg6[%dma_start3A_1964, %dma_start3A_1965, %dma_start3A_1966] : memref<4x128x64xf32, #tpu.memory_space<vmem>> -> memref<1x128x64xf32, #tpu.memory_space<vmem>>
      %dma_start3A_1968 = tpu.memref_squeeze %dma_start3A_1967 : memref<1x128x64xf32, #tpu.memory_space<vmem>> -> memref<128x64xf32, #tpu.memory_space<vmem>>
      %dma_start3A_1969 = arith.constant 0 : i32
      %dma_start3A_1970 = tpu.memref_slice %arg5[%add3A_1963, %dma_start3A_1969] : memref<200x128xi32, #tpu.memory_space<vmem>> -> memref<1x128xi32, #tpu.memory_space<vmem>>
      %dma_start3A_1971 = tpu.memref_squeeze %dma_start3A_1970 : memref<1x128xi32, #tpu.memory_space<vmem>> -> memref<128xi32, #tpu.memory_space<vmem>>
      %dma_start3A_1972 = arith.constant 0 : i32
      %dma_start3A_1973 = arith.constant 0 : i32
      %dma_start3A_1974 = tpu.memref_slice %arg3[%dma_start3A_1972, %dma_start3A_1973] : memref<1000000x64xf32, #tpu.memory_space<hbm>> -> memref<1000000x64xf32, #tpu.memory_space<hbm>>
      tpu.enqueue_indirect_dma source(%dma_start3A_1974 : memref<1000000x64xf32, #tpu.memory_space<hbm>>) target(%dma_start3A_1968 : memref<128x64xf32, #tpu.memory_space<vmem>>) offsets(%dma_start3A_1971 : memref<128xi32, #tpu.memory_space<vmem>>) semaphore(%arg9 : memref<!tpu.dma_semaphore, #tpu.memory_space<semaphore_mem>>)
      %mul3A_1975 = arith.constant 4 : i32
      %mul3A_1976 = arith.muli %scan3A_1510, %mul3A_1975 : i32
      %add3A_1977 = arith.constant 2 : i32
      %add3A_1978 = arith.addi %mul3A_1976, %add3A_1977 : i32
      %dma_wait3A_1979 = arith.constant 0 : i32
      %dma_wait3A_1980 = arith.constant 2 : i32
      %dma_wait3A_1981 = arith.constant 0 : i32
      %dma_wait3A_1982 = arith.constant 0 : i32
      %dma_wait3A_1983 = tpu.memref_slice %arg6[%dma_wait3A_1980, %dma_wait3A_1981, %dma_wait3A_1982] : memref<4x128x64xf32, #tpu.memory_space<vmem>> -> memref<1x128x64xf32, #tpu.memory_space<vmem>>
      %dma_wait3A_1984 = tpu.memref_squeeze %dma_wait3A_1983 : memref<1x128x64xf32, #tpu.memory_space<vmem>> -> memref<128x64xf32, #tpu.memory_space<vmem>>
      %dma_wait3A_1985 = arith.constant 0 : i32
      %dma_wait3A_1986 = tpu.memref_slice %arg5[%dma_wait3A_1979, %dma_wait3A_1985] : memref<200x128xi32, #tpu.memory_space<vmem>> -> memref<1x128xi32, #tpu.memory_space<vmem>>
      %dma_wait3A_1987 = tpu.memref_squeeze %dma_wait3A_1986 : memref<1x128xi32, #tpu.memory_space<vmem>> -> memref<128xi32, #tpu.memory_space<vmem>>
      %dma_wait3A_1988 = arith.constant 0 : i32
      %dma_wait3A_1989 = arith.constant 0 : i32
      %dma_wait3A_1990 = tpu.memref_slice %arg3[%dma_wait3A_1988, %dma_wait3A_1989] : memref<1000000x64xf32, #tpu.memory_space<hbm>> -> memref<1000000x64xf32, #tpu.memory_space<hbm>>
      tpu.wait_indirect_dma semaphore(%arg10 : memref<!tpu.dma_semaphore, #tpu.memory_space<semaphore_mem>>) src(%dma_wait3A_1990 : memref<1000000x64xf32, #tpu.memory_space<hbm>>) dst(%dma_wait3A_1984 : memref<128x64xf32, #tpu.memory_space<vmem>>)
      %dma_wait3A_1991 = arith.constant 2 : i32
      %dma_wait3A_1992 = arith.constant 0 : i32
      %dma_wait3A_1993 = arith.constant 0 : i32
      %dma_wait3A_1994 = tpu.memref_slice %arg7[%dma_wait3A_1991, %dma_wait3A_1992, %dma_wait3A_1993] : memref<4x64x128xf32, #tpu.memory_space<vmem>> -> memref<1x64x128xf32, #tpu.memory_space<vmem>>
      %dma_wait3A_1995 = tpu.memref_squeeze %dma_wait3A_1994 : memref<1x64x128xf32, #tpu.memory_space<vmem>> -> memref<64x128xf32, #tpu.memory_space<vmem>>
      %dma_wait3A_1996 = arith.constant 0 : i32
      %dma_wait3A_1997 = arith.constant 0 : i32
      %dma_wait3A_1998 = tpu.memref_slice %arg4[%dma_wait3A_1996, %dma_wait3A_1997] : memref<409600x128xf32, #tpu.memory_space<hbm>> -> memref<64x128xf32, #tpu.memory_space<hbm>>
      %dma_wait3A_1999 = arith.constant 0 : i32
      %dma_wait3A_2000 = arith.constant 0 : i32
      %dma_wait3A_2001 = tpu.memref_slice %arg4[%dma_wait3A_1999, %dma_wait3A_2000] : memref<409600x128xf32, #tpu.memory_space<hbm>> -> memref<64x128xf32, #tpu.memory_space<hbm>>
      %dma_wait3A_2002 = arith.constant 0 : i32
      %dma_wait3A_2003 = arith.constant 0 : i32
      %dma_wait3A_2004 = tpu.memref_slice %arg7[%dma_wait3A_1991, %dma_wait3A_2002, %dma_wait3A_2003] : memref<4x64x128xf32, #tpu.memory_space<vmem>> -> memref<1x64x128xf32, #tpu.memory_space<vmem>>
      %dma_wait3A_2005 = tpu.memref_squeeze %dma_wait3A_2004 : memref<1x64x128xf32, #tpu.memory_space<vmem>> -> memref<64x128xf32, #tpu.memory_space<vmem>>
      tpu.wait_dma2 semaphore(%arg14 : memref<!tpu.dma_semaphore, #tpu.memory_space<semaphore_mem>>) src(%dma_wait3A_2005 : memref<64x128xf32, #tpu.memory_space<vmem>>) dst(%dma_wait3A_2001 : memref<64x128xf32, #tpu.memory_space<hbm>>)
      %get3A_2006 = arith.constant 2 : i32
      %get3A_2007 = arith.constant 0 : i32
      %get3A_2008 = arith.index_cast %get3A_2006 : i32 to index
      %get3A_2009 = arith.index_cast %get3A_2007 : i32 to index
      %get3A_2010 = arith.constant 0 : index
      %get3A_2011 = tpu.vector_load %arg7[%get3A_2008, %get3A_2009, %get3A_2010] {strides = array<i32>} : memref<4x64x128xf32, #tpu.memory_space<vmem>>, vector<16xf32>,
      %swap3A_2012 = arith.constant 2 : i32
      %swap3A_2013 = arith.constant 0 : i32
      %swap3A_2014 = arith.index_cast %swap3A_2012 : i32 to index
      %swap3A_2015 = arith.index_cast %swap3A_2013 : i32 to index
      %swap3A_2016 = arith.constant 0 : index
      %swap3A_2017 = tpu.vector_load %arg7[%swap3A_2014, %swap3A_2015, %swap3A_2016] {strides = array<i32>} : memref<4x64x128xf32, #tpu.memory_space<vmem>>, vector<16xf32>,
      tpu.vector_store %arg7[%swap3A_2014, %swap3A_2015, %swap3A_2016], %get3A_2011 {strides = array<i32>} : memref<4x64x128xf32, #tpu.memory_space<vmem>>, vector<16xf32>,
      %mul3A_2018 = arith.constant 8 : i32
      %mul3A_2019 = arith.muli %add3A_1978, %mul3A_2018 : i32
      %add3A_2020 = arith.constant 0 : i32
      %add3A_2021 = arith.addi %mul3A_2019, %add3A_2020 : i32
      %mul3A_2022 = arith.constant 32 : i32
      %mul3A_2023 = arith.muli %add3A_2021, %mul3A_2022 : i32
      %add3A_2024 = arith.addi %mul3A_2023, %add3A : i32
      %mul3A_2025 = arith.constant 8 : i32
      %mul3A_2026 = arith.muli %add3A_2024, %mul3A_2025 : i32
      %dma_start3A_2027 = arith.constant 2 : i32
      %dma_start3A_2028 = arith.constant 0 : i32
      %dma_start3A_2029 = arith.constant 0 : i32
      %dma_start3A_2030 = tpu.memref_slice %arg7[%dma_start3A_2027, %dma_start3A_2028, %dma_start3A_2029] : memref<4x64x128xf32, #tpu.memory_space<vmem>> -> memref<1x8x128xf32, #tpu.memory_space<vmem>>
      %dma_start3A_2031 = tpu.memref_squeeze %dma_start3A_2030 : memref<1x8x128xf32, #tpu.memory_space<vmem>> -> memref<8x128xf32, #tpu.memory_space<vmem>>
      %dma_start3A_2032 = arith.constant 0 : i32
      %dma_start3A_2033 = tpu.memref_slice %arg4[%mul3A_2026, %dma_start3A_2032] : memref<409600x128xf32, #tpu.memory_space<hbm>> -> memref<8x128xf32, #tpu.memory_space<hbm>>
      %dma_start3A_2034 = arith.constant 0 : i32
      %dma_start3A_2035 = tpu.memref_slice %arg4[%mul3A_2026, %dma_start3A_2034] : memref<409600x128xf32, #tpu.memory_space<hbm>> -> memref<8x128xf32, #tpu.memory_space<hbm>>
      %dma_start3A_2036 = arith.constant 0 : i32
      %dma_start3A_2037 = arith.constant 0 : i32
      %dma_start3A_2038 = tpu.memref_slice %arg7[%dma_start3A_2027, %dma_start3A_2036, %dma_start3A_2037] : memref<4x64x128xf32, #tpu.memory_space<vmem>> -> memref<1x8x128xf32, #tpu.memory_space<vmem>>
      %dma_start3A_2039 = tpu.memref_squeeze %dma_start3A_2038 : memref<1x8x128xf32, #tpu.memory_space<vmem>> -> memref<8x128xf32, #tpu.memory_space<vmem>>
      tpu.enqueue_dma source(%dma_start3A_2039 : memref<8x128xf32, #tpu.memory_space<vmem>>) target(%dma_start3A_2035 : memref<8x128xf32, #tpu.memory_space<hbm>>) target_semaphore(%arg14 : memref<!tpu.dma_semaphore, #tpu.memory_space<semaphore_mem>>)
      %mul3A_2040 = arith.constant 8 : i32
      %mul3A_2041 = arith.muli %add3A_1978, %mul3A_2040 : i32
      %add3A_2042 = arith.constant 1 : i32
      %add3A_2043 = arith.addi %mul3A_2041, %add3A_2042 : i32
      %mul3A_2044 = arith.constant 32 : i32
      %mul3A_2045 = arith.muli %add3A_2043, %mul3A_2044 : i32
      %add3A_2046 = arith.addi %mul3A_2045, %add3A : i32
      %mul3A_2047 = arith.constant 8 : i32
      %mul3A_2048 = arith.muli %add3A_2046, %mul3A_2047 : i32
      %dma_start3A_2049 = arith.constant 2 : i32
      %dma_start3A_2050 = arith.constant 8 : i32
      %dma_start3A_2051 = arith.constant 0 : i32
      %dma_start3A_2052 = tpu.memref_slice %arg7[%dma_start3A_2049, %dma_start3A_2050, %dma_start3A_2051] : memref<4x64x128xf32, #tpu.memory_space<vmem>> -> memref<1x8x128xf32, #tpu.memory_space<vmem>>
      %dma_start3A_2053 = tpu.memref_squeeze %dma_start3A_2052 : memref<1x8x128xf32, #tpu.memory_space<vmem>> -> memref<8x128xf32, #tpu.memory_space<vmem>>
      %dma_start3A_2054 = arith.constant 0 : i32
      %dma_start3A_2055 = tpu.memref_slice %arg4[%mul3A_2048, %dma_start3A_2054] : memref<409600x128xf32, #tpu.memory_space<hbm>> -> memref<8x128xf32, #tpu.memory_space<hbm>>
      %dma_start3A_2056 = arith.constant 0 : i32
      %dma_start3A_2057 = tpu.memref_slice %arg4[%mul3A_2048, %dma_start3A_2056] : memref<409600x128xf32, #tpu.memory_space<hbm>> -> memref<8x128xf32, #tpu.memory_space<hbm>>
      %dma_start3A_2058 = arith.constant 8 : i32
      %dma_start3A_2059 = arith.constant 0 : i32
      %dma_start3A_2060 = tpu.memref_slice %arg7[%dma_start3A_2049, %dma_start3A_2058, %dma_start3A_2059] : memref<4x64x128xf32, #tpu.memory_space<vmem>> -> memref<1x8x128xf32, #tpu.memory_space<vmem>>
      %dma_start3A_2061 = tpu.memref_squeeze %dma_start3A_2060 : memref<1x8x128xf32, #tpu.memory_space<vmem>> -> memref<8x128xf32, #tpu.memory_space<vmem>>
      tpu.enqueue_dma source(%dma_start3A_2061 : memref<8x128xf32, #tpu.memory_space<vmem>>) target(%dma_start3A_2057 : memref<8x128xf32, #tpu.memory_space<hbm>>) target_semaphore(%arg14 : memref<!tpu.dma_semaphore, #tpu.memory_space<semaphore_mem>>)
      %mul3A_2062 = arith.constant 8 : i32
      %mul3A_2063 = arith.muli %add3A_1978, %mul3A_2062 : i32
      %add3A_2064 = arith.constant 2 : i32
      %add3A_2065 = arith.addi %mul3A_2063, %add3A_2064 : i32
      %mul3A_2066 = arith.constant 32 : i32
      %mul3A_2067 = arith.muli %add3A_2065, %mul3A_2066 : i32
      %add3A_2068 = arith.addi %mul3A_2067, %add3A : i32
      %mul3A_2069 = arith.constant 8 : i32
      %mul3A_2070 = arith.muli %add3A_2068, %mul3A_2069 : i32
      %dma_start3A_2071 = arith.constant 2 : i32
      %dma_start3A_2072 = arith.constant 16 : i32
      %dma_start3A_2073 = arith.constant 0 : i32
      %dma_start3A_2074 = tpu.memref_slice %arg7[%dma_start3A_2071, %dma_start3A_2072, %dma_start3A_2073] : memref<4x64x128xf32, #tpu.memory_space<vmem>> -> memref<1x8x128xf32, #tpu.memory_space<vmem>>
      %dma_start3A_2075 = tpu.memref_squeeze %dma_start3A_2074 : memref<1x8x128xf32, #tpu.memory_space<vmem>> -> memref<8x128xf32, #tpu.memory_space<vmem>>
      %dma_start3A_2076 = arith.constant 0 : i32
      %dma_start3A_2077 = tpu.memref_slice %arg4[%mul3A_2070, %dma_start3A_2076] : memref<409600x128xf32, #tpu.memory_space<hbm>> -> memref<8x128xf32, #tpu.memory_space<hbm>>
      %dma_start3A_2078 = arith.constant 0 : i32
      %dma_start3A_2079 = tpu.memref_slice %arg4[%mul3A_2070, %dma_start3A_2078] : memref<409600x128xf32, #tpu.memory_space<hbm>> -> memref<8x128xf32, #tpu.memory_space<hbm>>
      %dma_start3A_2080 = arith.constant 16 : i32
      %dma_start3A_2081 = arith.constant 0 : i32
      %dma_start3A_2082 = tpu.memref_slice %arg7[%dma_start3A_2071, %dma_start3A_2080, %dma_start3A_2081] : memref<4x64x128xf32, #tpu.memory_space<vmem>> -> memref<1x8x128xf32, #tpu.memory_space<vmem>>
      %dma_start3A_2083 = tpu.memref_squeeze %dma_start3A_2082 : memref<1x8x128xf32, #tpu.memory_space<vmem>> -> memref<8x128xf32, #tpu.memory_space<vmem>>
      tpu.enqueue_dma source(%dma_start3A_2083 : memref<8x128xf32, #tpu.memory_space<vmem>>) target(%dma_start3A_2079 : memref<8x128xf32, #tpu.memory_space<hbm>>) target_semaphore(%arg14 : memref<!tpu.dma_semaphore, #tpu.memory_space<semaphore_mem>>)
      %mul3A_2084 = arith.constant 8 : i32
      %mul3A_2085 = arith.muli %add3A_1978, %mul3A_2084 : i32
      %add3A_2086 = arith.constant 3 : i32
      %add3A_2087 = arith.addi %mul3A_2085, %add3A_2086 : i32
      %mul3A_2088 = arith.constant 32 : i32
      %mul3A_2089 = arith.muli %add3A_2087, %mul3A_2088 : i32
      %add3A_2090 = arith.addi %mul3A_2089, %add3A : i32
      %mul3A_2091 = arith.constant 8 : i32
      %mul3A_2092 = arith.muli %add3A_2090, %mul3A_2091 : i32
      %dma_start3A_2093 = arith.constant 2 : i32
      %dma_start3A_2094 = arith.constant 24 : i32
      %dma_start3A_2095 = arith.constant 0 : i32
      %dma_start3A_2096 = tpu.memref_slice %arg7[%dma_start3A_2093, %dma_start3A_2094, %dma_start3A_2095] : memref<4x64x128xf32, #tpu.memory_space<vmem>> -> memref<1x8x128xf32, #tpu.memory_space<vmem>>
      %dma_start3A_2097 = tpu.memref_squeeze %dma_start3A_2096 : memref<1x8x128xf32, #tpu.memory_space<vmem>> -> memref<8x128xf32, #tpu.memory_space<vmem>>
      %dma_start3A_2098 = arith.constant 0 : i32
      %dma_start3A_2099 = tpu.memref_slice %arg4[%mul3A_2092, %dma_start3A_2098] : memref<409600x128xf32, #tpu.memory_space<hbm>> -> memref<8x128xf32, #tpu.memory_space<hbm>>
      %dma_start3A_2100 = arith.constant 0 : i32
      %dma_start3A_2101 = tpu.memref_slice %arg4[%mul3A_2092, %dma_start3A_2100] : memref<409600x128xf32, #tpu.memory_space<hbm>> -> memref<8x128xf32, #tpu.memory_space<hbm>>
      %dma_start3A_2102 = arith.constant 24 : i32
      %dma_start3A_2103 = arith.constant 0 : i32
      %dma_start3A_2104 = tpu.memref_slice %arg7[%dma_start3A_2093, %dma_start3A_2102, %dma_start3A_2103] : memref<4x64x128xf32, #tpu.memory_space<vmem>> -> memref<1x8x128xf32, #tpu.memory_space<vmem>>
      %dma_start3A_2105 = tpu.memref_squeeze %dma_start3A_2104 : memref<1x8x128xf32, #tpu.memory_space<vmem>> -> memref<8x128xf32, #tpu.memory_space<vmem>>
      tpu.enqueue_dma source(%dma_start3A_2105 : memref<8x128xf32, #tpu.memory_space<vmem>>) target(%dma_start3A_2101 : memref<8x128xf32, #tpu.memory_space<hbm>>) target_semaphore(%arg14 : memref<!tpu.dma_semaphore, #tpu.memory_space<semaphore_mem>>)
      %mul3A_2106 = arith.constant 8 : i32
      %mul3A_2107 = arith.muli %add3A_1978, %mul3A_2106 : i32
      %add3A_2108 = arith.constant 4 : i32
      %add3A_2109 = arith.addi %mul3A_2107, %add3A_2108 : i32
      %mul3A_2110 = arith.constant 32 : i32
      %mul3A_2111 = arith.muli %add3A_2109, %mul3A_2110 : i32
      %add3A_2112 = arith.addi %mul3A_2111, %add3A : i32
      %mul3A_2113 = arith.constant 8 : i32
      %mul3A_2114 = arith.muli %add3A_2112, %mul3A_2113 : i32
      %dma_start3A_2115 = arith.constant 2 : i32
      %dma_start3A_2116 = arith.constant 32 : i32
      %dma_start3A_2117 = arith.constant 0 : i32
      %dma_start3A_2118 = tpu.memref_slice %arg7[%dma_start3A_2115, %dma_start3A_2116, %dma_start3A_2117] : memref<4x64x128xf32, #tpu.memory_space<vmem>> -> memref<1x8x128xf32, #tpu.memory_space<vmem>>
      %dma_start3A_2119 = tpu.memref_squeeze %dma_start3A_2118 : memref<1x8x128xf32, #tpu.memory_space<vmem>> -> memref<8x128xf32, #tpu.memory_space<vmem>>
      %dma_start3A_2120 = arith.constant 0 : i32
      %dma_start3A_2121 = tpu.memref_slice %arg4[%mul3A_2114, %dma_start3A_2120] : memref<409600x128xf32, #tpu.memory_space<hbm>> -> memref<8x128xf32, #tpu.memory_space<hbm>>
      %dma_start3A_2122 = arith.constant 0 : i32
      %dma_start3A_2123 = tpu.memref_slice %arg4[%mul3A_2114, %dma_start3A_2122] : memref<409600x128xf32, #tpu.memory_space<hbm>> -> memref<8x128xf32, #tpu.memory_space<hbm>>
      %dma_start3A_2124 = arith.constant 32 : i32
      %dma_start3A_2125 = arith.constant 0 : i32
      %dma_start3A_2126 = tpu.memref_slice %arg7[%dma_start3A_2115, %dma_start3A_2124, %dma_start3A_2125] : memref<4x64x128xf32, #tpu.memory_space<vmem>> -> memref<1x8x128xf32, #tpu.memory_space<vmem>>
      %dma_start3A_2127 = tpu.memref_squeeze %dma_start3A_2126 : memref<1x8x128xf32, #tpu.memory_space<vmem>> -> memref<8x128xf32, #tpu.memory_space<vmem>>
      tpu.enqueue_dma source(%dma_start3A_2127 : memref<8x128xf32, #tpu.memory_space<vmem>>) target(%dma_start3A_2123 : memref<8x128xf32, #tpu.memory_space<hbm>>) target_semaphore(%arg14 : memref<!tpu.dma_semaphore, #tpu.memory_space<semaphore_mem>>)
      %mul3A_2128 = arith.constant 8 : i32
      %mul3A_2129 = arith.muli %add3A_1978, %mul3A_2128 : i32
      %add3A_2130 = arith.constant 5 : i32
      %add3A_2131 = arith.addi %mul3A_2129, %add3A_2130 : i32
      %mul3A_2132 = arith.constant 32 : i32
      %mul3A_2133 = arith.muli %add3A_2131, %mul3A_2132 : i32
      %add3A_2134 = arith.addi %mul3A_2133, %add3A : i32
      %mul3A_2135 = arith.constant 8 : i32
      %mul3A_2136 = arith.muli %add3A_2134, %mul3A_2135 : i32
      %dma_start3A_2137 = arith.constant 2 : i32
      %dma_start3A_2138 = arith.constant 40 : i32
      %dma_start3A_2139 = arith.constant 0 : i32
      %dma_start3A_2140 = tpu.memref_slice %arg7[%dma_start3A_2137, %dma_start3A_2138, %dma_start3A_2139] : memref<4x64x128xf32, #tpu.memory_space<vmem>> -> memref<1x8x128xf32, #tpu.memory_space<vmem>>
      %dma_start3A_2141 = tpu.memref_squeeze %dma_start3A_2140 : memref<1x8x128xf32, #tpu.memory_space<vmem>> -> memref<8x128xf32, #tpu.memory_space<vmem>>
      %dma_start3A_2142 = arith.constant 0 : i32
      %dma_start3A_2143 = tpu.memref_slice %arg4[%mul3A_2136, %dma_start3A_2142] : memref<409600x128xf32, #tpu.memory_space<hbm>> -> memref<8x128xf32, #tpu.memory_space<hbm>>
      %dma_start3A_2144 = arith.constant 0 : i32
      %dma_start3A_2145 = tpu.memref_slice %arg4[%mul3A_2136, %dma_start3A_2144] : memref<409600x128xf32, #tpu.memory_space<hbm>> -> memref<8x128xf32, #tpu.memory_space<hbm>>
      %dma_start3A_2146 = arith.constant 40 : i32
      %dma_start3A_2147 = arith.constant 0 : i32
      %dma_start3A_2148 = tpu.memref_slice %arg7[%dma_start3A_2137, %dma_start3A_2146, %dma_start3A_2147] : memref<4x64x128xf32, #tpu.memory_space<vmem>> -> memref<1x8x128xf32, #tpu.memory_space<vmem>>
      %dma_start3A_2149 = tpu.memref_squeeze %dma_start3A_2148 : memref<1x8x128xf32, #tpu.memory_space<vmem>> -> memref<8x128xf32, #tpu.memory_space<vmem>>
      tpu.enqueue_dma source(%dma_start3A_2149 : memref<8x128xf32, #tpu.memory_space<vmem>>) target(%dma_start3A_2145 : memref<8x128xf32, #tpu.memory_space<hbm>>) target_semaphore(%arg14 : memref<!tpu.dma_semaphore, #tpu.memory_space<semaphore_mem>>)
      %mul3A_2150 = arith.constant 8 : i32
      %mul3A_2151 = arith.muli %add3A_1978, %mul3A_2150 : i32
      %add3A_2152 = arith.constant 6 : i32
      %add3A_2153 = arith.addi %mul3A_2151, %add3A_2152 : i32
      %mul3A_2154 = arith.constant 32 : i32
      %mul3A_2155 = arith.muli %add3A_2153, %mul3A_2154 : i32
      %add3A_2156 = arith.addi %mul3A_2155, %add3A : i32
      %mul3A_2157 = arith.constant 8 : i32
      %mul3A_2158 = arith.muli %add3A_2156, %mul3A_2157 : i32
      %dma_start3A_2159 = arith.constant 2 : i32
      %dma_start3A_2160 = arith.constant 48 : i32
      %dma_start3A_2161 = arith.constant 0 : i32
      %dma_start3A_2162 = tpu.memref_slice %arg7[%dma_start3A_2159, %dma_start3A_2160, %dma_start3A_2161] : memref<4x64x128xf32, #tpu.memory_space<vmem>> -> memref<1x8x128xf32, #tpu.memory_space<vmem>>
      %dma_start3A_2163 = tpu.memref_squeeze %dma_start3A_2162 : memref<1x8x128xf32, #tpu.memory_space<vmem>> -> memref<8x128xf32, #tpu.memory_space<vmem>>
      %dma_start3A_2164 = arith.constant 0 : i32
      %dma_start3A_2165 = tpu.memref_slice %arg4[%mul3A_2158, %dma_start3A_2164] : memref<409600x128xf32, #tpu.memory_space<hbm>> -> memref<8x128xf32, #tpu.memory_space<hbm>>
      %dma_start3A_2166 = arith.constant 0 : i32
      %dma_start3A_2167 = tpu.memref_slice %arg4[%mul3A_2158, %dma_start3A_2166] : memref<409600x128xf32, #tpu.memory_space<hbm>> -> memref<8x128xf32, #tpu.memory_space<hbm>>
      %dma_start3A_2168 = arith.constant 48 : i32
      %dma_start3A_2169 = arith.constant 0 : i32
      %dma_start3A_2170 = tpu.memref_slice %arg7[%dma_start3A_2159, %dma_start3A_2168, %dma_start3A_2169] : memref<4x64x128xf32, #tpu.memory_space<vmem>> -> memref<1x8x128xf32, #tpu.memory_space<vmem>>
      %dma_start3A_2171 = tpu.memref_squeeze %dma_start3A_2170 : memref<1x8x128xf32, #tpu.memory_space<vmem>> -> memref<8x128xf32, #tpu.memory_space<vmem>>
      tpu.enqueue_dma source(%dma_start3A_2171 : memref<8x128xf32, #tpu.memory_space<vmem>>) target(%dma_start3A_2167 : memref<8x128xf32, #tpu.memory_space<hbm>>) target_semaphore(%arg14 : memref<!tpu.dma_semaphore, #tpu.memory_space<semaphore_mem>>)
      %mul3A_2172 = arith.constant 8 : i32
      %mul3A_2173 = arith.muli %add3A_1978, %mul3A_2172 : i32
      %add3A_2174 = arith.constant 7 : i32
      %add3A_2175 = arith.addi %mul3A_2173, %add3A_2174 : i32
      %mul3A_2176 = arith.constant 32 : i32
      %mul3A_2177 = arith.muli %add3A_2175, %mul3A_2176 : i32
      %add3A_2178 = arith.addi %mul3A_2177, %add3A : i32
      %mul3A_2179 = arith.constant 8 : i32
      %mul3A_2180 = arith.muli %add3A_2178, %mul3A_2179 : i32
      %dma_start3A_2181 = arith.constant 2 : i32
      %dma_start3A_2182 = arith.constant 56 : i32
      %dma_start3A_2183 = arith.constant 0 : i32
      %dma_start3A_2184 = tpu.memref_slice %arg7[%dma_start3A_2181, %dma_start3A_2182, %dma_start3A_2183] : memref<4x64x128xf32, #tpu.memory_space<vmem>> -> memref<1x8x128xf32, #tpu.memory_space<vmem>>
      %dma_start3A_2185 = tpu.memref_squeeze %dma_start3A_2184 : memref<1x8x128xf32, #tpu.memory_space<vmem>> -> memref<8x128xf32, #tpu.memory_space<vmem>>
      %dma_start3A_2186 = arith.constant 0 : i32
      %dma_start3A_2187 = tpu.memref_slice %arg4[%mul3A_2180, %dma_start3A_2186] : memref<409600x128xf32, #tpu.memory_space<hbm>> -> memref<8x128xf32, #tpu.memory_space<hbm>>
      %dma_start3A_2188 = arith.constant 0 : i32
      %dma_start3A_2189 = tpu.memref_slice %arg4[%mul3A_2180, %dma_start3A_2188] : memref<409600x128xf32, #tpu.memory_space<hbm>> -> memref<8x128xf32, #tpu.memory_space<hbm>>
      %dma_start3A_2190 = arith.constant 56 : i32
      %dma_start3A_2191 = arith.constant 0 : i32
      %dma_start3A_2192 = tpu.memref_slice %arg7[%dma_start3A_2181, %dma_start3A_2190, %dma_start3A_2191] : memref<4x64x128xf32, #tpu.memory_space<vmem>> -> memref<1x8x128xf32, #tpu.memory_space<vmem>>
      %dma_start3A_2193 = tpu.memref_squeeze %dma_start3A_2192 : memref<1x8x128xf32, #tpu.memory_space<vmem>> -> memref<8x128xf32, #tpu.memory_space<vmem>>
      tpu.enqueue_dma source(%dma_start3A_2193 : memref<8x128xf32, #tpu.memory_space<vmem>>) target(%dma_start3A_2189 : memref<8x128xf32, #tpu.memory_space<hbm>>) target_semaphore(%arg14 : memref<!tpu.dma_semaphore, #tpu.memory_space<semaphore_mem>>)
      %add3A_2194 = arith.constant 4 : i32
      %add3A_2195 = arith.addi %add3A_1978, %add3A_2194 : i32
      %dma_start3A_2196 = arith.constant 2 : i32
      %dma_start3A_2197 = arith.constant 0 : i32
      %dma_start3A_2198 = arith.constant 0 : i32
      %dma_start3A_2199 = tpu.memref_slice %arg6[%dma_start3A_2196, %dma_start3A_2197, %dma_start3A_2198] : memref<4x128x64xf32, #tpu.memory_space<vmem>> -> memref<1x128x64xf32, #tpu.memory_space<vmem>>
      %dma_start3A_2200 = tpu.memref_squeeze %dma_start3A_2199 : memref<1x128x64xf32, #tpu.memory_space<vmem>> -> memref<128x64xf32, #tpu.memory_space<vmem>>
      %dma_start3A_2201 = arith.constant 0 : i32
      %dma_start3A_2202 = tpu.memref_slice %arg5[%add3A_2195, %dma_start3A_2201] : memref<200x128xi32, #tpu.memory_space<vmem>> -> memref<1x128xi32, #tpu.memory_space<vmem>>
      %dma_start3A_2203 = tpu.memref_squeeze %dma_start3A_2202 : memref<1x128xi32, #tpu.memory_space<vmem>> -> memref<128xi32, #tpu.memory_space<vmem>>
      %dma_start3A_2204 = arith.constant 0 : i32
      %dma_start3A_2205 = arith.constant 0 : i32
      %dma_start3A_2206 = tpu.memref_slice %arg3[%dma_start3A_2204, %dma_start3A_2205] : memref<1000000x64xf32, #tpu.memory_space<hbm>> -> memref<1000000x64xf32, #tpu.memory_space<hbm>>
      tpu.enqueue_indirect_dma source(%dma_start3A_2206 : memref<1000000x64xf32, #tpu.memory_space<hbm>>) target(%dma_start3A_2200 : memref<128x64xf32, #tpu.memory_space<vmem>>) offsets(%dma_start3A_2203 : memref<128xi32, #tpu.memory_space<vmem>>) semaphore(%arg10 : memref<!tpu.dma_semaphore, #tpu.memory_space<semaphore_mem>>)
      %mul3A_2207 = arith.constant 4 : i32
      %mul3A_2208 = arith.muli %scan3A_1510, %mul3A_2207 : i32
      %add3A_2209 = arith.constant 3 : i32
      %add3A_2210 = arith.addi %mul3A_2208, %add3A_2209 : i32
      %dma_wait3A_2211 = arith.constant 0 : i32
      %dma_wait3A_2212 = arith.constant 3 : i32
      %dma_wait3A_2213 = arith.constant 0 : i32
      %dma_wait3A_2214 = arith.constant 0 : i32
      %dma_wait3A_2215 = tpu.memref_slice %arg6[%dma_wait3A_2212, %dma_wait3A_2213, %dma_wait3A_2214] : memref<4x128x64xf32, #tpu.memory_space<vmem>> -> memref<1x128x64xf32, #tpu.memory_space<vmem>>
      %dma_wait3A_2216 = tpu.memref_squeeze %dma_wait3A_2215 : memref<1x128x64xf32, #tpu.memory_space<vmem>> -> memref<128x64xf32, #tpu.memory_space<vmem>>
      %dma_wait3A_2217 = arith.constant 0 : i32
      %dma_wait3A_2218 = tpu.memref_slice %arg5[%dma_wait3A_2211, %dma_wait3A_2217] : memref<200x128xi32, #tpu.memory_space<vmem>> -> memref<1x128xi32, #tpu.memory_space<vmem>>
      %dma_wait3A_2219 = tpu.memref_squeeze %dma_wait3A_2218 : memref<1x128xi32, #tpu.memory_space<vmem>> -> memref<128xi32, #tpu.memory_space<vmem>>
      %dma_wait3A_2220 = arith.constant 0 : i32
      %dma_wait3A_2221 = arith.constant 0 : i32
      %dma_wait3A_2222 = tpu.memref_slice %arg3[%dma_wait3A_2220, %dma_wait3A_2221] : memref<1000000x64xf32, #tpu.memory_space<hbm>> -> memref<1000000x64xf32, #tpu.memory_space<hbm>>
      tpu.wait_indirect_dma semaphore(%arg11 : memref<!tpu.dma_semaphore, #tpu.memory_space<semaphore_mem>>) src(%dma_wait3A_2222 : memref<1000000x64xf32, #tpu.memory_space<hbm>>) dst(%dma_wait3A_2216 : memref<128x64xf32, #tpu.memory_space<vmem>>)
      %dma_wait3A_2223 = arith.constant 3 : i32
      %dma_wait3A_2224 = arith.constant 0 : i32
      %dma_wait3A_2225 = arith.constant 0 : i32
      %dma_wait3A_2226 = tpu.memref_slice %arg7[%dma_wait3A_2223, %dma_wait3A_2224, %dma_wait3A_2225] : memref<4x64x128xf32, #tpu.memory_space<vmem>> -> memref<1x64x128xf32, #tpu.memory_space<vmem>>
      %dma_wait3A_2227 = tpu.memref_squeeze %dma_wait3A_2226 : memref<1x64x128xf32, #tpu.memory_space<vmem>> -> memref<64x128xf32, #tpu.memory_space<vmem>>
      %dma_wait3A_2228 = arith.constant 0 : i32
      %dma_wait3A_2229 = arith.constant 0 : i32
      %dma_wait3A_2230 = tpu.memref_slice %arg4[%dma_wait3A_2228, %dma_wait3A_2229] : memref<409600x128xf32, #tpu.memory_space<hbm>> -> memref<64x128xf32, #tpu.memory_space<hbm>>
      %dma_wait3A_2231 = arith.constant 0 : i32
      %dma_wait3A_2232 = arith.constant 0 : i32
      %dma_wait3A_2233 = tpu.memref_slice %arg4[%dma_wait3A_2231, %dma_wait3A_2232] : memref<409600x128xf32, #tpu.memory_space<hbm>> -> memref<64x128xf32, #tpu.memory_space<hbm>>
      %dma_wait3A_2234 = arith.constant 0 : i32
      %dma_wait3A_2235 = arith.constant 0 : i32
      %dma_wait3A_2236 = tpu.memref_slice %arg7[%dma_wait3A_2223, %dma_wait3A_2234, %dma_wait3A_2235] : memref<4x64x128xf32, #tpu.memory_space<vmem>> -> memref<1x64x128xf32, #tpu.memory_space<vmem>>
      %dma_wait3A_2237 = tpu.memref_squeeze %dma_wait3A_2236 : memref<1x64x128xf32, #tpu.memory_space<vmem>> -> memref<64x128xf32, #tpu.memory_space<vmem>>
      tpu.wait_dma2 semaphore(%arg15 : memref<!tpu.dma_semaphore, #tpu.memory_space<semaphore_mem>>) src(%dma_wait3A_2237 : memref<64x128xf32, #tpu.memory_space<vmem>>) dst(%dma_wait3A_2233 : memref<64x128xf32, #tpu.memory_space<hbm>>)
      %get3A_2238 = arith.constant 3 : i32
      %get3A_2239 = arith.constant 0 : i32
      %get3A_2240 = arith.index_cast %get3A_2238 : i32 to index
      %get3A_2241 = arith.index_cast %get3A_2239 : i32 to index
      %get3A_2242 = arith.constant 0 : index
      %get3A_2243 = tpu.vector_load %arg7[%get3A_2240, %get3A_2241, %get3A_2242] {strides = array<i32>} : memref<4x64x128xf32, #tpu.memory_space<vmem>>, vector<16xf32>,
      %swap3A_2244 = arith.constant 3 : i32
      %swap3A_2245 = arith.constant 0 : i32
      %swap3A_2246 = arith.index_cast %swap3A_2244 : i32 to index
      %swap3A_2247 = arith.index_cast %swap3A_2245 : i32 to index
      %swap3A_2248 = arith.constant 0 : index
      %swap3A_2249 = tpu.vector_load %arg7[%swap3A_2246, %swap3A_2247, %swap3A_2248] {strides = array<i32>} : memref<4x64x128xf32, #tpu.memory_space<vmem>>, vector<16xf32>,
      tpu.vector_store %arg7[%swap3A_2246, %swap3A_2247, %swap3A_2248], %get3A_2243 {strides = array<i32>} : memref<4x64x128xf32, #tpu.memory_space<vmem>>, vector<16xf32>,
      %mul3A_2250 = arith.constant 8 : i32
      %mul3A_2251 = arith.muli %add3A_2210, %mul3A_2250 : i32
      %add3A_2252 = arith.constant 0 : i32
      %add3A_2253 = arith.addi %mul3A_2251, %add3A_2252 : i32
      %mul3A_2254 = arith.constant 32 : i32
      %mul3A_2255 = arith.muli %add3A_2253, %mul3A_2254 : i32
      %add3A_2256 = arith.addi %mul3A_2255, %add3A : i32
      %mul3A_2257 = arith.constant 8 : i32
      %mul3A_2258 = arith.muli %add3A_2256, %mul3A_2257 : i32
      %dma_start3A_2259 = arith.constant 3 : i32
      %dma_start3A_2260 = arith.constant 0 : i32
      %dma_start3A_2261 = arith.constant 0 : i32
      %dma_start3A_2262 = tpu.memref_slice %arg7[%dma_start3A_2259, %dma_start3A_2260, %dma_start3A_2261] : memref<4x64x128xf32, #tpu.memory_space<vmem>> -> memref<1x8x128xf32, #tpu.memory_space<vmem>>
      %dma_start3A_2263 = tpu.memref_squeeze %dma_start3A_2262 : memref<1x8x128xf32, #tpu.memory_space<vmem>> -> memref<8x128xf32, #tpu.memory_space<vmem>>
      %dma_start3A_2264 = arith.constant 0 : i32
      %dma_start3A_2265 = tpu.memref_slice %arg4[%mul3A_2258, %dma_start3A_2264] : memref<409600x128xf32, #tpu.memory_space<hbm>> -> memref<8x128xf32, #tpu.memory_space<hbm>>
      %dma_start3A_2266 = arith.constant 0 : i32
      %dma_start3A_2267 = tpu.memref_slice %arg4[%mul3A_2258, %dma_start3A_2266] : memref<409600x128xf32, #tpu.memory_space<hbm>> -> memref<8x128xf32, #tpu.memory_space<hbm>>
      %dma_start3A_2268 = arith.constant 0 : i32
      %dma_start3A_2269 = arith.constant 0 : i32
      %dma_start3A_2270 = tpu.memref_slice %arg7[%dma_start3A_2259, %dma_start3A_2268, %dma_start3A_2269] : memref<4x64x128xf32, #tpu.memory_space<vmem>> -> memref<1x8x128xf32, #tpu.memory_space<vmem>>
      %dma_start3A_2271 = tpu.memref_squeeze %dma_start3A_2270 : memref<1x8x128xf32, #tpu.memory_space<vmem>> -> memref<8x128xf32, #tpu.memory_space<vmem>>
      tpu.enqueue_dma source(%dma_start3A_2271 : memref<8x128xf32, #tpu.memory_space<vmem>>) target(%dma_start3A_2267 : memref<8x128xf32, #tpu.memory_space<hbm>>) target_semaphore(%arg15 : memref<!tpu.dma_semaphore, #tpu.memory_space<semaphore_mem>>)
      %mul3A_2272 = arith.constant 8 : i32
      %mul3A_2273 = arith.muli %add3A_2210, %mul3A_2272 : i32
      %add3A_2274 = arith.constant 1 : i32
      %add3A_2275 = arith.addi %mul3A_2273, %add3A_2274 : i32
      %mul3A_2276 = arith.constant 32 : i32
      %mul3A_2277 = arith.muli %add3A_2275, %mul3A_2276 : i32
      %add3A_2278 = arith.addi %mul3A_2277, %add3A : i32
      %mul3A_2279 = arith.constant 8 : i32
      %mul3A_2280 = arith.muli %add3A_2278, %mul3A_2279 : i32
      %dma_start3A_2281 = arith.constant 3 : i32
      %dma_start3A_2282 = arith.constant 8 : i32
      %dma_start3A_2283 = arith.constant 0 : i32
      %dma_start3A_2284 = tpu.memref_slice %arg7[%dma_start3A_2281, %dma_start3A_2282, %dma_start3A_2283] : memref<4x64x128xf32, #tpu.memory_space<vmem>> -> memref<1x8x128xf32, #tpu.memory_space<vmem>>
      %dma_start3A_2285 = tpu.memref_squeeze %dma_start3A_2284 : memref<1x8x128xf32, #tpu.memory_space<vmem>> -> memref<8x128xf32, #tpu.memory_space<vmem>>
      %dma_start3A_2286 = arith.constant 0 : i32
      %dma_start3A_2287 = tpu.memref_slice %arg4[%mul3A_2280, %dma_start3A_2286] : memref<409600x128xf32, #tpu.memory_space<hbm>> -> memref<8x128xf32, #tpu.memory_space<hbm>>
      %dma_start3A_2288 = arith.constant 0 : i32
      %dma_start3A_2289 = tpu.memref_slice %arg4[%mul3A_2280, %dma_start3A_2288] : memref<409600x128xf32, #tpu.memory_space<hbm>> -> memref<8x128xf32, #tpu.memory_space<hbm>>
      %dma_start3A_2290 = arith.constant 8 : i32
      %dma_start3A_2291 = arith.constant 0 : i32
      %dma_start3A_2292 = tpu.memref_slice %arg7[%dma_start3A_2281, %dma_start3A_2290, %dma_start3A_2291] : memref<4x64x128xf32, #tpu.memory_space<vmem>> -> memref<1x8x128xf32, #tpu.memory_space<vmem>>
      %dma_start3A_2293 = tpu.memref_squeeze %dma_start3A_2292 : memref<1x8x128xf32, #tpu.memory_space<vmem>> -> memref<8x128xf32, #tpu.memory_space<vmem>>
      tpu.enqueue_dma source(%dma_start3A_2293 : memref<8x128xf32, #tpu.memory_space<vmem>>) target(%dma_start3A_2289 : memref<8x128xf32, #tpu.memory_space<hbm>>) target_semaphore(%arg15 : memref<!tpu.dma_semaphore, #tpu.memory_space<semaphore_mem>>)
      %mul3A_2294 = arith.constant 8 : i32
      %mul3A_2295 = arith.muli %add3A_2210, %mul3A_2294 : i32
      %add3A_2296 = arith.constant 2 : i32
      %add3A_2297 = arith.addi %mul3A_2295, %add3A_2296 : i32
      %mul3A_2298 = arith.constant 32 : i32
      %mul3A_2299 = arith.muli %add3A_2297, %mul3A_2298 : i32
      %add3A_2300 = arith.addi %mul3A_2299, %add3A : i32
      %mul3A_2301 = arith.constant 8 : i32
      %mul3A_2302 = arith.muli %add3A_2300, %mul3A_2301 : i32
      %dma_start3A_2303 = arith.constant 3 : i32
      %dma_start3A_2304 = arith.constant 16 : i32
      %dma_start3A_2305 = arith.constant 0 : i32
      %dma_start3A_2306 = tpu.memref_slice %arg7[%dma_start3A_2303, %dma_start3A_2304, %dma_start3A_2305] : memref<4x64x128xf32, #tpu.memory_space<vmem>> -> memref<1x8x128xf32, #tpu.memory_space<vmem>>
      %dma_start3A_2307 = tpu.memref_squeeze %dma_start3A_2306 : memref<1x8x128xf32, #tpu.memory_space<vmem>> -> memref<8x128xf32, #tpu.memory_space<vmem>>
      %dma_start3A_2308 = arith.constant 0 : i32
      %dma_start3A_2309 = tpu.memref_slice %arg4[%mul3A_2302, %dma_start3A_2308] : memref<409600x128xf32, #tpu.memory_space<hbm>> -> memref<8x128xf32, #tpu.memory_space<hbm>>
      %dma_start3A_2310 = arith.constant 0 : i32
      %dma_start3A_2311 = tpu.memref_slice %arg4[%mul3A_2302, %dma_start3A_2310] : memref<409600x128xf32, #tpu.memory_space<hbm>> -> memref<8x128xf32, #tpu.memory_space<hbm>>
      %dma_start3A_2312 = arith.constant 16 : i32
      %dma_start3A_2313 = arith.constant 0 : i32
      %dma_start3A_2314 = tpu.memref_slice %arg7[%dma_start3A_2303, %dma_start3A_2312, %dma_start3A_2313] : memref<4x64x128xf32, #tpu.memory_space<vmem>> -> memref<1x8x128xf32, #tpu.memory_space<vmem>>
      %dma_start3A_2315 = tpu.memref_squeeze %dma_start3A_2314 : memref<1x8x128xf32, #tpu.memory_space<vmem>> -> memref<8x128xf32, #tpu.memory_space<vmem>>
      tpu.enqueue_dma source(%dma_start3A_2315 : memref<8x128xf32, #tpu.memory_space<vmem>>) target(%dma_start3A_2311 : memref<8x128xf32, #tpu.memory_space<hbm>>) target_semaphore(%arg15 : memref<!tpu.dma_semaphore, #tpu.memory_space<semaphore_mem>>)
      %mul3A_2316 = arith.constant 8 : i32
      %mul3A_2317 = arith.muli %add3A_2210, %mul3A_2316 : i32
      %add3A_2318 = arith.constant 3 : i32
      %add3A_2319 = arith.addi %mul3A_2317, %add3A_2318 : i32
      %mul3A_2320 = arith.constant 32 : i32
      %mul3A_2321 = arith.muli %add3A_2319, %mul3A_2320 : i32
      %add3A_2322 = arith.addi %mul3A_2321, %add3A : i32
      %mul3A_2323 = arith.constant 8 : i32
      %mul3A_2324 = arith.muli %add3A_2322, %mul3A_2323 : i32
      %dma_start3A_2325 = arith.constant 3 : i32
      %dma_start3A_2326 = arith.constant 24 : i32
      %dma_start3A_2327 = arith.constant 0 : i32
      %dma_start3A_2328 = tpu.memref_slice %arg7[%dma_start3A_2325, %dma_start3A_2326, %dma_start3A_2327] : memref<4x64x128xf32, #tpu.memory_space<vmem>> -> memref<1x8x128xf32, #tpu.memory_space<vmem>>
      %dma_start3A_2329 = tpu.memref_squeeze %dma_start3A_2328 : memref<1x8x128xf32, #tpu.memory_space<vmem>> -> memref<8x128xf32, #tpu.memory_space<vmem>>
      %dma_start3A_2330 = arith.constant 0 : i32
      %dma_start3A_2331 = tpu.memref_slice %arg4[%mul3A_2324, %dma_start3A_2330] : memref<409600x128xf32, #tpu.memory_space<hbm>> -> memref<8x128xf32, #tpu.memory_space<hbm>>
      %dma_start3A_2332 = arith.constant 0 : i32
      %dma_start3A_2333 = tpu.memref_slice %arg4[%mul3A_2324, %dma_start3A_2332] : memref<409600x128xf32, #tpu.memory_space<hbm>> -> memref<8x128xf32, #tpu.memory_space<hbm>>
      %dma_start3A_2334 = arith.constant 24 : i32
      %dma_start3A_2335 = arith.constant 0 : i32
      %dma_start3A_2336 = tpu.memref_slice %arg7[%dma_start3A_2325, %dma_start3A_2334, %dma_start3A_2335] : memref<4x64x128xf32, #tpu.memory_space<vmem>> -> memref<1x8x128xf32, #tpu.memory_space<vmem>>
      %dma_start3A_2337 = tpu.memref_squeeze %dma_start3A_2336 : memref<1x8x128xf32, #tpu.memory_space<vmem>> -> memref<8x128xf32, #tpu.memory_space<vmem>>
      tpu.enqueue_dma source(%dma_start3A_2337 : memref<8x128xf32, #tpu.memory_space<vmem>>) target(%dma_start3A_2333 : memref<8x128xf32, #tpu.memory_space<hbm>>) target_semaphore(%arg15 : memref<!tpu.dma_semaphore, #tpu.memory_space<semaphore_mem>>)
      %mul3A_2338 = arith.constant 8 : i32
      %mul3A_2339 = arith.muli %add3A_2210, %mul3A_2338 : i32
      %add3A_2340 = arith.constant 4 : i32
      %add3A_2341 = arith.addi %mul3A_2339, %add3A_2340 : i32
      %mul3A_2342 = arith.constant 32 : i32
      %mul3A_2343 = arith.muli %add3A_2341, %mul3A_2342 : i32
      %add3A_2344 = arith.addi %mul3A_2343, %add3A : i32
      %mul3A_2345 = arith.constant 8 : i32
      %mul3A_2346 = arith.muli %add3A_2344, %mul3A_2345 : i32
      %dma_start3A_2347 = arith.constant 3 : i32
      %dma_start3A_2348 = arith.constant 32 : i32
      %dma_start3A_2349 = arith.constant 0 : i32
      %dma_start3A_2350 = tpu.memref_slice %arg7[%dma_start3A_2347, %dma_start3A_2348, %dma_start3A_2349] : memref<4x64x128xf32, #tpu.memory_space<vmem>> -> memref<1x8x128xf32, #tpu.memory_space<vmem>>
      %dma_start3A_2351 = tpu.memref_squeeze %dma_start3A_2350 : memref<1x8x128xf32, #tpu.memory_space<vmem>> -> memref<8x128xf32, #tpu.memory_space<vmem>>
      %dma_start3A_2352 = arith.constant 0 : i32
      %dma_start3A_2353 = tpu.memref_slice %arg4[%mul3A_2346, %dma_start3A_2352] : memref<409600x128xf32, #tpu.memory_space<hbm>> -> memref<8x128xf32, #tpu.memory_space<hbm>>
      %dma_start3A_2354 = arith.constant 0 : i32
      %dma_start3A_2355 = tpu.memref_slice %arg4[%mul3A_2346, %dma_start3A_2354] : memref<409600x128xf32, #tpu.memory_space<hbm>> -> memref<8x128xf32, #tpu.memory_space<hbm>>
      %dma_start3A_2356 = arith.constant 32 : i32
      %dma_start3A_2357 = arith.constant 0 : i32
      %dma_start3A_2358 = tpu.memref_slice %arg7[%dma_start3A_2347, %dma_start3A_2356, %dma_start3A_2357] : memref<4x64x128xf32, #tpu.memory_space<vmem>> -> memref<1x8x128xf32, #tpu.memory_space<vmem>>
      %dma_start3A_2359 = tpu.memref_squeeze %dma_start3A_2358 : memref<1x8x128xf32, #tpu.memory_space<vmem>> -> memref<8x128xf32, #tpu.memory_space<vmem>>
      tpu.enqueue_dma source(%dma_start3A_2359 : memref<8x128xf32, #tpu.memory_space<vmem>>) target(%dma_start3A_2355 : memref<8x128xf32, #tpu.memory_space<hbm>>) target_semaphore(%arg15 : memref<!tpu.dma_semaphore, #tpu.memory_space<semaphore_mem>>)
      %mul3A_2360 = arith.constant 8 : i32
      %mul3A_2361 = arith.muli %add3A_2210, %mul3A_2360 : i32
      %add3A_2362 = arith.constant 5 : i32
      %add3A_2363 = arith.addi %mul3A_2361, %add3A_2362 : i32
      %mul3A_2364 = arith.constant 32 : i32
      %mul3A_2365 = arith.muli %add3A_2363, %mul3A_2364 : i32
      %add3A_2366 = arith.addi %mul3A_2365, %add3A : i32
      %mul3A_2367 = arith.constant 8 : i32
      %mul3A_2368 = arith.muli %add3A_2366, %mul3A_2367 : i32
      %dma_start3A_2369 = arith.constant 3 : i32
      %dma_start3A_2370 = arith.constant 40 : i32
      %dma_start3A_2371 = arith.constant 0 : i32
      %dma_start3A_2372 = tpu.memref_slice %arg7[%dma_start3A_2369, %dma_start3A_2370, %dma_start3A_2371] : memref<4x64x128xf32, #tpu.memory_space<vmem>> -> memref<1x8x128xf32, #tpu.memory_space<vmem>>
      %dma_start3A_2373 = tpu.memref_squeeze %dma_start3A_2372 : memref<1x8x128xf32, #tpu.memory_space<vmem>> -> memref<8x128xf32, #tpu.memory_space<vmem>>
      %dma_start3A_2374 = arith.constant 0 : i32
      %dma_start3A_2375 = tpu.memref_slice %arg4[%mul3A_2368, %dma_start3A_2374] : memref<409600x128xf32, #tpu.memory_space<hbm>> -> memref<8x128xf32, #tpu.memory_space<hbm>>
      %dma_start3A_2376 = arith.constant 0 : i32
      %dma_start3A_2377 = tpu.memref_slice %arg4[%mul3A_2368, %dma_start3A_2376] : memref<409600x128xf32, #tpu.memory_space<hbm>> -> memref<8x128xf32, #tpu.memory_space<hbm>>
      %dma_start3A_2378 = arith.constant 40 : i32
      %dma_start3A_2379 = arith.constant 0 : i32
      %dma_start3A_2380 = tpu.memref_slice %arg7[%dma_start3A_2369, %dma_start3A_2378, %dma_start3A_2379] : memref<4x64x128xf32, #tpu.memory_space<vmem>> -> memref<1x8x128xf32, #tpu.memory_space<vmem>>
      %dma_start3A_2381 = tpu.memref_squeeze %dma_start3A_2380 : memref<1x8x128xf32, #tpu.memory_space<vmem>> -> memref<8x128xf32, #tpu.memory_space<vmem>>
      tpu.enqueue_dma source(%dma_start3A_2381 : memref<8x128xf32, #tpu.memory_space<vmem>>) target(%dma_start3A_2377 : memref<8x128xf32, #tpu.memory_space<hbm>>) target_semaphore(%arg15 : memref<!tpu.dma_semaphore, #tpu.memory_space<semaphore_mem>>)
      %mul3A_2382 = arith.constant 8 : i32
      %mul3A_2383 = arith.muli %add3A_2210, %mul3A_2382 : i32
      %add3A_2384 = arith.constant 6 : i32
      %add3A_2385 = arith.addi %mul3A_2383, %add3A_2384 : i32
      %mul3A_2386 = arith.constant 32 : i32
      %mul3A_2387 = arith.muli %add3A_2385, %mul3A_2386 : i32
      %add3A_2388 = arith.addi %mul3A_2387, %add3A : i32
      %mul3A_2389 = arith.constant 8 : i32
      %mul3A_2390 = arith.muli %add3A_2388, %mul3A_2389 : i32
      %dma_start3A_2391 = arith.constant 3 : i32
      %dma_start3A_2392 = arith.constant 48 : i32
      %dma_start3A_2393 = arith.constant 0 : i32
      %dma_start3A_2394 = tpu.memref_slice %arg7[%dma_start3A_2391, %dma_start3A_2392, %dma_start3A_2393] : memref<4x64x128xf32, #tpu.memory_space<vmem>> -> memref<1x8x128xf32, #tpu.memory_space<vmem>>
      %dma_start3A_2395 = tpu.memref_squeeze %dma_start3A_2394 : memref<1x8x128xf32, #tpu.memory_space<vmem>> -> memref<8x128xf32, #tpu.memory_space<vmem>>
      %dma_start3A_2396 = arith.constant 0 : i32
      %dma_start3A_2397 = tpu.memref_slice %arg4[%mul3A_2390, %dma_start3A_2396] : memref<409600x128xf32, #tpu.memory_space<hbm>> -> memref<8x128xf32, #tpu.memory_space<hbm>>
      %dma_start3A_2398 = arith.constant 0 : i32
      %dma_start3A_2399 = tpu.memref_slice %arg4[%mul3A_2390, %dma_start3A_2398] : memref<409600x128xf32, #tpu.memory_space<hbm>> -> memref<8x128xf32, #tpu.memory_space<hbm>>
      %dma_start3A_2400 = arith.constant 48 : i32
      %dma_start3A_2401 = arith.constant 0 : i32
      %dma_start3A_2402 = tpu.memref_slice %arg7[%dma_start3A_2391, %dma_start3A_2400, %dma_start3A_2401] : memref<4x64x128xf32, #tpu.memory_space<vmem>> -> memref<1x8x128xf32, #tpu.memory_space<vmem>>
      %dma_start3A_2403 = tpu.memref_squeeze %dma_start3A_2402 : memref<1x8x128xf32, #tpu.memory_space<vmem>> -> memref<8x128xf32, #tpu.memory_space<vmem>>
      tpu.enqueue_dma source(%dma_start3A_2403 : memref<8x128xf32, #tpu.memory_space<vmem>>) target(%dma_start3A_2399 : memref<8x128xf32, #tpu.memory_space<hbm>>) target_semaphore(%arg15 : memref<!tpu.dma_semaphore, #tpu.memory_space<semaphore_mem>>)
      %mul3A_2404 = arith.constant 8 : i32
      %mul3A_2405 = arith.muli %add3A_2210, %mul3A_2404 : i32
      %add3A_2406 = arith.constant 7 : i32
      %add3A_2407 = arith.addi %mul3A_2405, %add3A_2406 : i32
      %mul3A_2408 = arith.constant 32 : i32
      %mul3A_2409 = arith.muli %add3A_2407, %mul3A_2408 : i32
      %add3A_2410 = arith.addi %mul3A_2409, %add3A : i32
      %mul3A_2411 = arith.constant 8 : i32
      %mul3A_2412 = arith.muli %add3A_2410, %mul3A_2411 : i32
      %dma_start3A_2413 = arith.constant 3 : i32
      %dma_start3A_2414 = arith.constant 56 : i32
      %dma_start3A_2415 = arith.constant 0 : i32
      %dma_start3A_2416 = tpu.memref_slice %arg7[%dma_start3A_2413, %dma_start3A_2414, %dma_start3A_2415] : memref<4x64x128xf32, #tpu.memory_space<vmem>> -> memref<1x8x128xf32, #tpu.memory_space<vmem>>
      %dma_start3A_2417 = tpu.memref_squeeze %dma_start3A_2416 : memref<1x8x128xf32, #tpu.memory_space<vmem>> -> memref<8x128xf32, #tpu.memory_space<vmem>>
      %dma_start3A_2418 = arith.constant 0 : i32
      %dma_start3A_2419 = tpu.memref_slice %arg4[%mul3A_2412, %dma_start3A_2418] : memref<409600x128xf32, #tpu.memory_space<hbm>> -> memref<8x128xf32, #tpu.memory_space<hbm>>
      %dma_start3A_2420 = arith.constant 0 : i32
      %dma_start3A_2421 = tpu.memref_slice %arg4[%mul3A_2412, %dma_start3A_2420] : memref<409600x128xf32, #tpu.memory_space<hbm>> -> memref<8x128xf32, #tpu.memory_space<hbm>>
      %dma_start3A_2422 = arith.constant 56 : i32
      %dma_start3A_2423 = arith.constant 0 : i32
      %dma_start3A_2424 = tpu.memref_slice %arg7[%dma_start3A_2413, %dma_start3A_2422, %dma_start3A_2423] : memref<4x64x128xf32, #tpu.memory_space<vmem>> -> memref<1x8x128xf32, #tpu.memory_space<vmem>>
      %dma_start3A_2425 = tpu.memref_squeeze %dma_start3A_2424 : memref<1x8x128xf32, #tpu.memory_space<vmem>> -> memref<8x128xf32, #tpu.memory_space<vmem>>
      tpu.enqueue_dma source(%dma_start3A_2425 : memref<8x128xf32, #tpu.memory_space<vmem>>) target(%dma_start3A_2421 : memref<8x128xf32, #tpu.memory_space<hbm>>) target_semaphore(%arg15 : memref<!tpu.dma_semaphore, #tpu.memory_space<semaphore_mem>>)
      %add3A_2426 = arith.constant 4 : i32
      %add3A_2427 = arith.addi %add3A_2210, %add3A_2426 : i32
      %dma_start3A_2428 = arith.constant 3 : i32
      %dma_start3A_2429 = arith.constant 0 : i32
      %dma_start3A_2430 = arith.constant 0 : i32
      %dma_start3A_2431 = tpu.memref_slice %arg6[%dma_start3A_2428, %dma_start3A_2429, %dma_start3A_2430] : memref<4x128x64xf32, #tpu.memory_space<vmem>> -> memref<1x128x64xf32, #tpu.memory_space<vmem>>
      %dma_start3A_2432 = tpu.memref_squeeze %dma_start3A_2431 : memref<1x128x64xf32, #tpu.memory_space<vmem>> -> memref<128x64xf32, #tpu.memory_space<vmem>>
      %dma_start3A_2433 = arith.constant 0 : i32
      %dma_start3A_2434 = tpu.memref_slice %arg5[%add3A_2427, %dma_start3A_2433] : memref<200x128xi32, #tpu.memory_space<vmem>> -> memref<1x128xi32, #tpu.memory_space<vmem>>
      %dma_start3A_2435 = tpu.memref_squeeze %dma_start3A_2434 : memref<1x128xi32, #tpu.memory_space<vmem>> -> memref<128xi32, #tpu.memory_space<vmem>>
      %dma_start3A_2436 = arith.constant 0 : i32
      %dma_start3A_2437 = arith.constant 0 : i32
      %dma_start3A_2438 = tpu.memref_slice %arg3[%dma_start3A_2436, %dma_start3A_2437] : memref<1000000x64xf32, #tpu.memory_space<hbm>> -> memref<1000000x64xf32, #tpu.memory_space<hbm>>
      tpu.enqueue_indirect_dma source(%dma_start3A_2438 : memref<1000000x64xf32, #tpu.memory_space<hbm>>) target(%dma_start3A_2432 : memref<128x64xf32, #tpu.memory_space<vmem>>) offsets(%dma_start3A_2435 : memref<128xi32, #tpu.memory_space<vmem>>) semaphore(%arg11 : memref<!tpu.dma_semaphore, #tpu.memory_space<semaphore_mem>>)
    }
    %scan3A_749 = arith.constant 48 : i32
    %dma_wait3A_750 = arith.constant 0 : i32
    %dma_wait3A_751 = arith.constant 0 : i32
    %dma_wait3A_752 = arith.constant 0 : i32
    %dma_wait3A_753 = arith.constant 0 : i32
    %dma_wait3A_754 = tpu.memref_slice %arg6[%dma_wait3A_751, %dma_wait3A_752, %dma_wait3A_753] : memref<4x128x64xf32, #tpu.memory_space<vmem>> -> memref<1x128x64xf32, #tpu.memory_space<vmem>>
    %dma_wait3A_755 = tpu.memref_squeeze %dma_wait3A_754 : memref<1x128x64xf32, #tpu.memory_space<vmem>> -> memref<128x64xf32, #tpu.memory_space<vmem>>
    %dma_wait3A_756 = arith.constant 0 : i32
    %dma_wait3A_757 = tpu.memref_slice %arg5[%dma_wait3A_750, %dma_wait3A_756] : memref<200x128xi32, #tpu.memory_space<vmem>> -> memref<1x128xi32, #tpu.memory_space<vmem>>
    %dma_wait3A_758 = tpu.memref_squeeze %dma_wait3A_757 : memref<1x128xi32, #tpu.memory_space<vmem>> -> memref<128xi32, #tpu.memory_space<vmem>>
    %dma_wait3A_759 = arith.constant 0 : i32
    %dma_wait3A_760 = arith.constant 0 : i32
    %dma_wait3A_761 = tpu.memref_slice %arg3[%dma_wait3A_759, %dma_wait3A_760] : memref<1000000x64xf32, #tpu.memory_space<hbm>> -> memref<1000000x64xf32, #tpu.memory_space<hbm>>
    tpu.wait_indirect_dma semaphore(%arg8 : memref<!tpu.dma_semaphore, #tpu.memory_space<semaphore_mem>>) src(%dma_wait3A_761 : memref<1000000x64xf32, #tpu.memory_space<hbm>>) dst(%dma_wait3A_755 : memref<128x64xf32, #tpu.memory_space<vmem>>)
    %dma_wait3A_762 = arith.constant 0 : i32
    %dma_wait3A_763 = arith.constant 0 : i32
    %dma_wait3A_764 = arith.constant 0 : i32
    %dma_wait3A_765 = tpu.memref_slice %arg7[%dma_wait3A_762, %dma_wait3A_763, %dma_wait3A_764] : memref<4x64x128xf32, #tpu.memory_space<vmem>> -> memref<1x64x128xf32, #tpu.memory_space<vmem>>
    %dma_wait3A_766 = tpu.memref_squeeze %dma_wait3A_765 : memref<1x64x128xf32, #tpu.memory_space<vmem>> -> memref<64x128xf32, #tpu.memory_space<vmem>>
    %dma_wait3A_767 = arith.constant 0 : i32
    %dma_wait3A_768 = arith.constant 0 : i32
    %dma_wait3A_769 = tpu.memref_slice %arg4[%dma_wait3A_767, %dma_wait3A_768] : memref<409600x128xf32, #tpu.memory_space<hbm>> -> memref<64x128xf32, #tpu.memory_space<hbm>>
    %dma_wait3A_770 = arith.constant 0 : i32
    %dma_wait3A_771 = arith.constant 0 : i32
    %dma_wait3A_772 = tpu.memref_slice %arg4[%dma_wait3A_770, %dma_wait3A_771] : memref<409600x128xf32, #tpu.memory_space<hbm>> -> memref<64x128xf32, #tpu.memory_space<hbm>>
    %dma_wait3A_773 = arith.constant 0 : i32
    %dma_wait3A_774 = arith.constant 0 : i32
    %dma_wait3A_775 = tpu.memref_slice %arg7[%dma_wait3A_762, %dma_wait3A_773, %dma_wait3A_774] : memref<4x64x128xf32, #tpu.memory_space<vmem>> -> memref<1x64x128xf32, #tpu.memory_space<vmem>>
    %dma_wait3A_776 = tpu.memref_squeeze %dma_wait3A_775 : memref<1x64x128xf32, #tpu.memory_space<vmem>> -> memref<64x128xf32, #tpu.memory_space<vmem>>
    tpu.wait_dma2 semaphore(%arg12 : memref<!tpu.dma_semaphore, #tpu.memory_space<semaphore_mem>>) src(%dma_wait3A_776 : memref<64x128xf32, #tpu.memory_space<vmem>>) dst(%dma_wait3A_772 : memref<64x128xf32, #tpu.memory_space<hbm>>)
    %get3A_777 = arith.constant 0 : i32
    %get3A_778 = arith.constant 0 : i32
    %get3A_779 = arith.index_cast %get3A_777 : i32 to index
    %get3A_780 = arith.index_cast %get3A_778 : i32 to index
    %get3A_781 = arith.constant 0 : index
    %get3A_782 = tpu.vector_load %arg7[%get3A_779, %get3A_780, %get3A_781] {strides = array<i32>} : memref<4x64x128xf32, #tpu.memory_space<vmem>>, vector<16xf32>,
    %swap3A_783 = arith.constant 0 : i32
    %swap3A_784 = arith.constant 0 : i32
    %swap3A_785 = arith.index_cast %swap3A_783 : i32 to index
    %swap3A_786 = arith.index_cast %swap3A_784 : i32 to index
    %swap3A_787 = arith.constant 0 : index
    %swap3A_788 = tpu.vector_load %arg7[%swap3A_785, %swap3A_786, %swap3A_787] {strides = array<i32>} : memref<4x64x128xf32, #tpu.memory_space<vmem>>, vector<16xf32>,
    tpu.vector_store %arg7[%swap3A_785, %swap3A_786, %swap3A_787], %get3A_782 {strides = array<i32>} : memref<4x64x128xf32, #tpu.memory_space<vmem>>, vector<16xf32>,
    %add3A_789 = arith.constant 50176 : i32
    %add3A_790 = arith.addi %add3A_789, %add3A : i32
    %mul3A_791 = arith.constant 8 : i32
    %mul3A_792 = arith.muli %add3A_790, %mul3A_791 : i32
    %dma_start3A_793 = arith.constant 0 : i32
    %dma_start3A_794 = arith.constant 0 : i32
    %dma_start3A_795 = arith.constant 0 : i32
    %dma_start3A_796 = tpu.memref_slice %arg7[%dma_start3A_793, %dma_start3A_794, %dma_start3A_795] : memref<4x64x128xf32, #tpu.memory_space<vmem>> -> memref<1x8x128xf32, #tpu.memory_space<vmem>>
    %dma_start3A_797 = tpu.memref_squeeze %dma_start3A_796 : memref<1x8x128xf32, #tpu.memory_space<vmem>> -> memref<8x128xf32, #tpu.memory_space<vmem>>
    %dma_start3A_798 = arith.constant 0 : i32
    %dma_start3A_799 = tpu.memref_slice %arg4[%mul3A_792, %dma_start3A_798] : memref<409600x128xf32, #tpu.memory_space<hbm>> -> memref<8x128xf32, #tpu.memory_space<hbm>>
    %dma_start3A_800 = arith.constant 0 : i32
    %dma_start3A_801 = tpu.memref_slice %arg4[%mul3A_792, %dma_start3A_800] : memref<409600x128xf32, #tpu.memory_space<hbm>> -> memref<8x128xf32, #tpu.memory_space<hbm>>
    %dma_start3A_802 = arith.constant 0 : i32
    %dma_start3A_803 = arith.constant 0 : i32
    %dma_start3A_804 = tpu.memref_slice %arg7[%dma_start3A_793, %dma_start3A_802, %dma_start3A_803] : memref<4x64x128xf32, #tpu.memory_space<vmem>> -> memref<1x8x128xf32, #tpu.memory_space<vmem>>
    %dma_start3A_805 = tpu.memref_squeeze %dma_start3A_804 : memref<1x8x128xf32, #tpu.memory_space<vmem>> -> memref<8x128xf32, #tpu.memory_space<vmem>>
    tpu.enqueue_dma source(%dma_start3A_805 : memref<8x128xf32, #tpu.memory_space<vmem>>) target(%dma_start3A_801 : memref<8x128xf32, #tpu.memory_space<hbm>>) target_semaphore(%arg12 : memref<!tpu.dma_semaphore, #tpu.memory_space<semaphore_mem>>)
    %add3A_806 = arith.constant 50208 : i32
    %add3A_807 = arith.addi %add3A_806, %add3A : i32
    %mul3A_808 = arith.constant 8 : i32
    %mul3A_809 = arith.muli %add3A_807, %mul3A_808 : i32
    %dma_start3A_810 = arith.constant 0 : i32
    %dma_start3A_811 = arith.constant 8 : i32
    %dma_start3A_812 = arith.constant 0 : i32
    %dma_start3A_813 = tpu.memref_slice %arg7[%dma_start3A_810, %dma_start3A_811, %dma_start3A_812] : memref<4x64x128xf32, #tpu.memory_space<vmem>> -> memref<1x8x128xf32, #tpu.memory_space<vmem>>
    %dma_start3A_814 = tpu.memref_squeeze %dma_start3A_813 : memref<1x8x128xf32, #tpu.memory_space<vmem>> -> memref<8x128xf32, #tpu.memory_space<vmem>>
    %dma_start3A_815 = arith.constant 0 : i32
    %dma_start3A_816 = tpu.memref_slice %arg4[%mul3A_809, %dma_start3A_815] : memref<409600x128xf32, #tpu.memory_space<hbm>> -> memref<8x128xf32, #tpu.memory_space<hbm>>
    %dma_start3A_817 = arith.constant 0 : i32
    %dma_start3A_818 = tpu.memref_slice %arg4[%mul3A_809, %dma_start3A_817] : memref<409600x128xf32, #tpu.memory_space<hbm>> -> memref<8x128xf32, #tpu.memory_space<hbm>>
    %dma_start3A_819 = arith.constant 8 : i32
    %dma_start3A_820 = arith.constant 0 : i32
    %dma_start3A_821 = tpu.memref_slice %arg7[%dma_start3A_810, %dma_start3A_819, %dma_start3A_820] : memref<4x64x128xf32, #tpu.memory_space<vmem>> -> memref<1x8x128xf32, #tpu.memory_space<vmem>>
    %dma_start3A_822 = tpu.memref_squeeze %dma_start3A_821 : memref<1x8x128xf32, #tpu.memory_space<vmem>> -> memref<8x128xf32, #tpu.memory_space<vmem>>
    tpu.enqueue_dma source(%dma_start3A_822 : memref<8x128xf32, #tpu.memory_space<vmem>>) target(%dma_start3A_818 : memref<8x128xf32, #tpu.memory_space<hbm>>) target_semaphore(%arg12 : memref<!tpu.dma_semaphore, #tpu.memory_space<semaphore_mem>>)
    %add3A_823 = arith.constant 50240 : i32
    %add3A_824 = arith.addi %add3A_823, %add3A : i32
    %mul3A_825 = arith.constant 8 : i32
    %mul3A_826 = arith.muli %add3A_824, %mul3A_825 : i32
    %dma_start3A_827 = arith.constant 0 : i32
    %dma_start3A_828 = arith.constant 16 : i32
    %dma_start3A_829 = arith.constant 0 : i32
    %dma_start3A_830 = tpu.memref_slice %arg7[%dma_start3A_827, %dma_start3A_828, %dma_start3A_829] : memref<4x64x128xf32, #tpu.memory_space<vmem>> -> memref<1x8x128xf32, #tpu.memory_space<vmem>>
    %dma_start3A_831 = tpu.memref_squeeze %dma_start3A_830 : memref<1x8x128xf32, #tpu.memory_space<vmem>> -> memref<8x128xf32, #tpu.memory_space<vmem>>
    %dma_start3A_832 = arith.constant 0 : i32
    %dma_start3A_833 = tpu.memref_slice %arg4[%mul3A_826, %dma_start3A_832] : memref<409600x128xf32, #tpu.memory_space<hbm>> -> memref<8x128xf32, #tpu.memory_space<hbm>>
    %dma_start3A_834 = arith.constant 0 : i32
    %dma_start3A_835 = tpu.memref_slice %arg4[%mul3A_826, %dma_start3A_834] : memref<409600x128xf32, #tpu.memory_space<hbm>> -> memref<8x128xf32, #tpu.memory_space<hbm>>
    %dma_start3A_836 = arith.constant 16 : i32
    %dma_start3A_837 = arith.constant 0 : i32
    %dma_start3A_838 = tpu.memref_slice %arg7[%dma_start3A_827, %dma_start3A_836, %dma_start3A_837] : memref<4x64x128xf32, #tpu.memory_space<vmem>> -> memref<1x8x128xf32, #tpu.memory_space<vmem>>
    %dma_start3A_839 = tpu.memref_squeeze %dma_start3A_838 : memref<1x8x128xf32, #tpu.memory_space<vmem>> -> memref<8x128xf32, #tpu.memory_space<vmem>>
    tpu.enqueue_dma source(%dma_start3A_839 : memref<8x128xf32, #tpu.memory_space<vmem>>) target(%dma_start3A_835 : memref<8x128xf32, #tpu.memory_space<hbm>>) target_semaphore(%arg12 : memref<!tpu.dma_semaphore, #tpu.memory_space<semaphore_mem>>)
    %add3A_840 = arith.constant 50272 : i32
    %add3A_841 = arith.addi %add3A_840, %add3A : i32
    %mul3A_842 = arith.constant 8 : i32
    %mul3A_843 = arith.muli %add3A_841, %mul3A_842 : i32
    %dma_start3A_844 = arith.constant 0 : i32
    %dma_start3A_845 = arith.constant 24 : i32
    %dma_start3A_846 = arith.constant 0 : i32
    %dma_start3A_847 = tpu.memref_slice %arg7[%dma_start3A_844, %dma_start3A_845, %dma_start3A_846] : memref<4x64x128xf32, #tpu.memory_space<vmem>> -> memref<1x8x128xf32, #tpu.memory_space<vmem>>
    %dma_start3A_848 = tpu.memref_squeeze %dma_start3A_847 : memref<1x8x128xf32, #tpu.memory_space<vmem>> -> memref<8x128xf32, #tpu.memory_space<vmem>>
    %dma_start3A_849 = arith.constant 0 : i32
    %dma_start3A_850 = tpu.memref_slice %arg4[%mul3A_843, %dma_start3A_849] : memref<409600x128xf32, #tpu.memory_space<hbm>> -> memref<8x128xf32, #tpu.memory_space<hbm>>
    %dma_start3A_851 = arith.constant 0 : i32
    %dma_start3A_852 = tpu.memref_slice %arg4[%mul3A_843, %dma_start3A_851] : memref<409600x128xf32, #tpu.memory_space<hbm>> -> memref<8x128xf32, #tpu.memory_space<hbm>>
    %dma_start3A_853 = arith.constant 24 : i32
    %dma_start3A_854 = arith.constant 0 : i32
    %dma_start3A_855 = tpu.memref_slice %arg7[%dma_start3A_844, %dma_start3A_853, %dma_start3A_854] : memref<4x64x128xf32, #tpu.memory_space<vmem>> -> memref<1x8x128xf32, #tpu.memory_space<vmem>>
    %dma_start3A_856 = tpu.memref_squeeze %dma_start3A_855 : memref<1x8x128xf32, #tpu.memory_space<vmem>> -> memref<8x128xf32, #tpu.memory_space<vmem>>
    tpu.enqueue_dma source(%dma_start3A_856 : memref<8x128xf32, #tpu.memory_space<vmem>>) target(%dma_start3A_852 : memref<8x128xf32, #tpu.memory_space<hbm>>) target_semaphore(%arg12 : memref<!tpu.dma_semaphore, #tpu.memory_space<semaphore_mem>>)
    %add3A_857 = arith.constant 50304 : i32
    %add3A_858 = arith.addi %add3A_857, %add3A : i32
    %mul3A_859 = arith.constant 8 : i32
    %mul3A_860 = arith.muli %add3A_858, %mul3A_859 : i32
    %dma_start3A_861 = arith.constant 0 : i32
    %dma_start3A_862 = arith.constant 32 : i32
    %dma_start3A_863 = arith.constant 0 : i32
    %dma_start3A_864 = tpu.memref_slice %arg7[%dma_start3A_861, %dma_start3A_862, %dma_start3A_863] : memref<4x64x128xf32, #tpu.memory_space<vmem>> -> memref<1x8x128xf32, #tpu.memory_space<vmem>>
    %dma_start3A_865 = tpu.memref_squeeze %dma_start3A_864 : memref<1x8x128xf32, #tpu.memory_space<vmem>> -> memref<8x128xf32, #tpu.memory_space<vmem>>
    %dma_start3A_866 = arith.constant 0 : i32
    %dma_start3A_867 = tpu.memref_slice %arg4[%mul3A_860, %dma_start3A_866] : memref<409600x128xf32, #tpu.memory_space<hbm>> -> memref<8x128xf32, #tpu.memory_space<hbm>>
    %dma_start3A_868 = arith.constant 0 : i32
    %dma_start3A_869 = tpu.memref_slice %arg4[%mul3A_860, %dma_start3A_868] : memref<409600x128xf32, #tpu.memory_space<hbm>> -> memref<8x128xf32, #tpu.memory_space<hbm>>
    %dma_start3A_870 = arith.constant 32 : i32
    %dma_start3A_871 = arith.constant 0 : i32
    %dma_start3A_872 = tpu.memref_slice %arg7[%dma_start3A_861, %dma_start3A_870, %dma_start3A_871] : memref<4x64x128xf32, #tpu.memory_space<vmem>> -> memref<1x8x128xf32, #tpu.memory_space<vmem>>
    %dma_start3A_873 = tpu.memref_squeeze %dma_start3A_872 : memref<1x8x128xf32, #tpu.memory_space<vmem>> -> memref<8x128xf32, #tpu.memory_space<vmem>>
    tpu.enqueue_dma source(%dma_start3A_873 : memref<8x128xf32, #tpu.memory_space<vmem>>) target(%dma_start3A_869 : memref<8x128xf32, #tpu.memory_space<hbm>>) target_semaphore(%arg12 : memref<!tpu.dma_semaphore, #tpu.memory_space<semaphore_mem>>)
    %add3A_874 = arith.constant 50336 : i32
    %add3A_875 = arith.addi %add3A_874, %add3A : i32
    %mul3A_876 = arith.constant 8 : i32
    %mul3A_877 = arith.muli %add3A_875, %mul3A_876 : i32
    %dma_start3A_878 = arith.constant 0 : i32
    %dma_start3A_879 = arith.constant 40 : i32
    %dma_start3A_880 = arith.constant 0 : i32
    %dma_start3A_881 = tpu.memref_slice %arg7[%dma_start3A_878, %dma_start3A_879, %dma_start3A_880] : memref<4x64x128xf32, #tpu.memory_space<vmem>> -> memref<1x8x128xf32, #tpu.memory_space<vmem>>
    %dma_start3A_882 = tpu.memref_squeeze %dma_start3A_881 : memref<1x8x128xf32, #tpu.memory_space<vmem>> -> memref<8x128xf32, #tpu.memory_space<vmem>>
    %dma_start3A_883 = arith.constant 0 : i32
    %dma_start3A_884 = tpu.memref_slice %arg4[%mul3A_877, %dma_start3A_883] : memref<409600x128xf32, #tpu.memory_space<hbm>> -> memref<8x128xf32, #tpu.memory_space<hbm>>
    %dma_start3A_885 = arith.constant 0 : i32
    %dma_start3A_886 = tpu.memref_slice %arg4[%mul3A_877, %dma_start3A_885] : memref<409600x128xf32, #tpu.memory_space<hbm>> -> memref<8x128xf32, #tpu.memory_space<hbm>>
    %dma_start3A_887 = arith.constant 40 : i32
    %dma_start3A_888 = arith.constant 0 : i32
    %dma_start3A_889 = tpu.memref_slice %arg7[%dma_start3A_878, %dma_start3A_887, %dma_start3A_888] : memref<4x64x128xf32, #tpu.memory_space<vmem>> -> memref<1x8x128xf32, #tpu.memory_space<vmem>>
    %dma_start3A_890 = tpu.memref_squeeze %dma_start3A_889 : memref<1x8x128xf32, #tpu.memory_space<vmem>> -> memref<8x128xf32, #tpu.memory_space<vmem>>
    tpu.enqueue_dma source(%dma_start3A_890 : memref<8x128xf32, #tpu.memory_space<vmem>>) target(%dma_start3A_886 : memref<8x128xf32, #tpu.memory_space<hbm>>) target_semaphore(%arg12 : memref<!tpu.dma_semaphore, #tpu.memory_space<semaphore_mem>>)
    %add3A_891 = arith.constant 50368 : i32
    %add3A_892 = arith.addi %add3A_891, %add3A : i32
    %mul3A_893 = arith.constant 8 : i32
    %mul3A_894 = arith.muli %add3A_892, %mul3A_893 : i32
    %dma_start3A_895 = arith.constant 0 : i32
    %dma_start3A_896 = arith.constant 48 : i32
    %dma_start3A_897 = arith.constant 0 : i32
    %dma_start3A_898 = tpu.memref_slice %arg7[%dma_start3A_895, %dma_start3A_896, %dma_start3A_897] : memref<4x64x128xf32, #tpu.memory_space<vmem>> -> memref<1x8x128xf32, #tpu.memory_space<vmem>>
    %dma_start3A_899 = tpu.memref_squeeze %dma_start3A_898 : memref<1x8x128xf32, #tpu.memory_space<vmem>> -> memref<8x128xf32, #tpu.memory_space<vmem>>
    %dma_start3A_900 = arith.constant 0 : i32
    %dma_start3A_901 = tpu.memref_slice %arg4[%mul3A_894, %dma_start3A_900] : memref<409600x128xf32, #tpu.memory_space<hbm>> -> memref<8x128xf32, #tpu.memory_space<hbm>>
    %dma_start3A_902 = arith.constant 0 : i32
    %dma_start3A_903 = tpu.memref_slice %arg4[%mul3A_894, %dma_start3A_902] : memref<409600x128xf32, #tpu.memory_space<hbm>> -> memref<8x128xf32, #tpu.memory_space<hbm>>
    %dma_start3A_904 = arith.constant 48 : i32
    %dma_start3A_905 = arith.constant 0 : i32
    %dma_start3A_906 = tpu.memref_slice %arg7[%dma_start3A_895, %dma_start3A_904, %dma_start3A_905] : memref<4x64x128xf32, #tpu.memory_space<vmem>> -> memref<1x8x128xf32, #tpu.memory_space<vmem>>
    %dma_start3A_907 = tpu.memref_squeeze %dma_start3A_906 : memref<1x8x128xf32, #tpu.memory_space<vmem>> -> memref<8x128xf32, #tpu.memory_space<vmem>>
    tpu.enqueue_dma source(%dma_start3A_907 : memref<8x128xf32, #tpu.memory_space<vmem>>) target(%dma_start3A_903 : memref<8x128xf32, #tpu.memory_space<hbm>>) target_semaphore(%arg12 : memref<!tpu.dma_semaphore, #tpu.memory_space<semaphore_mem>>)
    %add3A_908 = arith.constant 50400 : i32
    %add3A_909 = arith.addi %add3A_908, %add3A : i32
    %mul3A_910 = arith.constant 8 : i32
    %mul3A_911 = arith.muli %add3A_909, %mul3A_910 : i32
    %dma_start3A_912 = arith.constant 0 : i32
    %dma_start3A_913 = arith.constant 56 : i32
    %dma_start3A_914 = arith.constant 0 : i32
    %dma_start3A_915 = tpu.memref_slice %arg7[%dma_start3A_912, %dma_start3A_913, %dma_start3A_914] : memref<4x64x128xf32, #tpu.memory_space<vmem>> -> memref<1x8x128xf32, #tpu.memory_space<vmem>>
    %dma_start3A_916 = tpu.memref_squeeze %dma_start3A_915 : memref<1x8x128xf32, #tpu.memory_space<vmem>> -> memref<8x128xf32, #tpu.memory_space<vmem>>
    %dma_start3A_917 = arith.constant 0 : i32
    %dma_start3A_918 = tpu.memref_slice %arg4[%mul3A_911, %dma_start3A_917] : memref<409600x128xf32, #tpu.memory_space<hbm>> -> memref<8x128xf32, #tpu.memory_space<hbm>>
    %dma_start3A_919 = arith.constant 0 : i32
    %dma_start3A_920 = tpu.memref_slice %arg4[%mul3A_911, %dma_start3A_919] : memref<409600x128xf32, #tpu.memory_space<hbm>> -> memref<8x128xf32, #tpu.memory_space<hbm>>
    %dma_start3A_921 = arith.constant 56 : i32
    %dma_start3A_922 = arith.constant 0 : i32
    %dma_start3A_923 = tpu.memref_slice %arg7[%dma_start3A_912, %dma_start3A_921, %dma_start3A_922] : memref<4x64x128xf32, #tpu.memory_space<vmem>> -> memref<1x8x128xf32, #tpu.memory_space<vmem>>
    %dma_start3A_924 = tpu.memref_squeeze %dma_start3A_923 : memref<1x8x128xf32, #tpu.memory_space<vmem>> -> memref<8x128xf32, #tpu.memory_space<vmem>>
    tpu.enqueue_dma source(%dma_start3A_924 : memref<8x128xf32, #tpu.memory_space<vmem>>) target(%dma_start3A_920 : memref<8x128xf32, #tpu.memory_space<hbm>>) target_semaphore(%arg12 : memref<!tpu.dma_semaphore, #tpu.memory_space<semaphore_mem>>)
    %dma_wait3A_925 = arith.constant 0 : i32
    %dma_wait3A_926 = arith.constant 1 : i32
    %dma_wait3A_927 = arith.constant 0 : i32
    %dma_wait3A_928 = arith.constant 0 : i32
    %dma_wait3A_929 = tpu.memref_slice %arg6[%dma_wait3A_926, %dma_wait3A_927, %dma_wait3A_928] : memref<4x128x64xf32, #tpu.memory_space<vmem>> -> memref<1x128x64xf32, #tpu.memory_space<vmem>>
    %dma_wait3A_930 = tpu.memref_squeeze %dma_wait3A_929 : memref<1x128x64xf32, #tpu.memory_space<vmem>> -> memref<128x64xf32, #tpu.memory_space<vmem>>
    %dma_wait3A_931 = arith.constant 0 : i32
    %dma_wait3A_932 = tpu.memref_slice %arg5[%dma_wait3A_925, %dma_wait3A_931] : memref<200x128xi32, #tpu.memory_space<vmem>> -> memref<1x128xi32, #tpu.memory_space<vmem>>
    %dma_wait3A_933 = tpu.memref_squeeze %dma_wait3A_932 : memref<1x128xi32, #tpu.memory_space<vmem>> -> memref<128xi32, #tpu.memory_space<vmem>>
    %dma_wait3A_934 = arith.constant 0 : i32
    %dma_wait3A_935 = arith.constant 0 : i32
    %dma_wait3A_936 = tpu.memref_slice %arg3[%dma_wait3A_934, %dma_wait3A_935] : memref<1000000x64xf32, #tpu.memory_space<hbm>> -> memref<1000000x64xf32, #tpu.memory_space<hbm>>
    tpu.wait_indirect_dma semaphore(%arg9 : memref<!tpu.dma_semaphore, #tpu.memory_space<semaphore_mem>>) src(%dma_wait3A_936 : memref<1000000x64xf32, #tpu.memory_space<hbm>>) dst(%dma_wait3A_930 : memref<128x64xf32, #tpu.memory_space<vmem>>)
    %dma_wait3A_937 = arith.constant 1 : i32
    %dma_wait3A_938 = arith.constant 0 : i32
    %dma_wait3A_939 = arith.constant 0 : i32
    %dma_wait3A_940 = tpu.memref_slice %arg7[%dma_wait3A_937, %dma_wait3A_938, %dma_wait3A_939] : memref<4x64x128xf32, #tpu.memory_space<vmem>> -> memref<1x64x128xf32, #tpu.memory_space<vmem>>
    %dma_wait3A_941 = tpu.memref_squeeze %dma_wait3A_940 : memref<1x64x128xf32, #tpu.memory_space<vmem>> -> memref<64x128xf32, #tpu.memory_space<vmem>>
    %dma_wait3A_942 = arith.constant 0 : i32
    %dma_wait3A_943 = arith.constant 0 : i32
    %dma_wait3A_944 = tpu.memref_slice %arg4[%dma_wait3A_942, %dma_wait3A_943] : memref<409600x128xf32, #tpu.memory_space<hbm>> -> memref<64x128xf32, #tpu.memory_space<hbm>>
    %dma_wait3A_945 = arith.constant 0 : i32
    %dma_wait3A_946 = arith.constant 0 : i32
    %dma_wait3A_947 = tpu.memref_slice %arg4[%dma_wait3A_945, %dma_wait3A_946] : memref<409600x128xf32, #tpu.memory_space<hbm>> -> memref<64x128xf32, #tpu.memory_space<hbm>>
    %dma_wait3A_948 = arith.constant 0 : i32
    %dma_wait3A_949 = arith.constant 0 : i32
    %dma_wait3A_950 = tpu.memref_slice %arg7[%dma_wait3A_937, %dma_wait3A_948, %dma_wait3A_949] : memref<4x64x128xf32, #tpu.memory_space<vmem>> -> memref<1x64x128xf32, #tpu.memory_space<vmem>>
    %dma_wait3A_951 = tpu.memref_squeeze %dma_wait3A_950 : memref<1x64x128xf32, #tpu.memory_space<vmem>> -> memref<64x128xf32, #tpu.memory_space<vmem>>
    tpu.wait_dma2 semaphore(%arg13 : memref<!tpu.dma_semaphore, #tpu.memory_space<semaphore_mem>>) src(%dma_wait3A_951 : memref<64x128xf32, #tpu.memory_space<vmem>>) dst(%dma_wait3A_947 : memref<64x128xf32, #tpu.memory_space<hbm>>)
    %get3A_952 = arith.constant 1 : i32
    %get3A_953 = arith.constant 0 : i32
    %get3A_954 = arith.index_cast %get3A_952 : i32 to index
    %get3A_955 = arith.index_cast %get3A_953 : i32 to index
    %get3A_956 = arith.constant 0 : index
    %get3A_957 = tpu.vector_load %arg7[%get3A_954, %get3A_955, %get3A_956] {strides = array<i32>} : memref<4x64x128xf32, #tpu.memory_space<vmem>>, vector<16xf32>,
    %swap3A_958 = arith.constant 1 : i32
    %swap3A_959 = arith.constant 0 : i32
    %swap3A_960 = arith.index_cast %swap3A_958 : i32 to index
    %swap3A_961 = arith.index_cast %swap3A_959 : i32 to index
    %swap3A_962 = arith.constant 0 : index
    %swap3A_963 = tpu.vector_load %arg7[%swap3A_960, %swap3A_961, %swap3A_962] {strides = array<i32>} : memref<4x64x128xf32, #tpu.memory_space<vmem>>, vector<16xf32>,
    tpu.vector_store %arg7[%swap3A_960, %swap3A_961, %swap3A_962], %get3A_957 {strides = array<i32>} : memref<4x64x128xf32, #tpu.memory_space<vmem>>, vector<16xf32>,
    %add3A_964 = arith.constant 50432 : i32
    %add3A_965 = arith.addi %add3A_964, %add3A : i32
    %mul3A_966 = arith.constant 8 : i32
    %mul3A_967 = arith.muli %add3A_965, %mul3A_966 : i32
    %dma_start3A_968 = arith.constant 1 : i32
    %dma_start3A_969 = arith.constant 0 : i32
    %dma_start3A_970 = arith.constant 0 : i32
    %dma_start3A_971 = tpu.memref_slice %arg7[%dma_start3A_968, %dma_start3A_969, %dma_start3A_970] : memref<4x64x128xf32, #tpu.memory_space<vmem>> -> memref<1x8x128xf32, #tpu.memory_space<vmem>>
    %dma_start3A_972 = tpu.memref_squeeze %dma_start3A_971 : memref<1x8x128xf32, #tpu.memory_space<vmem>> -> memref<8x128xf32, #tpu.memory_space<vmem>>
    %dma_start3A_973 = arith.constant 0 : i32
    %dma_start3A_974 = tpu.memref_slice %arg4[%mul3A_967, %dma_start3A_973] : memref<409600x128xf32, #tpu.memory_space<hbm>> -> memref<8x128xf32, #tpu.memory_space<hbm>>
    %dma_start3A_975 = arith.constant 0 : i32
    %dma_start3A_976 = tpu.memref_slice %arg4[%mul3A_967, %dma_start3A_975] : memref<409600x128xf32, #tpu.memory_space<hbm>> -> memref<8x128xf32, #tpu.memory_space<hbm>>
    %dma_start3A_977 = arith.constant 0 : i32
    %dma_start3A_978 = arith.constant 0 : i32
    %dma_start3A_979 = tpu.memref_slice %arg7[%dma_start3A_968, %dma_start3A_977, %dma_start3A_978] : memref<4x64x128xf32, #tpu.memory_space<vmem>> -> memref<1x8x128xf32, #tpu.memory_space<vmem>>
    %dma_start3A_980 = tpu.memref_squeeze %dma_start3A_979 : memref<1x8x128xf32, #tpu.memory_space<vmem>> -> memref<8x128xf32, #tpu.memory_space<vmem>>
    tpu.enqueue_dma source(%dma_start3A_980 : memref<8x128xf32, #tpu.memory_space<vmem>>) target(%dma_start3A_976 : memref<8x128xf32, #tpu.memory_space<hbm>>) target_semaphore(%arg13 : memref<!tpu.dma_semaphore, #tpu.memory_space<semaphore_mem>>)
    %add3A_981 = arith.constant 50464 : i32
    %add3A_982 = arith.addi %add3A_981, %add3A : i32
    %mul3A_983 = arith.constant 8 : i32
    %mul3A_984 = arith.muli %add3A_982, %mul3A_983 : i32
    %dma_start3A_985 = arith.constant 1 : i32
    %dma_start3A_986 = arith.constant 8 : i32
    %dma_start3A_987 = arith.constant 0 : i32
    %dma_start3A_988 = tpu.memref_slice %arg7[%dma_start3A_985, %dma_start3A_986, %dma_start3A_987] : memref<4x64x128xf32, #tpu.memory_space<vmem>> -> memref<1x8x128xf32, #tpu.memory_space<vmem>>
    %dma_start3A_989 = tpu.memref_squeeze %dma_start3A_988 : memref<1x8x128xf32, #tpu.memory_space<vmem>> -> memref<8x128xf32, #tpu.memory_space<vmem>>
    %dma_start3A_990 = arith.constant 0 : i32
    %dma_start3A_991 = tpu.memref_slice %arg4[%mul3A_984, %dma_start3A_990] : memref<409600x128xf32, #tpu.memory_space<hbm>> -> memref<8x128xf32, #tpu.memory_space<hbm>>
    %dma_start3A_992 = arith.constant 0 : i32
    %dma_start3A_993 = tpu.memref_slice %arg4[%mul3A_984, %dma_start3A_992] : memref<409600x128xf32, #tpu.memory_space<hbm>> -> memref<8x128xf32, #tpu.memory_space<hbm>>
    %dma_start3A_994 = arith.constant 8 : i32
    %dma_start3A_995 = arith.constant 0 : i32
    %dma_start3A_996 = tpu.memref_slice %arg7[%dma_start3A_985, %dma_start3A_994, %dma_start3A_995] : memref<4x64x128xf32, #tpu.memory_space<vmem>> -> memref<1x8x128xf32, #tpu.memory_space<vmem>>
    %dma_start3A_997 = tpu.memref_squeeze %dma_start3A_996 : memref<1x8x128xf32, #tpu.memory_space<vmem>> -> memref<8x128xf32, #tpu.memory_space<vmem>>
    tpu.enqueue_dma source(%dma_start3A_997 : memref<8x128xf32, #tpu.memory_space<vmem>>) target(%dma_start3A_993 : memref<8x128xf32, #tpu.memory_space<hbm>>) target_semaphore(%arg13 : memref<!tpu.dma_semaphore, #tpu.memory_space<semaphore_mem>>)
    %add3A_998 = arith.constant 50496 : i32
    %add3A_999 = arith.addi %add3A_998, %add3A : i32
    %mul3A_1000 = arith.constant 8 : i32
    %mul3A_1001 = arith.muli %add3A_999, %mul3A_1000 : i32
    %dma_start3A_1002 = arith.constant 1 : i32
    %dma_start3A_1003 = arith.constant 16 : i32
    %dma_start3A_1004 = arith.constant 0 : i32
    %dma_start3A_1005 = tpu.memref_slice %arg7[%dma_start3A_1002, %dma_start3A_1003, %dma_start3A_1004] : memref<4x64x128xf32, #tpu.memory_space<vmem>> -> memref<1x8x128xf32, #tpu.memory_space<vmem>>
    %dma_start3A_1006 = tpu.memref_squeeze %dma_start3A_1005 : memref<1x8x128xf32, #tpu.memory_space<vmem>> -> memref<8x128xf32, #tpu.memory_space<vmem>>
    %dma_start3A_1007 = arith.constant 0 : i32
    %dma_start3A_1008 = tpu.memref_slice %arg4[%mul3A_1001, %dma_start3A_1007] : memref<409600x128xf32, #tpu.memory_space<hbm>> -> memref<8x128xf32, #tpu.memory_space<hbm>>
    %dma_start3A_1009 = arith.constant 0 : i32
    %dma_start3A_1010 = tpu.memref_slice %arg4[%mul3A_1001, %dma_start3A_1009] : memref<409600x128xf32, #tpu.memory_space<hbm>> -> memref<8x128xf32, #tpu.memory_space<hbm>>
    %dma_start3A_1011 = arith.constant 16 : i32
    %dma_start3A_1012 = arith.constant 0 : i32
    %dma_start3A_1013 = tpu.memref_slice %arg7[%dma_start3A_1002, %dma_start3A_1011, %dma_start3A_1012] : memref<4x64x128xf32, #tpu.memory_space<vmem>> -> memref<1x8x128xf32, #tpu.memory_space<vmem>>
    %dma_start3A_1014 = tpu.memref_squeeze %dma_start3A_1013 : memref<1x8x128xf32, #tpu.memory_space<vmem>> -> memref<8x128xf32, #tpu.memory_space<vmem>>
    tpu.enqueue_dma source(%dma_start3A_1014 : memref<8x128xf32, #tpu.memory_space<vmem>>) target(%dma_start3A_1010 : memref<8x128xf32, #tpu.memory_space<hbm>>) target_semaphore(%arg13 : memref<!tpu.dma_semaphore, #tpu.memory_space<semaphore_mem>>)
    %add3A_1015 = arith.constant 50528 : i32
    %add3A_1016 = arith.addi %add3A_1015, %add3A : i32
    %mul3A_1017 = arith.constant 8 : i32
    %mul3A_1018 = arith.muli %add3A_1016, %mul3A_1017 : i32
    %dma_start3A_1019 = arith.constant 1 : i32
    %dma_start3A_1020 = arith.constant 24 : i32
    %dma_start3A_1021 = arith.constant 0 : i32
    %dma_start3A_1022 = tpu.memref_slice %arg7[%dma_start3A_1019, %dma_start3A_1020, %dma_start3A_1021] : memref<4x64x128xf32, #tpu.memory_space<vmem>> -> memref<1x8x128xf32, #tpu.memory_space<vmem>>
    %dma_start3A_1023 = tpu.memref_squeeze %dma_start3A_1022 : memref<1x8x128xf32, #tpu.memory_space<vmem>> -> memref<8x128xf32, #tpu.memory_space<vmem>>
    %dma_start3A_1024 = arith.constant 0 : i32
    %dma_start3A_1025 = tpu.memref_slice %arg4[%mul3A_1018, %dma_start3A_1024] : memref<409600x128xf32, #tpu.memory_space<hbm>> -> memref<8x128xf32, #tpu.memory_space<hbm>>
    %dma_start3A_1026 = arith.constant 0 : i32
    %dma_start3A_1027 = tpu.memref_slice %arg4[%mul3A_1018, %dma_start3A_1026] : memref<409600x128xf32, #tpu.memory_space<hbm>> -> memref<8x128xf32, #tpu.memory_space<hbm>>
    %dma_start3A_1028 = arith.constant 24 : i32
    %dma_start3A_1029 = arith.constant 0 : i32
    %dma_start3A_1030 = tpu.memref_slice %arg7[%dma_start3A_1019, %dma_start3A_1028, %dma_start3A_1029] : memref<4x64x128xf32, #tpu.memory_space<vmem>> -> memref<1x8x128xf32, #tpu.memory_space<vmem>>
    %dma_start3A_1031 = tpu.memref_squeeze %dma_start3A_1030 : memref<1x8x128xf32, #tpu.memory_space<vmem>> -> memref<8x128xf32, #tpu.memory_space<vmem>>
    tpu.enqueue_dma source(%dma_start3A_1031 : memref<8x128xf32, #tpu.memory_space<vmem>>) target(%dma_start3A_1027 : memref<8x128xf32, #tpu.memory_space<hbm>>) target_semaphore(%arg13 : memref<!tpu.dma_semaphore, #tpu.memory_space<semaphore_mem>>)
    %add3A_1032 = arith.constant 50560 : i32
    %add3A_1033 = arith.addi %add3A_1032, %add3A : i32
    %mul3A_1034 = arith.constant 8 : i32
    %mul3A_1035 = arith.muli %add3A_1033, %mul3A_1034 : i32
    %dma_start3A_1036 = arith.constant 1 : i32
    %dma_start3A_1037 = arith.constant 32 : i32
    %dma_start3A_1038 = arith.constant 0 : i32
    %dma_start3A_1039 = tpu.memref_slice %arg7[%dma_start3A_1036, %dma_start3A_1037, %dma_start3A_1038] : memref<4x64x128xf32, #tpu.memory_space<vmem>> -> memref<1x8x128xf32, #tpu.memory_space<vmem>>
    %dma_start3A_1040 = tpu.memref_squeeze %dma_start3A_1039 : memref<1x8x128xf32, #tpu.memory_space<vmem>> -> memref<8x128xf32, #tpu.memory_space<vmem>>
    %dma_start3A_1041 = arith.constant 0 : i32
    %dma_start3A_1042 = tpu.memref_slice %arg4[%mul3A_1035, %dma_start3A_1041] : memref<409600x128xf32, #tpu.memory_space<hbm>> -> memref<8x128xf32, #tpu.memory_space<hbm>>
    %dma_start3A_1043 = arith.constant 0 : i32
    %dma_start3A_1044 = tpu.memref_slice %arg4[%mul3A_1035, %dma_start3A_1043] : memref<409600x128xf32, #tpu.memory_space<hbm>> -> memref<8x128xf32, #tpu.memory_space<hbm>>
    %dma_start3A_1045 = arith.constant 32 : i32
    %dma_start3A_1046 = arith.constant 0 : i32
    %dma_start3A_1047 = tpu.memref_slice %arg7[%dma_start3A_1036, %dma_start3A_1045, %dma_start3A_1046] : memref<4x64x128xf32, #tpu.memory_space<vmem>> -> memref<1x8x128xf32, #tpu.memory_space<vmem>>
    %dma_start3A_1048 = tpu.memref_squeeze %dma_start3A_1047 : memref<1x8x128xf32, #tpu.memory_space<vmem>> -> memref<8x128xf32, #tpu.memory_space<vmem>>
    tpu.enqueue_dma source(%dma_start3A_1048 : memref<8x128xf32, #tpu.memory_space<vmem>>) target(%dma_start3A_1044 : memref<8x128xf32, #tpu.memory_space<hbm>>) target_semaphore(%arg13 : memref<!tpu.dma_semaphore, #tpu.memory_space<semaphore_mem>>)
    %add3A_1049 = arith.constant 50592 : i32
    %add3A_1050 = arith.addi %add3A_1049, %add3A : i32
    %mul3A_1051 = arith.constant 8 : i32
    %mul3A_1052 = arith.muli %add3A_1050, %mul3A_1051 : i32
    %dma_start3A_1053 = arith.constant 1 : i32
    %dma_start3A_1054 = arith.constant 40 : i32
    %dma_start3A_1055 = arith.constant 0 : i32
    %dma_start3A_1056 = tpu.memref_slice %arg7[%dma_start3A_1053, %dma_start3A_1054, %dma_start3A_1055] : memref<4x64x128xf32, #tpu.memory_space<vmem>> -> memref<1x8x128xf32, #tpu.memory_space<vmem>>
    %dma_start3A_1057 = tpu.memref_squeeze %dma_start3A_1056 : memref<1x8x128xf32, #tpu.memory_space<vmem>> -> memref<8x128xf32, #tpu.memory_space<vmem>>
    %dma_start3A_1058 = arith.constant 0 : i32
    %dma_start3A_1059 = tpu.memref_slice %arg4[%mul3A_1052, %dma_start3A_1058] : memref<409600x128xf32, #tpu.memory_space<hbm>> -> memref<8x128xf32, #tpu.memory_space<hbm>>
    %dma_start3A_1060 = arith.constant 0 : i32
    %dma_start3A_1061 = tpu.memref_slice %arg4[%mul3A_1052, %dma_start3A_1060] : memref<409600x128xf32, #tpu.memory_space<hbm>> -> memref<8x128xf32, #tpu.memory_space<hbm>>
    %dma_start3A_1062 = arith.constant 40 : i32
    %dma_start3A_1063 = arith.constant 0 : i32
    %dma_start3A_1064 = tpu.memref_slice %arg7[%dma_start3A_1053, %dma_start3A_1062, %dma_start3A_1063] : memref<4x64x128xf32, #tpu.memory_space<vmem>> -> memref<1x8x128xf32, #tpu.memory_space<vmem>>
    %dma_start3A_1065 = tpu.memref_squeeze %dma_start3A_1064 : memref<1x8x128xf32, #tpu.memory_space<vmem>> -> memref<8x128xf32, #tpu.memory_space<vmem>>
    tpu.enqueue_dma source(%dma_start3A_1065 : memref<8x128xf32, #tpu.memory_space<vmem>>) target(%dma_start3A_1061 : memref<8x128xf32, #tpu.memory_space<hbm>>) target_semaphore(%arg13 : memref<!tpu.dma_semaphore, #tpu.memory_space<semaphore_mem>>)
    %add3A_1066 = arith.constant 50624 : i32
    %add3A_1067 = arith.addi %add3A_1066, %add3A : i32
    %mul3A_1068 = arith.constant 8 : i32
    %mul3A_1069 = arith.muli %add3A_1067, %mul3A_1068 : i32
    %dma_start3A_1070 = arith.constant 1 : i32
    %dma_start3A_1071 = arith.constant 48 : i32
    %dma_start3A_1072 = arith.constant 0 : i32
    %dma_start3A_1073 = tpu.memref_slice %arg7[%dma_start3A_1070, %dma_start3A_1071, %dma_start3A_1072] : memref<4x64x128xf32, #tpu.memory_space<vmem>> -> memref<1x8x128xf32, #tpu.memory_space<vmem>>
    %dma_start3A_1074 = tpu.memref_squeeze %dma_start3A_1073 : memref<1x8x128xf32, #tpu.memory_space<vmem>> -> memref<8x128xf32, #tpu.memory_space<vmem>>
    %dma_start3A_1075 = arith.constant 0 : i32
    %dma_start3A_1076 = tpu.memref_slice %arg4[%mul3A_1069, %dma_start3A_1075] : memref<409600x128xf32, #tpu.memory_space<hbm>> -> memref<8x128xf32, #tpu.memory_space<hbm>>
    %dma_start3A_1077 = arith.constant 0 : i32
    %dma_start3A_1078 = tpu.memref_slice %arg4[%mul3A_1069, %dma_start3A_1077] : memref<409600x128xf32, #tpu.memory_space<hbm>> -> memref<8x128xf32, #tpu.memory_space<hbm>>
    %dma_start3A_1079 = arith.constant 48 : i32
    %dma_start3A_1080 = arith.constant 0 : i32
    %dma_start3A_1081 = tpu.memref_slice %arg7[%dma_start3A_1070, %dma_start3A_1079, %dma_start3A_1080] : memref<4x64x128xf32, #tpu.memory_space<vmem>> -> memref<1x8x128xf32, #tpu.memory_space<vmem>>
    %dma_start3A_1082 = tpu.memref_squeeze %dma_start3A_1081 : memref<1x8x128xf32, #tpu.memory_space<vmem>> -> memref<8x128xf32, #tpu.memory_space<vmem>>
    tpu.enqueue_dma source(%dma_start3A_1082 : memref<8x128xf32, #tpu.memory_space<vmem>>) target(%dma_start3A_1078 : memref<8x128xf32, #tpu.memory_space<hbm>>) target_semaphore(%arg13 : memref<!tpu.dma_semaphore, #tpu.memory_space<semaphore_mem>>)
    %add3A_1083 = arith.constant 50656 : i32
    %add3A_1084 = arith.addi %add3A_1083, %add3A : i32
    %mul3A_1085 = arith.constant 8 : i32
    %mul3A_1086 = arith.muli %add3A_1084, %mul3A_1085 : i32
    %dma_start3A_1087 = arith.constant 1 : i32
    %dma_start3A_1088 = arith.constant 56 : i32
    %dma_start3A_1089 = arith.constant 0 : i32
    %dma_start3A_1090 = tpu.memref_slice %arg7[%dma_start3A_1087, %dma_start3A_1088, %dma_start3A_1089] : memref<4x64x128xf32, #tpu.memory_space<vmem>> -> memref<1x8x128xf32, #tpu.memory_space<vmem>>
    %dma_start3A_1091 = tpu.memref_squeeze %dma_start3A_1090 : memref<1x8x128xf32, #tpu.memory_space<vmem>> -> memref<8x128xf32, #tpu.memory_space<vmem>>
    %dma_start3A_1092 = arith.constant 0 : i32
    %dma_start3A_1093 = tpu.memref_slice %arg4[%mul3A_1086, %dma_start3A_1092] : memref<409600x128xf32, #tpu.memory_space<hbm>> -> memref<8x128xf32, #tpu.memory_space<hbm>>
    %dma_start3A_1094 = arith.constant 0 : i32
    %dma_start3A_1095 = tpu.memref_slice %arg4[%mul3A_1086, %dma_start3A_1094] : memref<409600x128xf32, #tpu.memory_space<hbm>> -> memref<8x128xf32, #tpu.memory_space<hbm>>
    %dma_start3A_1096 = arith.constant 56 : i32
    %dma_start3A_1097 = arith.constant 0 : i32
    %dma_start3A_1098 = tpu.memref_slice %arg7[%dma_start3A_1087, %dma_start3A_1096, %dma_start3A_1097] : memref<4x64x128xf32, #tpu.memory_space<vmem>> -> memref<1x8x128xf32, #tpu.memory_space<vmem>>
    %dma_start3A_1099 = tpu.memref_squeeze %dma_start3A_1098 : memref<1x8x128xf32, #tpu.memory_space<vmem>> -> memref<8x128xf32, #tpu.memory_space<vmem>>
    tpu.enqueue_dma source(%dma_start3A_1099 : memref<8x128xf32, #tpu.memory_space<vmem>>) target(%dma_start3A_1095 : memref<8x128xf32, #tpu.memory_space<hbm>>) target_semaphore(%arg13 : memref<!tpu.dma_semaphore, #tpu.memory_space<semaphore_mem>>)
    %dma_wait3A_1100 = arith.constant 0 : i32
    %dma_wait3A_1101 = arith.constant 2 : i32
    %dma_wait3A_1102 = arith.constant 0 : i32
    %dma_wait3A_1103 = arith.constant 0 : i32
    %dma_wait3A_1104 = tpu.memref_slice %arg6[%dma_wait3A_1101, %dma_wait3A_1102, %dma_wait3A_1103] : memref<4x128x64xf32, #tpu.memory_space<vmem>> -> memref<1x128x64xf32, #tpu.memory_space<vmem>>
    %dma_wait3A_1105 = tpu.memref_squeeze %dma_wait3A_1104 : memref<1x128x64xf32, #tpu.memory_space<vmem>> -> memref<128x64xf32, #tpu.memory_space<vmem>>
    %dma_wait3A_1106 = arith.constant 0 : i32
    %dma_wait3A_1107 = tpu.memref_slice %arg5[%dma_wait3A_1100, %dma_wait3A_1106] : memref<200x128xi32, #tpu.memory_space<vmem>> -> memref<1x128xi32, #tpu.memory_space<vmem>>
    %dma_wait3A_1108 = tpu.memref_squeeze %dma_wait3A_1107 : memref<1x128xi32, #tpu.memory_space<vmem>> -> memref<128xi32, #tpu.memory_space<vmem>>
    %dma_wait3A_1109 = arith.constant 0 : i32
    %dma_wait3A_1110 = arith.constant 0 : i32
    %dma_wait3A_1111 = tpu.memref_slice %arg3[%dma_wait3A_1109, %dma_wait3A_1110] : memref<1000000x64xf32, #tpu.memory_space<hbm>> -> memref<1000000x64xf32, #tpu.memory_space<hbm>>
    tpu.wait_indirect_dma semaphore(%arg10 : memref<!tpu.dma_semaphore, #tpu.memory_space<semaphore_mem>>) src(%dma_wait3A_1111 : memref<1000000x64xf32, #tpu.memory_space<hbm>>) dst(%dma_wait3A_1105 : memref<128x64xf32, #tpu.memory_space<vmem>>)
    %dma_wait3A_1112 = arith.constant 2 : i32
    %dma_wait3A_1113 = arith.constant 0 : i32
    %dma_wait3A_1114 = arith.constant 0 : i32
    %dma_wait3A_1115 = tpu.memref_slice %arg7[%dma_wait3A_1112, %dma_wait3A_1113, %dma_wait3A_1114] : memref<4x64x128xf32, #tpu.memory_space<vmem>> -> memref<1x64x128xf32, #tpu.memory_space<vmem>>
    %dma_wait3A_1116 = tpu.memref_squeeze %dma_wait3A_1115 : memref<1x64x128xf32, #tpu.memory_space<vmem>> -> memref<64x128xf32, #tpu.memory_space<vmem>>
    %dma_wait3A_1117 = arith.constant 0 : i32
    %dma_wait3A_1118 = arith.constant 0 : i32
    %dma_wait3A_1119 = tpu.memref_slice %arg4[%dma_wait3A_1117, %dma_wait3A_1118] : memref<409600x128xf32, #tpu.memory_space<hbm>> -> memref<64x128xf32, #tpu.memory_space<hbm>>
    %dma_wait3A_1120 = arith.constant 0 : i32
    %dma_wait3A_1121 = arith.constant 0 : i32
    %dma_wait3A_1122 = tpu.memref_slice %arg4[%dma_wait3A_1120, %dma_wait3A_1121] : memref<409600x128xf32, #tpu.memory_space<hbm>> -> memref<64x128xf32, #tpu.memory_space<hbm>>
    %dma_wait3A_1123 = arith.constant 0 : i32
    %dma_wait3A_1124 = arith.constant 0 : i32
    %dma_wait3A_1125 = tpu.memref_slice %arg7[%dma_wait3A_1112, %dma_wait3A_1123, %dma_wait3A_1124] : memref<4x64x128xf32, #tpu.memory_space<vmem>> -> memref<1x64x128xf32, #tpu.memory_space<vmem>>
    %dma_wait3A_1126 = tpu.memref_squeeze %dma_wait3A_1125 : memref<1x64x128xf32, #tpu.memory_space<vmem>> -> memref<64x128xf32, #tpu.memory_space<vmem>>
    tpu.wait_dma2 semaphore(%arg14 : memref<!tpu.dma_semaphore, #tpu.memory_space<semaphore_mem>>) src(%dma_wait3A_1126 : memref<64x128xf32, #tpu.memory_space<vmem>>) dst(%dma_wait3A_1122 : memref<64x128xf32, #tpu.memory_space<hbm>>)
    %get3A_1127 = arith.constant 2 : i32
    %get3A_1128 = arith.constant 0 : i32
    %get3A_1129 = arith.index_cast %get3A_1127 : i32 to index
    %get3A_1130 = arith.index_cast %get3A_1128 : i32 to index
    %get3A_1131 = arith.constant 0 : index
    %get3A_1132 = tpu.vector_load %arg7[%get3A_1129, %get3A_1130, %get3A_1131] {strides = array<i32>} : memref<4x64x128xf32, #tpu.memory_space<vmem>>, vector<16xf32>,
    %swap3A_1133 = arith.constant 2 : i32
    %swap3A_1134 = arith.constant 0 : i32
    %swap3A_1135 = arith.index_cast %swap3A_1133 : i32 to index
    %swap3A_1136 = arith.index_cast %swap3A_1134 : i32 to index
    %swap3A_1137 = arith.constant 0 : index
    %swap3A_1138 = tpu.vector_load %arg7[%swap3A_1135, %swap3A_1136, %swap3A_1137] {strides = array<i32>} : memref<4x64x128xf32, #tpu.memory_space<vmem>>, vector<16xf32>,
    tpu.vector_store %arg7[%swap3A_1135, %swap3A_1136, %swap3A_1137], %get3A_1132 {strides = array<i32>} : memref<4x64x128xf32, #tpu.memory_space<vmem>>, vector<16xf32>,
    %add3A_1139 = arith.constant 50688 : i32
    %add3A_1140 = arith.addi %add3A_1139, %add3A : i32
    %mul3A_1141 = arith.constant 8 : i32
    %mul3A_1142 = arith.muli %add3A_1140, %mul3A_1141 : i32
    %dma_start3A_1143 = arith.constant 2 : i32
    %dma_start3A_1144 = arith.constant 0 : i32
    %dma_start3A_1145 = arith.constant 0 : i32
    %dma_start3A_1146 = tpu.memref_slice %arg7[%dma_start3A_1143, %dma_start3A_1144, %dma_start3A_1145] : memref<4x64x128xf32, #tpu.memory_space<vmem>> -> memref<1x8x128xf32, #tpu.memory_space<vmem>>
    %dma_start3A_1147 = tpu.memref_squeeze %dma_start3A_1146 : memref<1x8x128xf32, #tpu.memory_space<vmem>> -> memref<8x128xf32, #tpu.memory_space<vmem>>
    %dma_start3A_1148 = arith.constant 0 : i32
    %dma_start3A_1149 = tpu.memref_slice %arg4[%mul3A_1142, %dma_start3A_1148] : memref<409600x128xf32, #tpu.memory_space<hbm>> -> memref<8x128xf32, #tpu.memory_space<hbm>>
    %dma_start3A_1150 = arith.constant 0 : i32
    %dma_start3A_1151 = tpu.memref_slice %arg4[%mul3A_1142, %dma_start3A_1150] : memref<409600x128xf32, #tpu.memory_space<hbm>> -> memref<8x128xf32, #tpu.memory_space<hbm>>
    %dma_start3A_1152 = arith.constant 0 : i32
    %dma_start3A_1153 = arith.constant 0 : i32
    %dma_start3A_1154 = tpu.memref_slice %arg7[%dma_start3A_1143, %dma_start3A_1152, %dma_start3A_1153] : memref<4x64x128xf32, #tpu.memory_space<vmem>> -> memref<1x8x128xf32, #tpu.memory_space<vmem>>
    %dma_start3A_1155 = tpu.memref_squeeze %dma_start3A_1154 : memref<1x8x128xf32, #tpu.memory_space<vmem>> -> memref<8x128xf32, #tpu.memory_space<vmem>>
    tpu.enqueue_dma source(%dma_start3A_1155 : memref<8x128xf32, #tpu.memory_space<vmem>>) target(%dma_start3A_1151 : memref<8x128xf32, #tpu.memory_space<hbm>>) target_semaphore(%arg14 : memref<!tpu.dma_semaphore, #tpu.memory_space<semaphore_mem>>)
    %add3A_1156 = arith.constant 50720 : i32
    %add3A_1157 = arith.addi %add3A_1156, %add3A : i32
    %mul3A_1158 = arith.constant 8 : i32
    %mul3A_1159 = arith.muli %add3A_1157, %mul3A_1158 : i32
    %dma_start3A_1160 = arith.constant 2 : i32
    %dma_start3A_1161 = arith.constant 8 : i32
    %dma_start3A_1162 = arith.constant 0 : i32
    %dma_start3A_1163 = tpu.memref_slice %arg7[%dma_start3A_1160, %dma_start3A_1161, %dma_start3A_1162] : memref<4x64x128xf32, #tpu.memory_space<vmem>> -> memref<1x8x128xf32, #tpu.memory_space<vmem>>
    %dma_start3A_1164 = tpu.memref_squeeze %dma_start3A_1163 : memref<1x8x128xf32, #tpu.memory_space<vmem>> -> memref<8x128xf32, #tpu.memory_space<vmem>>
    %dma_start3A_1165 = arith.constant 0 : i32
    %dma_start3A_1166 = tpu.memref_slice %arg4[%mul3A_1159, %dma_start3A_1165] : memref<409600x128xf32, #tpu.memory_space<hbm>> -> memref<8x128xf32, #tpu.memory_space<hbm>>
    %dma_start3A_1167 = arith.constant 0 : i32
    %dma_start3A_1168 = tpu.memref_slice %arg4[%mul3A_1159, %dma_start3A_1167] : memref<409600x128xf32, #tpu.memory_space<hbm>> -> memref<8x128xf32, #tpu.memory_space<hbm>>
    %dma_start3A_1169 = arith.constant 8 : i32
    %dma_start3A_1170 = arith.constant 0 : i32
    %dma_start3A_1171 = tpu.memref_slice %arg7[%dma_start3A_1160, %dma_start3A_1169, %dma_start3A_1170] : memref<4x64x128xf32, #tpu.memory_space<vmem>> -> memref<1x8x128xf32, #tpu.memory_space<vmem>>
    %dma_start3A_1172 = tpu.memref_squeeze %dma_start3A_1171 : memref<1x8x128xf32, #tpu.memory_space<vmem>> -> memref<8x128xf32, #tpu.memory_space<vmem>>
    tpu.enqueue_dma source(%dma_start3A_1172 : memref<8x128xf32, #tpu.memory_space<vmem>>) target(%dma_start3A_1168 : memref<8x128xf32, #tpu.memory_space<hbm>>) target_semaphore(%arg14 : memref<!tpu.dma_semaphore, #tpu.memory_space<semaphore_mem>>)
    %add3A_1173 = arith.constant 50752 : i32
    %add3A_1174 = arith.addi %add3A_1173, %add3A : i32
    %mul3A_1175 = arith.constant 8 : i32
    %mul3A_1176 = arith.muli %add3A_1174, %mul3A_1175 : i32
    %dma_start3A_1177 = arith.constant 2 : i32
    %dma_start3A_1178 = arith.constant 16 : i32
    %dma_start3A_1179 = arith.constant 0 : i32
    %dma_start3A_1180 = tpu.memref_slice %arg7[%dma_start3A_1177, %dma_start3A_1178, %dma_start3A_1179] : memref<4x64x128xf32, #tpu.memory_space<vmem>> -> memref<1x8x128xf32, #tpu.memory_space<vmem>>
    %dma_start3A_1181 = tpu.memref_squeeze %dma_start3A_1180 : memref<1x8x128xf32, #tpu.memory_space<vmem>> -> memref<8x128xf32, #tpu.memory_space<vmem>>
    %dma_start3A_1182 = arith.constant 0 : i32
    %dma_start3A_1183 = tpu.memref_slice %arg4[%mul3A_1176, %dma_start3A_1182] : memref<409600x128xf32, #tpu.memory_space<hbm>> -> memref<8x128xf32, #tpu.memory_space<hbm>>
    %dma_start3A_1184 = arith.constant 0 : i32
    %dma_start3A_1185 = tpu.memref_slice %arg4[%mul3A_1176, %dma_start3A_1184] : memref<409600x128xf32, #tpu.memory_space<hbm>> -> memref<8x128xf32, #tpu.memory_space<hbm>>
    %dma_start3A_1186 = arith.constant 16 : i32
    %dma_start3A_1187 = arith.constant 0 : i32
    %dma_start3A_1188 = tpu.memref_slice %arg7[%dma_start3A_1177, %dma_start3A_1186, %dma_start3A_1187] : memref<4x64x128xf32, #tpu.memory_space<vmem>> -> memref<1x8x128xf32, #tpu.memory_space<vmem>>
    %dma_start3A_1189 = tpu.memref_squeeze %dma_start3A_1188 : memref<1x8x128xf32, #tpu.memory_space<vmem>> -> memref<8x128xf32, #tpu.memory_space<vmem>>
    tpu.enqueue_dma source(%dma_start3A_1189 : memref<8x128xf32, #tpu.memory_space<vmem>>) target(%dma_start3A_1185 : memref<8x128xf32, #tpu.memory_space<hbm>>) target_semaphore(%arg14 : memref<!tpu.dma_semaphore, #tpu.memory_space<semaphore_mem>>)
    %add3A_1190 = arith.constant 50784 : i32
    %add3A_1191 = arith.addi %add3A_1190, %add3A : i32
    %mul3A_1192 = arith.constant 8 : i32
    %mul3A_1193 = arith.muli %add3A_1191, %mul3A_1192 : i32
    %dma_start3A_1194 = arith.constant 2 : i32
    %dma_start3A_1195 = arith.constant 24 : i32
    %dma_start3A_1196 = arith.constant 0 : i32
    %dma_start3A_1197 = tpu.memref_slice %arg7[%dma_start3A_1194, %dma_start3A_1195, %dma_start3A_1196] : memref<4x64x128xf32, #tpu.memory_space<vmem>> -> memref<1x8x128xf32, #tpu.memory_space<vmem>>
    %dma_start3A_1198 = tpu.memref_squeeze %dma_start3A_1197 : memref<1x8x128xf32, #tpu.memory_space<vmem>> -> memref<8x128xf32, #tpu.memory_space<vmem>>
    %dma_start3A_1199 = arith.constant 0 : i32
    %dma_start3A_1200 = tpu.memref_slice %arg4[%mul3A_1193, %dma_start3A_1199] : memref<409600x128xf32, #tpu.memory_space<hbm>> -> memref<8x128xf32, #tpu.memory_space<hbm>>
    %dma_start3A_1201 = arith.constant 0 : i32
    %dma_start3A_1202 = tpu.memref_slice %arg4[%mul3A_1193, %dma_start3A_1201] : memref<409600x128xf32, #tpu.memory_space<hbm>> -> memref<8x128xf32, #tpu.memory_space<hbm>>
    %dma_start3A_1203 = arith.constant 24 : i32
    %dma_start3A_1204 = arith.constant 0 : i32
    %dma_start3A_1205 = tpu.memref_slice %arg7[%dma_start3A_1194, %dma_start3A_1203, %dma_start3A_1204] : memref<4x64x128xf32, #tpu.memory_space<vmem>> -> memref<1x8x128xf32, #tpu.memory_space<vmem>>
    %dma_start3A_1206 = tpu.memref_squeeze %dma_start3A_1205 : memref<1x8x128xf32, #tpu.memory_space<vmem>> -> memref<8x128xf32, #tpu.memory_space<vmem>>
    tpu.enqueue_dma source(%dma_start3A_1206 : memref<8x128xf32, #tpu.memory_space<vmem>>) target(%dma_start3A_1202 : memref<8x128xf32, #tpu.memory_space<hbm>>) target_semaphore(%arg14 : memref<!tpu.dma_semaphore, #tpu.memory_space<semaphore_mem>>)
    %add3A_1207 = arith.constant 50816 : i32
    %add3A_1208 = arith.addi %add3A_1207, %add3A : i32
    %mul3A_1209 = arith.constant 8 : i32
    %mul3A_1210 = arith.muli %add3A_1208, %mul3A_1209 : i32
    %dma_start3A_1211 = arith.constant 2 : i32
    %dma_start3A_1212 = arith.constant 32 : i32
    %dma_start3A_1213 = arith.constant 0 : i32
    %dma_start3A_1214 = tpu.memref_slice %arg7[%dma_start3A_1211, %dma_start3A_1212, %dma_start3A_1213] : memref<4x64x128xf32, #tpu.memory_space<vmem>> -> memref<1x8x128xf32, #tpu.memory_space<vmem>>
    %dma_start3A_1215 = tpu.memref_squeeze %dma_start3A_1214 : memref<1x8x128xf32, #tpu.memory_space<vmem>> -> memref<8x128xf32, #tpu.memory_space<vmem>>
    %dma_start3A_1216 = arith.constant 0 : i32
    %dma_start3A_1217 = tpu.memref_slice %arg4[%mul3A_1210, %dma_start3A_1216] : memref<409600x128xf32, #tpu.memory_space<hbm>> -> memref<8x128xf32, #tpu.memory_space<hbm>>
    %dma_start3A_1218 = arith.constant 0 : i32
    %dma_start3A_1219 = tpu.memref_slice %arg4[%mul3A_1210, %dma_start3A_1218] : memref<409600x128xf32, #tpu.memory_space<hbm>> -> memref<8x128xf32, #tpu.memory_space<hbm>>
    %dma_start3A_1220 = arith.constant 32 : i32
    %dma_start3A_1221 = arith.constant 0 : i32
    %dma_start3A_1222 = tpu.memref_slice %arg7[%dma_start3A_1211, %dma_start3A_1220, %dma_start3A_1221] : memref<4x64x128xf32, #tpu.memory_space<vmem>> -> memref<1x8x128xf32, #tpu.memory_space<vmem>>
    %dma_start3A_1223 = tpu.memref_squeeze %dma_start3A_1222 : memref<1x8x128xf32, #tpu.memory_space<vmem>> -> memref<8x128xf32, #tpu.memory_space<vmem>>
    tpu.enqueue_dma source(%dma_start3A_1223 : memref<8x128xf32, #tpu.memory_space<vmem>>) target(%dma_start3A_1219 : memref<8x128xf32, #tpu.memory_space<hbm>>) target_semaphore(%arg14 : memref<!tpu.dma_semaphore, #tpu.memory_space<semaphore_mem>>)
    %add3A_1224 = arith.constant 50848 : i32
    %add3A_1225 = arith.addi %add3A_1224, %add3A : i32
    %mul3A_1226 = arith.constant 8 : i32
    %mul3A_1227 = arith.muli %add3A_1225, %mul3A_1226 : i32
    %dma_start3A_1228 = arith.constant 2 : i32
    %dma_start3A_1229 = arith.constant 40 : i32
    %dma_start3A_1230 = arith.constant 0 : i32
    %dma_start3A_1231 = tpu.memref_slice %arg7[%dma_start3A_1228, %dma_start3A_1229, %dma_start3A_1230] : memref<4x64x128xf32, #tpu.memory_space<vmem>> -> memref<1x8x128xf32, #tpu.memory_space<vmem>>
    %dma_start3A_1232 = tpu.memref_squeeze %dma_start3A_1231 : memref<1x8x128xf32, #tpu.memory_space<vmem>> -> memref<8x128xf32, #tpu.memory_space<vmem>>
    %dma_start3A_1233 = arith.constant 0 : i32
    %dma_start3A_1234 = tpu.memref_slice %arg4[%mul3A_1227, %dma_start3A_1233] : memref<409600x128xf32, #tpu.memory_space<hbm>> -> memref<8x128xf32, #tpu.memory_space<hbm>>
    %dma_start3A_1235 = arith.constant 0 : i32
    %dma_start3A_1236 = tpu.memref_slice %arg4[%mul3A_1227, %dma_start3A_1235] : memref<409600x128xf32, #tpu.memory_space<hbm>> -> memref<8x128xf32, #tpu.memory_space<hbm>>
    %dma_start3A_1237 = arith.constant 40 : i32
    %dma_start3A_1238 = arith.constant 0 : i32
    %dma_start3A_1239 = tpu.memref_slice %arg7[%dma_start3A_1228, %dma_start3A_1237, %dma_start3A_1238] : memref<4x64x128xf32, #tpu.memory_space<vmem>> -> memref<1x8x128xf32, #tpu.memory_space<vmem>>
    %dma_start3A_1240 = tpu.memref_squeeze %dma_start3A_1239 : memref<1x8x128xf32, #tpu.memory_space<vmem>> -> memref<8x128xf32, #tpu.memory_space<vmem>>
    tpu.enqueue_dma source(%dma_start3A_1240 : memref<8x128xf32, #tpu.memory_space<vmem>>) target(%dma_start3A_1236 : memref<8x128xf32, #tpu.memory_space<hbm>>) target_semaphore(%arg14 : memref<!tpu.dma_semaphore, #tpu.memory_space<semaphore_mem>>)
    %add3A_1241 = arith.constant 50880 : i32
    %add3A_1242 = arith.addi %add3A_1241, %add3A : i32
    %mul3A_1243 = arith.constant 8 : i32
    %mul3A_1244 = arith.muli %add3A_1242, %mul3A_1243 : i32
    %dma_start3A_1245 = arith.constant 2 : i32
    %dma_start3A_1246 = arith.constant 48 : i32
    %dma_start3A_1247 = arith.constant 0 : i32
    %dma_start3A_1248 = tpu.memref_slice %arg7[%dma_start3A_1245, %dma_start3A_1246, %dma_start3A_1247] : memref<4x64x128xf32, #tpu.memory_space<vmem>> -> memref<1x8x128xf32, #tpu.memory_space<vmem>>
    %dma_start3A_1249 = tpu.memref_squeeze %dma_start3A_1248 : memref<1x8x128xf32, #tpu.memory_space<vmem>> -> memref<8x128xf32, #tpu.memory_space<vmem>>
    %dma_start3A_1250 = arith.constant 0 : i32
    %dma_start3A_1251 = tpu.memref_slice %arg4[%mul3A_1244, %dma_start3A_1250] : memref<409600x128xf32, #tpu.memory_space<hbm>> -> memref<8x128xf32, #tpu.memory_space<hbm>>
    %dma_start3A_1252 = arith.constant 0 : i32
    %dma_start3A_1253 = tpu.memref_slice %arg4[%mul3A_1244, %dma_start3A_1252] : memref<409600x128xf32, #tpu.memory_space<hbm>> -> memref<8x128xf32, #tpu.memory_space<hbm>>
    %dma_start3A_1254 = arith.constant 48 : i32
    %dma_start3A_1255 = arith.constant 0 : i32
    %dma_start3A_1256 = tpu.memref_slice %arg7[%dma_start3A_1245, %dma_start3A_1254, %dma_start3A_1255] : memref<4x64x128xf32, #tpu.memory_space<vmem>> -> memref<1x8x128xf32, #tpu.memory_space<vmem>>
    %dma_start3A_1257 = tpu.memref_squeeze %dma_start3A_1256 : memref<1x8x128xf32, #tpu.memory_space<vmem>> -> memref<8x128xf32, #tpu.memory_space<vmem>>
    tpu.enqueue_dma source(%dma_start3A_1257 : memref<8x128xf32, #tpu.memory_space<vmem>>) target(%dma_start3A_1253 : memref<8x128xf32, #tpu.memory_space<hbm>>) target_semaphore(%arg14 : memref<!tpu.dma_semaphore, #tpu.memory_space<semaphore_mem>>)
    %add3A_1258 = arith.constant 50912 : i32
    %add3A_1259 = arith.addi %add3A_1258, %add3A : i32
    %mul3A_1260 = arith.constant 8 : i32
    %mul3A_1261 = arith.muli %add3A_1259, %mul3A_1260 : i32
    %dma_start3A_1262 = arith.constant 2 : i32
    %dma_start3A_1263 = arith.constant 56 : i32
    %dma_start3A_1264 = arith.constant 0 : i32
    %dma_start3A_1265 = tpu.memref_slice %arg7[%dma_start3A_1262, %dma_start3A_1263, %dma_start3A_1264] : memref<4x64x128xf32, #tpu.memory_space<vmem>> -> memref<1x8x128xf32, #tpu.memory_space<vmem>>
    %dma_start3A_1266 = tpu.memref_squeeze %dma_start3A_1265 : memref<1x8x128xf32, #tpu.memory_space<vmem>> -> memref<8x128xf32, #tpu.memory_space<vmem>>
    %dma_start3A_1267 = arith.constant 0 : i32
    %dma_start3A_1268 = tpu.memref_slice %arg4[%mul3A_1261, %dma_start3A_1267] : memref<409600x128xf32, #tpu.memory_space<hbm>> -> memref<8x128xf32, #tpu.memory_space<hbm>>
    %dma_start3A_1269 = arith.constant 0 : i32
    %dma_start3A_1270 = tpu.memref_slice %arg4[%mul3A_1261, %dma_start3A_1269] : memref<409600x128xf32, #tpu.memory_space<hbm>> -> memref<8x128xf32, #tpu.memory_space<hbm>>
    %dma_start3A_1271 = arith.constant 56 : i32
    %dma_start3A_1272 = arith.constant 0 : i32
    %dma_start3A_1273 = tpu.memref_slice %arg7[%dma_start3A_1262, %dma_start3A_1271, %dma_start3A_1272] : memref<4x64x128xf32, #tpu.memory_space<vmem>> -> memref<1x8x128xf32, #tpu.memory_space<vmem>>
    %dma_start3A_1274 = tpu.memref_squeeze %dma_start3A_1273 : memref<1x8x128xf32, #tpu.memory_space<vmem>> -> memref<8x128xf32, #tpu.memory_space<vmem>>
    tpu.enqueue_dma source(%dma_start3A_1274 : memref<8x128xf32, #tpu.memory_space<vmem>>) target(%dma_start3A_1270 : memref<8x128xf32, #tpu.memory_space<hbm>>) target_semaphore(%arg14 : memref<!tpu.dma_semaphore, #tpu.memory_space<semaphore_mem>>)
    %dma_wait3A_1275 = arith.constant 0 : i32
    %dma_wait3A_1276 = arith.constant 3 : i32
    %dma_wait3A_1277 = arith.constant 0 : i32
    %dma_wait3A_1278 = arith.constant 0 : i32
    %dma_wait3A_1279 = tpu.memref_slice %arg6[%dma_wait3A_1276, %dma_wait3A_1277, %dma_wait3A_1278] : memref<4x128x64xf32, #tpu.memory_space<vmem>> -> memref<1x128x64xf32, #tpu.memory_space<vmem>>
    %dma_wait3A_1280 = tpu.memref_squeeze %dma_wait3A_1279 : memref<1x128x64xf32, #tpu.memory_space<vmem>> -> memref<128x64xf32, #tpu.memory_space<vmem>>
    %dma_wait3A_1281 = arith.constant 0 : i32
    %dma_wait3A_1282 = tpu.memref_slice %arg5[%dma_wait3A_1275, %dma_wait3A_1281] : memref<200x128xi32, #tpu.memory_space<vmem>> -> memref<1x128xi32, #tpu.memory_space<vmem>>
    %dma_wait3A_1283 = tpu.memref_squeeze %dma_wait3A_1282 : memref<1x128xi32, #tpu.memory_space<vmem>> -> memref<128xi32, #tpu.memory_space<vmem>>
    %dma_wait3A_1284 = arith.constant 0 : i32
    %dma_wait3A_1285 = arith.constant 0 : i32
    %dma_wait3A_1286 = tpu.memref_slice %arg3[%dma_wait3A_1284, %dma_wait3A_1285] : memref<1000000x64xf32, #tpu.memory_space<hbm>> -> memref<1000000x64xf32, #tpu.memory_space<hbm>>
    tpu.wait_indirect_dma semaphore(%arg11 : memref<!tpu.dma_semaphore, #tpu.memory_space<semaphore_mem>>) src(%dma_wait3A_1286 : memref<1000000x64xf32, #tpu.memory_space<hbm>>) dst(%dma_wait3A_1280 : memref<128x64xf32, #tpu.memory_space<vmem>>)
    %dma_wait3A_1287 = arith.constant 3 : i32
    %dma_wait3A_1288 = arith.constant 0 : i32
    %dma_wait3A_1289 = arith.constant 0 : i32
    %dma_wait3A_1290 = tpu.memref_slice %arg7[%dma_wait3A_1287, %dma_wait3A_1288, %dma_wait3A_1289] : memref<4x64x128xf32, #tpu.memory_space<vmem>> -> memref<1x64x128xf32, #tpu.memory_space<vmem>>
    %dma_wait3A_1291 = tpu.memref_squeeze %dma_wait3A_1290 : memref<1x64x128xf32, #tpu.memory_space<vmem>> -> memref<64x128xf32, #tpu.memory_space<vmem>>
    %dma_wait3A_1292 = arith.constant 0 : i32
    %dma_wait3A_1293 = arith.constant 0 : i32
    %dma_wait3A_1294 = tpu.memref_slice %arg4[%dma_wait3A_1292, %dma_wait3A_1293] : memref<409600x128xf32, #tpu.memory_space<hbm>> -> memref<64x128xf32, #tpu.memory_space<hbm>>
    %dma_wait3A_1295 = arith.constant 0 : i32
    %dma_wait3A_1296 = arith.constant 0 : i32
    %dma_wait3A_1297 = tpu.memref_slice %arg4[%dma_wait3A_1295, %dma_wait3A_1296] : memref<409600x128xf32, #tpu.memory_space<hbm>> -> memref<64x128xf32, #tpu.memory_space<hbm>>
    %dma_wait3A_1298 = arith.constant 0 : i32
    %dma_wait3A_1299 = arith.constant 0 : i32
    %dma_wait3A_1300 = tpu.memref_slice %arg7[%dma_wait3A_1287, %dma_wait3A_1298, %dma_wait3A_1299] : memref<4x64x128xf32, #tpu.memory_space<vmem>> -> memref<1x64x128xf32, #tpu.memory_space<vmem>>
    %dma_wait3A_1301 = tpu.memref_squeeze %dma_wait3A_1300 : memref<1x64x128xf32, #tpu.memory_space<vmem>> -> memref<64x128xf32, #tpu.memory_space<vmem>>
    tpu.wait_dma2 semaphore(%arg15 : memref<!tpu.dma_semaphore, #tpu.memory_space<semaphore_mem>>) src(%dma_wait3A_1301 : memref<64x128xf32, #tpu.memory_space<vmem>>) dst(%dma_wait3A_1297 : memref<64x128xf32, #tpu.memory_space<hbm>>)
    %get3A_1302 = arith.constant 3 : i32
    %get3A_1303 = arith.constant 0 : i32
    %get3A_1304 = arith.index_cast %get3A_1302 : i32 to index
    %get3A_1305 = arith.index_cast %get3A_1303 : i32 to index
    %get3A_1306 = arith.constant 0 : index
    %get3A_1307 = tpu.vector_load %arg7[%get3A_1304, %get3A_1305, %get3A_1306] {strides = array<i32>} : memref<4x64x128xf32, #tpu.memory_space<vmem>>, vector<16xf32>,
    %swap3A_1308 = arith.constant 3 : i32
    %swap3A_1309 = arith.constant 0 : i32
    %swap3A_1310 = arith.index_cast %swap3A_1308 : i32 to index
    %swap3A_1311 = arith.index_cast %swap3A_1309 : i32 to index
    %swap3A_1312 = arith.constant 0 : index
    %swap3A_1313 = tpu.vector_load %arg7[%swap3A_1310, %swap3A_1311, %swap3A_1312] {strides = array<i32>} : memref<4x64x128xf32, #tpu.memory_space<vmem>>, vector<16xf32>,
    tpu.vector_store %arg7[%swap3A_1310, %swap3A_1311, %swap3A_1312], %get3A_1307 {strides = array<i32>} : memref<4x64x128xf32, #tpu.memory_space<vmem>>, vector<16xf32>,
    %add3A_1314 = arith.constant 50944 : i32
    %add3A_1315 = arith.addi %add3A_1314, %add3A : i32
    %mul3A_1316 = arith.constant 8 : i32
    %mul3A_1317 = arith.muli %add3A_1315, %mul3A_1316 : i32
    %dma_start3A_1318 = arith.constant 3 : i32
    %dma_start3A_1319 = arith.constant 0 : i32
    %dma_start3A_1320 = arith.constant 0 : i32
    %dma_start3A_1321 = tpu.memref_slice %arg7[%dma_start3A_1318, %dma_start3A_1319, %dma_start3A_1320] : memref<4x64x128xf32, #tpu.memory_space<vmem>> -> memref<1x8x128xf32, #tpu.memory_space<vmem>>
    %dma_start3A_1322 = tpu.memref_squeeze %dma_start3A_1321 : memref<1x8x128xf32, #tpu.memory_space<vmem>> -> memref<8x128xf32, #tpu.memory_space<vmem>>
    %dma_start3A_1323 = arith.constant 0 : i32
    %dma_start3A_1324 = tpu.memref_slice %arg4[%mul3A_1317, %dma_start3A_1323] : memref<409600x128xf32, #tpu.memory_space<hbm>> -> memref<8x128xf32, #tpu.memory_space<hbm>>
    %dma_start3A_1325 = arith.constant 0 : i32
    %dma_start3A_1326 = tpu.memref_slice %arg4[%mul3A_1317, %dma_start3A_1325] : memref<409600x128xf32, #tpu.memory_space<hbm>> -> memref<8x128xf32, #tpu.memory_space<hbm>>
    %dma_start3A_1327 = arith.constant 0 : i32
    %dma_start3A_1328 = arith.constant 0 : i32
    %dma_start3A_1329 = tpu.memref_slice %arg7[%dma_start3A_1318, %dma_start3A_1327, %dma_start3A_1328] : memref<4x64x128xf32, #tpu.memory_space<vmem>> -> memref<1x8x128xf32, #tpu.memory_space<vmem>>
    %dma_start3A_1330 = tpu.memref_squeeze %dma_start3A_1329 : memref<1x8x128xf32, #tpu.memory_space<vmem>> -> memref<8x128xf32, #tpu.memory_space<vmem>>
    tpu.enqueue_dma source(%dma_start3A_1330 : memref<8x128xf32, #tpu.memory_space<vmem>>) target(%dma_start3A_1326 : memref<8x128xf32, #tpu.memory_space<hbm>>) target_semaphore(%arg15 : memref<!tpu.dma_semaphore, #tpu.memory_space<semaphore_mem>>)
    %add3A_1331 = arith.constant 50976 : i32
    %add3A_1332 = arith.addi %add3A_1331, %add3A : i32
    %mul3A_1333 = arith.constant 8 : i32
    %mul3A_1334 = arith.muli %add3A_1332, %mul3A_1333 : i32
    %dma_start3A_1335 = arith.constant 3 : i32
    %dma_start3A_1336 = arith.constant 8 : i32
    %dma_start3A_1337 = arith.constant 0 : i32
    %dma_start3A_1338 = tpu.memref_slice %arg7[%dma_start3A_1335, %dma_start3A_1336, %dma_start3A_1337] : memref<4x64x128xf32, #tpu.memory_space<vmem>> -> memref<1x8x128xf32, #tpu.memory_space<vmem>>
    %dma_start3A_1339 = tpu.memref_squeeze %dma_start3A_1338 : memref<1x8x128xf32, #tpu.memory_space<vmem>> -> memref<8x128xf32, #tpu.memory_space<vmem>>
    %dma_start3A_1340 = arith.constant 0 : i32
    %dma_start3A_1341 = tpu.memref_slice %arg4[%mul3A_1334, %dma_start3A_1340] : memref<409600x128xf32, #tpu.memory_space<hbm>> -> memref<8x128xf32, #tpu.memory_space<hbm>>
    %dma_start3A_1342 = arith.constant 0 : i32
    %dma_start3A_1343 = tpu.memref_slice %arg4[%mul3A_1334, %dma_start3A_1342] : memref<409600x128xf32, #tpu.memory_space<hbm>> -> memref<8x128xf32, #tpu.memory_space<hbm>>
    %dma_start3A_1344 = arith.constant 8 : i32
    %dma_start3A_1345 = arith.constant 0 : i32
    %dma_start3A_1346 = tpu.memref_slice %arg7[%dma_start3A_1335, %dma_start3A_1344, %dma_start3A_1345] : memref<4x64x128xf32, #tpu.memory_space<vmem>> -> memref<1x8x128xf32, #tpu.memory_space<vmem>>
    %dma_start3A_1347 = tpu.memref_squeeze %dma_start3A_1346 : memref<1x8x128xf32, #tpu.memory_space<vmem>> -> memref<8x128xf32, #tpu.memory_space<vmem>>
    tpu.enqueue_dma source(%dma_start3A_1347 : memref<8x128xf32, #tpu.memory_space<vmem>>) target(%dma_start3A_1343 : memref<8x128xf32, #tpu.memory_space<hbm>>) target_semaphore(%arg15 : memref<!tpu.dma_semaphore, #tpu.memory_space<semaphore_mem>>)
    %add3A_1348 = arith.constant 51008 : i32
    %add3A_1349 = arith.addi %add3A_1348, %add3A : i32
    %mul3A_1350 = arith.constant 8 : i32
    %mul3A_1351 = arith.muli %add3A_1349, %mul3A_1350 : i32
    %dma_start3A_1352 = arith.constant 3 : i32
    %dma_start3A_1353 = arith.constant 16 : i32
    %dma_start3A_1354 = arith.constant 0 : i32
    %dma_start3A_1355 = tpu.memref_slice %arg7[%dma_start3A_1352, %dma_start3A_1353, %dma_start3A_1354] : memref<4x64x128xf32, #tpu.memory_space<vmem>> -> memref<1x8x128xf32, #tpu.memory_space<vmem>>
    %dma_start3A_1356 = tpu.memref_squeeze %dma_start3A_1355 : memref<1x8x128xf32, #tpu.memory_space<vmem>> -> memref<8x128xf32, #tpu.memory_space<vmem>>
    %dma_start3A_1357 = arith.constant 0 : i32
    %dma_start3A_1358 = tpu.memref_slice %arg4[%mul3A_1351, %dma_start3A_1357] : memref<409600x128xf32, #tpu.memory_space<hbm>> -> memref<8x128xf32, #tpu.memory_space<hbm>>
    %dma_start3A_1359 = arith.constant 0 : i32
    %dma_start3A_1360 = tpu.memref_slice %arg4[%mul3A_1351, %dma_start3A_1359] : memref<409600x128xf32, #tpu.memory_space<hbm>> -> memref<8x128xf32, #tpu.memory_space<hbm>>
    %dma_start3A_1361 = arith.constant 16 : i32
    %dma_start3A_1362 = arith.constant 0 : i32
    %dma_start3A_1363 = tpu.memref_slice %arg7[%dma_start3A_1352, %dma_start3A_1361, %dma_start3A_1362] : memref<4x64x128xf32, #tpu.memory_space<vmem>> -> memref<1x8x128xf32, #tpu.memory_space<vmem>>
    %dma_start3A_1364 = tpu.memref_squeeze %dma_start3A_1363 : memref<1x8x128xf32, #tpu.memory_space<vmem>> -> memref<8x128xf32, #tpu.memory_space<vmem>>
    tpu.enqueue_dma source(%dma_start3A_1364 : memref<8x128xf32, #tpu.memory_space<vmem>>) target(%dma_start3A_1360 : memref<8x128xf32, #tpu.memory_space<hbm>>) target_semaphore(%arg15 : memref<!tpu.dma_semaphore, #tpu.memory_space<semaphore_mem>>)
    %add3A_1365 = arith.constant 51040 : i32
    %add3A_1366 = arith.addi %add3A_1365, %add3A : i32
    %mul3A_1367 = arith.constant 8 : i32
    %mul3A_1368 = arith.muli %add3A_1366, %mul3A_1367 : i32
    %dma_start3A_1369 = arith.constant 3 : i32
    %dma_start3A_1370 = arith.constant 24 : i32
    %dma_start3A_1371 = arith.constant 0 : i32
    %dma_start3A_1372 = tpu.memref_slice %arg7[%dma_start3A_1369, %dma_start3A_1370, %dma_start3A_1371] : memref<4x64x128xf32, #tpu.memory_space<vmem>> -> memref<1x8x128xf32, #tpu.memory_space<vmem>>
    %dma_start3A_1373 = tpu.memref_squeeze %dma_start3A_1372 : memref<1x8x128xf32, #tpu.memory_space<vmem>> -> memref<8x128xf32, #tpu.memory_space<vmem>>
    %dma_start3A_1374 = arith.constant 0 : i32
    %dma_start3A_1375 = tpu.memref_slice %arg4[%mul3A_1368, %dma_start3A_1374] : memref<409600x128xf32, #tpu.memory_space<hbm>> -> memref<8x128xf32, #tpu.memory_space<hbm>>
    %dma_start3A_1376 = arith.constant 0 : i32
    %dma_start3A_1377 = tpu.memref_slice %arg4[%mul3A_1368, %dma_start3A_1376] : memref<409600x128xf32, #tpu.memory_space<hbm>> -> memref<8x128xf32, #tpu.memory_space<hbm>>
    %dma_start3A_1378 = arith.constant 24 : i32
    %dma_start3A_1379 = arith.constant 0 : i32
    %dma_start3A_1380 = tpu.memref_slice %arg7[%dma_start3A_1369, %dma_start3A_1378, %dma_start3A_1379] : memref<4x64x128xf32, #tpu.memory_space<vmem>> -> memref<1x8x128xf32, #tpu.memory_space<vmem>>
    %dma_start3A_1381 = tpu.memref_squeeze %dma_start3A_1380 : memref<1x8x128xf32, #tpu.memory_space<vmem>> -> memref<8x128xf32, #tpu.memory_space<vmem>>
    tpu.enqueue_dma source(%dma_start3A_1381 : memref<8x128xf32, #tpu.memory_space<vmem>>) target(%dma_start3A_1377 : memref<8x128xf32, #tpu.memory_space<hbm>>) target_semaphore(%arg15 : memref<!tpu.dma_semaphore, #tpu.memory_space<semaphore_mem>>)
    %add3A_1382 = arith.constant 51072 : i32
    %add3A_1383 = arith.addi %add3A_1382, %add3A : i32
    %mul3A_1384 = arith.constant 8 : i32
    %mul3A_1385 = arith.muli %add3A_1383, %mul3A_1384 : i32
    %dma_start3A_1386 = arith.constant 3 : i32
    %dma_start3A_1387 = arith.constant 32 : i32
    %dma_start3A_1388 = arith.constant 0 : i32
    %dma_start3A_1389 = tpu.memref_slice %arg7[%dma_start3A_1386, %dma_start3A_1387, %dma_start3A_1388] : memref<4x64x128xf32, #tpu.memory_space<vmem>> -> memref<1x8x128xf32, #tpu.memory_space<vmem>>
    %dma_start3A_1390 = tpu.memref_squeeze %dma_start3A_1389 : memref<1x8x128xf32, #tpu.memory_space<vmem>> -> memref<8x128xf32, #tpu.memory_space<vmem>>
    %dma_start3A_1391 = arith.constant 0 : i32
    %dma_start3A_1392 = tpu.memref_slice %arg4[%mul3A_1385, %dma_start3A_1391] : memref<409600x128xf32, #tpu.memory_space<hbm>> -> memref<8x128xf32, #tpu.memory_space<hbm>>
    %dma_start3A_1393 = arith.constant 0 : i32
    %dma_start3A_1394 = tpu.memref_slice %arg4[%mul3A_1385, %dma_start3A_1393] : memref<409600x128xf32, #tpu.memory_space<hbm>> -> memref<8x128xf32, #tpu.memory_space<hbm>>
    %dma_start3A_1395 = arith.constant 32 : i32
    %dma_start3A_1396 = arith.constant 0 : i32
    %dma_start3A_1397 = tpu.memref_slice %arg7[%dma_start3A_1386, %dma_start3A_1395, %dma_start3A_1396] : memref<4x64x128xf32, #tpu.memory_space<vmem>> -> memref<1x8x128xf32, #tpu.memory_space<vmem>>
    %dma_start3A_1398 = tpu.memref_squeeze %dma_start3A_1397 : memref<1x8x128xf32, #tpu.memory_space<vmem>> -> memref<8x128xf32, #tpu.memory_space<vmem>>
    tpu.enqueue_dma source(%dma_start3A_1398 : memref<8x128xf32, #tpu.memory_space<vmem>>) target(%dma_start3A_1394 : memref<8x128xf32, #tpu.memory_space<hbm>>) target_semaphore(%arg15 : memref<!tpu.dma_semaphore, #tpu.memory_space<semaphore_mem>>)
    %add3A_1399 = arith.constant 51104 : i32
    %add3A_1400 = arith.addi %add3A_1399, %add3A : i32
    %mul3A_1401 = arith.constant 8 : i32
    %mul3A_1402 = arith.muli %add3A_1400, %mul3A_1401 : i32
    %dma_start3A_1403 = arith.constant 3 : i32
    %dma_start3A_1404 = arith.constant 40 : i32
    %dma_start3A_1405 = arith.constant 0 : i32
    %dma_start3A_1406 = tpu.memref_slice %arg7[%dma_start3A_1403, %dma_start3A_1404, %dma_start3A_1405] : memref<4x64x128xf32, #tpu.memory_space<vmem>> -> memref<1x8x128xf32, #tpu.memory_space<vmem>>
    %dma_start3A_1407 = tpu.memref_squeeze %dma_start3A_1406 : memref<1x8x128xf32, #tpu.memory_space<vmem>> -> memref<8x128xf32, #tpu.memory_space<vmem>>
    %dma_start3A_1408 = arith.constant 0 : i32
    %dma_start3A_1409 = tpu.memref_slice %arg4[%mul3A_1402, %dma_start3A_1408] : memref<409600x128xf32, #tpu.memory_space<hbm>> -> memref<8x128xf32, #tpu.memory_space<hbm>>
    %dma_start3A_1410 = arith.constant 0 : i32
    %dma_start3A_1411 = tpu.memref_slice %arg4[%mul3A_1402, %dma_start3A_1410] : memref<409600x128xf32, #tpu.memory_space<hbm>> -> memref<8x128xf32, #tpu.memory_space<hbm>>
    %dma_start3A_1412 = arith.constant 40 : i32
    %dma_start3A_1413 = arith.constant 0 : i32
    %dma_start3A_1414 = tpu.memref_slice %arg7[%dma_start3A_1403, %dma_start3A_1412, %dma_start3A_1413] : memref<4x64x128xf32, #tpu.memory_space<vmem>> -> memref<1x8x128xf32, #tpu.memory_space<vmem>>
    %dma_start3A_1415 = tpu.memref_squeeze %dma_start3A_1414 : memref<1x8x128xf32, #tpu.memory_space<vmem>> -> memref<8x128xf32, #tpu.memory_space<vmem>>
    tpu.enqueue_dma source(%dma_start3A_1415 : memref<8x128xf32, #tpu.memory_space<vmem>>) target(%dma_start3A_1411 : memref<8x128xf32, #tpu.memory_space<hbm>>) target_semaphore(%arg15 : memref<!tpu.dma_semaphore, #tpu.memory_space<semaphore_mem>>)
    %add3A_1416 = arith.constant 51136 : i32
    %add3A_1417 = arith.addi %add3A_1416, %add3A : i32
    %mul3A_1418 = arith.constant 8 : i32
    %mul3A_1419 = arith.muli %add3A_1417, %mul3A_1418 : i32
    %dma_start3A_1420 = arith.constant 3 : i32
    %dma_start3A_1421 = arith.constant 48 : i32
    %dma_start3A_1422 = arith.constant 0 : i32
    %dma_start3A_1423 = tpu.memref_slice %arg7[%dma_start3A_1420, %dma_start3A_1421, %dma_start3A_1422] : memref<4x64x128xf32, #tpu.memory_space<vmem>> -> memref<1x8x128xf32, #tpu.memory_space<vmem>>
    %dma_start3A_1424 = tpu.memref_squeeze %dma_start3A_1423 : memref<1x8x128xf32, #tpu.memory_space<vmem>> -> memref<8x128xf32, #tpu.memory_space<vmem>>
    %dma_start3A_1425 = arith.constant 0 : i32
    %dma_start3A_1426 = tpu.memref_slice %arg4[%mul3A_1419, %dma_start3A_1425] : memref<409600x128xf32, #tpu.memory_space<hbm>> -> memref<8x128xf32, #tpu.memory_space<hbm>>
    %dma_start3A_1427 = arith.constant 0 : i32
    %dma_start3A_1428 = tpu.memref_slice %arg4[%mul3A_1419, %dma_start3A_1427] : memref<409600x128xf32, #tpu.memory_space<hbm>> -> memref<8x128xf32, #tpu.memory_space<hbm>>
    %dma_start3A_1429 = arith.constant 48 : i32
    %dma_start3A_1430 = arith.constant 0 : i32
    %dma_start3A_1431 = tpu.memref_slice %arg7[%dma_start3A_1420, %dma_start3A_1429, %dma_start3A_1430] : memref<4x64x128xf32, #tpu.memory_space<vmem>> -> memref<1x8x128xf32, #tpu.memory_space<vmem>>
    %dma_start3A_1432 = tpu.memref_squeeze %dma_start3A_1431 : memref<1x8x128xf32, #tpu.memory_space<vmem>> -> memref<8x128xf32, #tpu.memory_space<vmem>>
    tpu.enqueue_dma source(%dma_start3A_1432 : memref<8x128xf32, #tpu.memory_space<vmem>>) target(%dma_start3A_1428 : memref<8x128xf32, #tpu.memory_space<hbm>>) target_semaphore(%arg15 : memref<!tpu.dma_semaphore, #tpu.memory_space<semaphore_mem>>)
    %add3A_1433 = arith.constant 51168 : i32
    %add3A_1434 = arith.addi %add3A_1433, %add3A : i32
    %mul3A_1435 = arith.constant 8 : i32
    %mul3A_1436 = arith.muli %add3A_1434, %mul3A_1435 : i32
    %dma_start3A_1437 = arith.constant 3 : i32
    %dma_start3A_1438 = arith.constant 56 : i32
    %dma_start3A_1439 = arith.constant 0 : i32
    %dma_start3A_1440 = tpu.memref_slice %arg7[%dma_start3A_1437, %dma_start3A_1438, %dma_start3A_1439] : memref<4x64x128xf32, #tpu.memory_space<vmem>> -> memref<1x8x128xf32, #tpu.memory_space<vmem>>
    %dma_start3A_1441 = tpu.memref_squeeze %dma_start3A_1440 : memref<1x8x128xf32, #tpu.memory_space<vmem>> -> memref<8x128xf32, #tpu.memory_space<vmem>>
    %dma_start3A_1442 = arith.constant 0 : i32
    %dma_start3A_1443 = tpu.memref_slice %arg4[%mul3A_1436, %dma_start3A_1442] : memref<409600x128xf32, #tpu.memory_space<hbm>> -> memref<8x128xf32, #tpu.memory_space<hbm>>
    %dma_start3A_1444 = arith.constant 0 : i32
    %dma_start3A_1445 = tpu.memref_slice %arg4[%mul3A_1436, %dma_start3A_1444] : memref<409600x128xf32, #tpu.memory_space<hbm>> -> memref<8x128xf32, #tpu.memory_space<hbm>>
    %dma_start3A_1446 = arith.constant 56 : i32
    %dma_start3A_1447 = arith.constant 0 : i32
    %dma_start3A_1448 = tpu.memref_slice %arg7[%dma_start3A_1437, %dma_start3A_1446, %dma_start3A_1447] : memref<4x64x128xf32, #tpu.memory_space<vmem>> -> memref<1x8x128xf32, #tpu.memory_space<vmem>>
    %dma_start3A_1449 = tpu.memref_squeeze %dma_start3A_1448 : memref<1x8x128xf32, #tpu.memory_space<vmem>> -> memref<8x128xf32, #tpu.memory_space<vmem>>
    tpu.enqueue_dma source(%dma_start3A_1449 : memref<8x128xf32, #tpu.memory_space<vmem>>) target(%dma_start3A_1445 : memref<8x128xf32, #tpu.memory_space<hbm>>) target_semaphore(%arg15 : memref<!tpu.dma_semaphore, #tpu.memory_space<semaphore_mem>>)
    %dma_wait3A_1450 = arith.constant 0 : i32
    %dma_wait3A_1451 = arith.constant 0 : i32
    %dma_wait3A_1452 = arith.constant 0 : i32
    %dma_wait3A_1453 = tpu.memref_slice %arg7[%dma_wait3A_1450, %dma_wait3A_1451, %dma_wait3A_1452] : memref<4x64x128xf32, #tpu.memory_space<vmem>> -> memref<1x64x128xf32, #tpu.memory_space<vmem>>
    %dma_wait3A_1454 = tpu.memref_squeeze %dma_wait3A_1453 : memref<1x64x128xf32, #tpu.memory_space<vmem>> -> memref<64x128xf32, #tpu.memory_space<vmem>>
    %dma_wait3A_1455 = arith.constant 0 : i32
    %dma_wait3A_1456 = arith.constant 0 : i32
    %dma_wait3A_1457 = tpu.memref_slice %arg4[%dma_wait3A_1455, %dma_wait3A_1456] : memref<409600x128xf32, #tpu.memory_space<hbm>> -> memref<64x128xf32, #tpu.memory_space<hbm>>
    %dma_wait3A_1458 = arith.constant 0 : i32
    %dma_wait3A_1459 = arith.constant 0 : i32
    %dma_wait3A_1460 = tpu.memref_slice %arg4[%dma_wait3A_1458, %dma_wait3A_1459] : memref<409600x128xf32, #tpu.memory_space<hbm>> -> memref<64x128xf32, #tpu.memory_space<hbm>>
    %dma_wait3A_1461 = arith.constant 0 : i32
    %dma_wait3A_1462 = arith.constant 0 : i32
    %dma_wait3A_1463 = tpu.memref_slice %arg7[%dma_wait3A_1450, %dma_wait3A_1461, %dma_wait3A_1462] : memref<4x64x128xf32, #tpu.memory_space<vmem>> -> memref<1x64x128xf32, #tpu.memory_space<vmem>>
    %dma_wait3A_1464 = tpu.memref_squeeze %dma_wait3A_1463 : memref<1x64x128xf32, #tpu.memory_space<vmem>> -> memref<64x128xf32, #tpu.memory_space<vmem>>
    tpu.wait_dma2 semaphore(%arg12 : memref<!tpu.dma_semaphore, #tpu.memory_space<semaphore_mem>>) src(%dma_wait3A_1464 : memref<64x128xf32, #tpu.memory_space<vmem>>) dst(%dma_wait3A_1460 : memref<64x128xf32, #tpu.memory_space<hbm>>)
    %dma_wait3A_1465 = arith.constant 1 : i32
    %dma_wait3A_1466 = arith.constant 0 : i32
    %dma_wait3A_1467 = arith.constant 0 : i32
    %dma_wait3A_1468 = tpu.memref_slice %arg7[%dma_wait3A_1465, %dma_wait3A_1466, %dma_wait3A_1467] : memref<4x64x128xf32, #tpu.memory_space<vmem>> -> memref<1x64x128xf32, #tpu.memory_space<vmem>>
    %dma_wait3A_1469 = tpu.memref_squeeze %dma_wait3A_1468 : memref<1x64x128xf32, #tpu.memory_space<vmem>> -> memref<64x128xf32, #tpu.memory_space<vmem>>
    %dma_wait3A_1470 = arith.constant 0 : i32
    %dma_wait3A_1471 = arith.constant 0 : i32
    %dma_wait3A_1472 = tpu.memref_slice %arg4[%dma_wait3A_1470, %dma_wait3A_1471] : memref<409600x128xf32, #tpu.memory_space<hbm>> -> memref<64x128xf32, #tpu.memory_space<hbm>>
    %dma_wait3A_1473 = arith.constant 0 : i32
    %dma_wait3A_1474 = arith.constant 0 : i32
    %dma_wait3A_1475 = tpu.memref_slice %arg4[%dma_wait3A_1473, %dma_wait3A_1474] : memref<409600x128xf32, #tpu.memory_space<hbm>> -> memref<64x128xf32, #tpu.memory_space<hbm>>
    %dma_wait3A_1476 = arith.constant 0 : i32
    %dma_wait3A_1477 = arith.constant 0 : i32
    %dma_wait3A_1478 = tpu.memref_slice %arg7[%dma_wait3A_1465, %dma_wait3A_1476, %dma_wait3A_1477] : memref<4x64x128xf32, #tpu.memory_space<vmem>> -> memref<1x64x128xf32, #tpu.memory_space<vmem>>
    %dma_wait3A_1479 = tpu.memref_squeeze %dma_wait3A_1478 : memref<1x64x128xf32, #tpu.memory_space<vmem>> -> memref<64x128xf32, #tpu.memory_space<vmem>>
    tpu.wait_dma2 semaphore(%arg13 : memref<!tpu.dma_semaphore, #tpu.memory_space<semaphore_mem>>) src(%dma_wait3A_1479 : memref<64x128xf32, #tpu.memory_space<vmem>>) dst(%dma_wait3A_1475 : memref<64x128xf32, #tpu.memory_space<hbm>>)
    %dma_wait3A_1480 = arith.constant 2 : i32
    %dma_wait3A_1481 = arith.constant 0 : i32
    %dma_wait3A_1482 = arith.constant 0 : i32
    %dma_wait3A_1483 = tpu.memref_slice %arg7[%dma_wait3A_1480, %dma_wait3A_1481, %dma_wait3A_1482] : memref<4x64x128xf32, #tpu.memory_space<vmem>> -> memref<1x64x128xf32, #tpu.memory_space<vmem>>
    %dma_wait3A_1484 = tpu.memref_squeeze %dma_wait3A_1483 : memref<1x64x128xf32, #tpu.memory_space<vmem>> -> memref<64x128xf32, #tpu.memory_space<vmem>>
    %dma_wait3A_1485 = arith.constant 0 : i32
    %dma_wait3A_1486 = arith.constant 0 : i32
    %dma_wait3A_1487 = tpu.memref_slice %arg4[%dma_wait3A_1485, %dma_wait3A_1486] : memref<409600x128xf32, #tpu.memory_space<hbm>> -> memref<64x128xf32, #tpu.memory_space<hbm>>
    %dma_wait3A_1488 = arith.constant 0 : i32
    %dma_wait3A_1489 = arith.constant 0 : i32
    %dma_wait3A_1490 = tpu.memref_slice %arg4[%dma_wait3A_1488, %dma_wait3A_1489] : memref<409600x128xf32, #tpu.memory_space<hbm>> -> memref<64x128xf32, #tpu.memory_space<hbm>>
    %dma_wait3A_1491 = arith.constant 0 : i32
    %dma_wait3A_1492 = arith.constant 0 : i32
    %dma_wait3A_1493 = tpu.memref_slice %arg7[%dma_wait3A_1480, %dma_wait3A_1491, %dma_wait3A_1492] : memref<4x64x128xf32, #tpu.memory_space<vmem>> -> memref<1x64x128xf32, #tpu.memory_space<vmem>>
    %dma_wait3A_1494 = tpu.memref_squeeze %dma_wait3A_1493 : memref<1x64x128xf32, #tpu.memory_space<vmem>> -> memref<64x128xf32, #tpu.memory_space<vmem>>
    tpu.wait_dma2 semaphore(%arg14 : memref<!tpu.dma_semaphore, #tpu.memory_space<semaphore_mem>>) src(%dma_wait3A_1494 : memref<64x128xf32, #tpu.memory_space<vmem>>) dst(%dma_wait3A_1490 : memref<64x128xf32, #tpu.memory_space<hbm>>)
    %dma_wait3A_1495 = arith.constant 3 : i32
    %dma_wait3A_1496 = arith.constant 0 : i32
    %dma_wait3A_1497 = arith.constant 0 : i32
    %dma_wait3A_1498 = tpu.memref_slice %arg7[%dma_wait3A_1495, %dma_wait3A_1496, %dma_wait3A_1497] : memref<4x64x128xf32, #tpu.memory_space<vmem>> -> memref<1x64x128xf32, #tpu.memory_space<vmem>>
    %dma_wait3A_1499 = tpu.memref_squeeze %dma_wait3A_1498 : memref<1x64x128xf32, #tpu.memory_space<vmem>> -> memref<64x128xf32, #tpu.memory_space<vmem>>
    %dma_wait3A_1500 = arith.constant 0 : i32
    %dma_wait3A_1501 = arith.constant 0 : i32
    %dma_wait3A_1502 = tpu.memref_slice %arg4[%dma_wait3A_1500, %dma_wait3A_1501] : memref<409600x128xf32, #tpu.memory_space<hbm>> -> memref<64x128xf32, #tpu.memory_space<hbm>>
    %dma_wait3A_1503 = arith.constant 0 : i32
    %dma_wait3A_1504 = arith.constant 0 : i32
    %dma_wait3A_1505 = tpu.memref_slice %arg4[%dma_wait3A_1503, %dma_wait3A_1504] : memref<409600x128xf32, #tpu.memory_space<hbm>> -> memref<64x128xf32, #tpu.memory_space<hbm>>
    %dma_wait3A_1506 = arith.constant 0 : i32
    %dma_wait3A_1507 = arith.constant 0 : i32
    %dma_wait3A_1508 = tpu.memref_slice %arg7[%dma_wait3A_1495, %dma_wait3A_1506, %dma_wait3A_1507] : memref<4x64x128xf32, #tpu.memory_space<vmem>> -> memref<1x64x128xf32, #tpu.memory_space<vmem>>
    %dma_wait3A_1509 = tpu.memref_squeeze %dma_wait3A_1508 : memref<1x64x128xf32, #tpu.memory_space<vmem>> -> memref<64x128xf32, #tpu.memory_space<vmem>>
    tpu.wait_dma2 semaphore(%arg15 : memref<!tpu.dma_semaphore, #tpu.memory_space<semaphore_mem>>) src(%dma_wait3A_1509 : memref<64x128xf32, #tpu.memory_space<vmem>>) dst(%dma_wait3A_1505 : memref<64x128xf32, #tpu.memory_space<hbm>>)
    return
  }
}

</mosaic_0001>

<sc_bundles>
// kernel: kernel.3.cloned.1.call-start
scs
__scs_entry_jumppad:
0x0: {  	(pc) =	sbr.rel $0x88, $3  }
0x1: {  	(tag) =	ssettag $0x0;
	lr =	simm.s32 $0x1  }
0x2: {  	[smem:$0x3F9F] =	sst lr;
	_ =	strace $0xD0000000  }
0x3: {  	_ = 	snop  }
0x4: {  	_ = 	snop  }
0x5: {  	_ = 	snop  }
0x6: {  	_ = 	snop  }
0x7: {  	_ = 	snop  }
__scs_overlays_trampoline_lowered:
0x8: {  	[smem:$0x3FAE] =	sst s0  }
0x9: {  	[smem:$0x3FAF] =	sst s1  }
0xa: {  	[smem:$0x3FB0] =	sst s2  }
0xb: {  	[smem:$0x3FB1] =	sst s3  }
0xc: {  	[smem:$0x3FB2] =	sst s4  }
0xd: {  	[smem:$0x3FB3] =	sst s5  }
0xe: {  	[smem:$0x3FB4] =	sst s6  }
0xf: {  	[smem:$0x3FB5] =	sst s7  }
0x10: {  	[smem:$0x3FB6] =	sst s8  }
0x11: {  	[smem:$0x3FB7] =	sst s9;
	s0 =	simm.s32 @!p0 $0x0  }
0x12: {  	s1 =	sld [smem:$0x3F9D];
	s0 =	simm.s32 @p0 $0x1  }
0x13: {  	[smem:$0x3FB8] =	sst s0;
	s0 =	simm.s32 @!p1 $0x0  }
0x14: {  	s2 =	sld [smem:$0x3F9C];
	s0 =	simm.s32 @p1 $0x1  }
0x15: {  	[smem:$0x3FB9] =	sst s0;
	s0 =	simm.s32 @!p2 $0x0  }
0x16: {  	s3 =	sld [smem:$0x3FDB];
	s0 =	simm.s32 @p2 $0x1  }
0x17: {  	s4 =	simm.s32 $0x1BF5;
	[smem:$0x3FBB] =	sst s0  }
0x18: {  	s0 =	sld [smem:$0x3F9E];
	_ =	swait.ge [sflag:s4], $0x0  }
0x19: {  	s7 =	sld [smem:$0x3F9F]  }
0x1a: {  	s8 =	sadd.s32 $0xFFFFE003, lr  }
0x1b: {  	s9 =	sadd.s32 $0xFFFFFEF7, lr;
	s5 =	simm.s32 $0xFFFFFFFF;
	p2 =	slt.u32 s8, $0xFFFFF086  }
0x1c: {  	p1 =	slt.u32 s9, $0xF7A;
	s5 =	simm.s32 @!p2 $0x0  }
0x1d: {  	s5 =	simm.s32 @p1 $0x1;
	p0 =	seq.s32 s7, s2  }
0x1e: {  	s7 =	smul.u32 @!p0 $0xF7A, s2;
	p2 =	seq.s32 @!p0 s5, $0x0  }
0x1f: {  	s9 =	smul.u32 $0xF7A, s1;
	s8 =	simm.s32 @!p0 $0x1BF5;
	p2 =	por !p2, p0  }
0x20: {  	[sflag:s8] =	ssyncset.s32 @!p0 $0xFFFFF086;
	s6 =	sadd.s32 @!p0 s3, s7;
	s7 =	simm.s32 @!p0 $0x108  }
0x21: {  	s3 =	sadd.s32 s3, s9;
	s6 =	sadd.s32 @!p0 $0x88, s6;
	s7 =	simm.s32 @p2 $0x1082  }
0x22: {  	[simem:s7], [sflag:s8] =	dma.local @!p0 [hbm:s6], $0xF7A  }
0x23: {  	s9 =	sor.u32 $0xD0000000, s2;
	s6 =	simm.s32 $0x108;
	_ =	swait.ge @!p0 [sflag:s8], $0x0  }
0x24: {  	s3 =	sadd.s32 $0x88, s3;
	s6 =	simm.s32 @!p1 $0x1082;
	[sflag:s4] =	ssyncset.s32 $0xFFFFF086  }
0x25: {  	[simem:s6], [sflag:s4] =	dma.local [hbm:s3], $0xF7A  }
0x26: {  	[smem:$0x3F9F] =	sst s1;
	(tag) =	ssettag s2;
	_ =	strace s9  }
0x27: {  	s1 =	sld [smem:$0x3FAF]  }
0x28: {  	s2 =	sld [smem:$0x3FB0]  }
0x29: {  	s4 =	sld [smem:$0x3FB2]  }
0x2a: {  	p0 =	seq.s32 s5, $0x0;
	s5 =	sld [smem:$0x3FB3]  }
0x2b: {  	s6 =	sld [smem:$0x3FB4]  }
0x2c: {  	s7 =	sld [smem:$0x3FB5]  }
0x2d: {  	s3 =	simm.s32 $0x108;
	s8 =	sld [smem:$0x3FB6]  }
0x2e: {  	s3 =	simm.s32 @!p0 $0x1082;
	s9 =	sld [smem:$0x3FB7]  }
0x2f: {  	lr =	sadd.s32 s0, s3;
	s0 =	sld [smem:$0x3FAE]  }
0x30: {  	s3 =	sld [smem:$0x3FB1]  }
0x31: {  	[smem:$0x3FBA] =	sst s10  }
0x32: {  	s10 =	sld [smem:$0x3FB8];
	_ =	sdelay $0x3  }
0x33: {  	p0 =	seq.s32 s10, $0x1;
	s10 =	sld [smem:$0x3FBA];
	_ =	sdelay $0x3  }
0x34: {  	[smem:$0x3FBA] =	sst s10  }
0x35: {  	s10 =	sld [smem:$0x3FB9];
	_ =	sdelay $0x3  }
0x36: {  	p1 =	seq.s32 s10, $0x1;
	s10 =	sld [smem:$0x3FBA];
	_ =	sdelay $0x3  }
0x37: {  	[smem:$0x3FBA] =	sst s10  }
0x38: {  	s10 =	sld [smem:$0x3FBB]  }
0x39: {  	_ = 	snop;
	(pc) =	sbr.ind lr, $3  }
0x3a: {  	_ = 	snop  }
0x3b: {  	_ = 	snop  }
0x3c: {  	p2 =	seq.s32 s10, $0x1;
	s10 =	sld [smem:$0x3FBA]  }
0x3d: {  	_ =	shalt  }
0x3e: {  	_ =	shalt  }
0x3f: {  	_ =	shalt  }
0x40: {  	_ =	shalt  }
0x41: {  	_ =	shalt  }
0x42: {  	_ =	shalt  }
0x43: {  	_ =	shalt  }
0x44: {  	_ =	shalt  }
0x45: {  	_ =	shalt  }
0x46: {  	_ =	shalt  }
0x47: {  	_ =	shalt  }
0x48: {  	_ =	shalt  }
0x49: {  	_ =	shalt  }
0x4a: {  	_ =	shalt  }
0x4b: {  	_ =	shalt  }
0x4c: {  	_ =	shalt  }
0x4d: {  	_ =	shalt  }
0x4e: {  	_ =	shalt  }
0x4f: {  	_ =	shalt  }
0x50: {  	_ =	shalt  }
0x51: {  	_ =	shalt  }
0x52: {  	_ =	shalt  }
0x53: {  	_ =	shalt  }
0x54: {  	_ =	shalt  }
0x55: {  	_ =	shalt  }
0x56: {  	_ =	shalt  }
0x57: {  	_ =	shalt  }
0x58: {  	_ =	shalt  }
0x59: {  	_ =	shalt  }
0x5a: {  	_ =	shalt  }
0x5b: {  	_ =	shalt  }
0x5c: {  	_ =	shalt  }
0x5d: {  	_ =	shalt  }
0x5e: {  	_ =	shalt  }
0x5f: {  	_ =	shalt  }
0x60: {  	_ =	shalt  }
0x61: {  	_ =	shalt  }
0x62: {  	_ =	shalt  }
0x63: {  	_ =	shalt  }
0x64: {  	_ =	shalt  }
0x65: {  	_ =	shalt  }
0x66: {  	_ =	shalt  }
0x67: {  	_ =	shalt  }
0x68: {  	_ =	shalt  }
0x69: {  	_ =	shalt  }
0x6a: {  	_ =	shalt  }
0x6b: {  	_ =	shalt  }
0x6c: {  	_ =	shalt  }
0x6d: {  	_ =	shalt  }
0x6e: {  	_ =	shalt  }
0x6f: {  	_ =	shalt  }
0x70: {  	_ =	shalt  }
0x71: {  	_ =	shalt  }
0x72: {  	_ =	shalt  }
0x73: {  	_ =	shalt  }
0x74: {  	_ =	shalt  }
0x75: {  	_ =	shalt  }
0x76: {  	_ =	shalt  }
0x77: {  	_ =	shalt  }
0x78: {  	_ =	shalt  }
0x79: {  	_ =	shalt  }
0x7a: {  	_ =	shalt  }
0x7b: {  	_ =	shalt  }
0x7c: {  	_ =	shalt  }
0x7d: {  	_ =	shalt  }
0x7e: {  	_ =	shalt  }
0x7f: {  	_ =	shalt  }
0x80: {  	_ =	shalt  }
0x81: {  	_ =	shalt  }
0x82: {  	_ =	shalt  }
0x83: {  	_ =	shalt  }
0x84: {  	_ =	shalt  }
0x85: {  	_ =	shalt  }
0x86: {  	_ =	shalt  }
0x87: {  	_ =	shalt  }
.Lfunc_end0:
.L_simem_size_0:
called_computation_lowered:
.L_overlay_start_0:
0x88: {  	s2 =	sld [smem:$0x3FD9]  }
0x89: {  	s3 =	sld [smem:$0x3FFE];
	_ =	sdelay $0x1  }
0x8a: {  	s1 =	srdreg.scid  }
0x8b: {  	s0 =	sand.u32 $0x1, s1  }
0x8c: {  	s17 =	sshll.u32 s0, $0xA;
	s2 =	sadd.s32 s3, s2  }
0x8d: {  	s2 =	sadd.s32 s2, s17  }
0x8e: {  	[smem:$0x3FC6] =	sst s2  }
0x8f: {  	_ = 	snop  }
0x90: {  	s2 =	sld [smem:$0x3FD0];
	(tm) =	ssettm $0x1  }
0x91: {  	s18 =	sld [smem:$0x3FFB];
	_ =	sdelay $0x3  }
0x92: {  	_ =	strace s18  }
0x93: {  	s3 =	sld [smem:$0x3FFC];
	_ =	sdelay $0x3  }
0x94: {  	_ =	strace s3  }
0x95: {  	s3 =	sld [smem:$0x3FFD];
	_ =	sdelay $0x3  }
0x96: {  	_ =	strace s3  }
0x97: {  	_ =	strace $0x8FFFFFFF  }
0x98: {  	s19 =	sld [smem:$0x3FDB];
	_ =	sdelay $0x1  }
0x99: {  	s4 =	simm.s32 $_scs_section_size  }
0x9a: {  	s5 =	simm.s32 $_size__tile_overlayer_lowered;
	s6 =	simm.s32 $_tile_overlayer_lowered  }
0x9b: {  	s22 =	simm.s32 $0x1BFF;
	s21 =	sshll.u32 s6, $0x1;
	s3 =	sadd.s32 s4, s19  }
0x9c: {  	s7 =	simm.s32 $0x0;
	s20 =	sshll.u32 s5, $0x1;
	s5 =	sadd.s32 s21, s3  }
0x9d: {  	[timem:s7], [sflag:s22] =	dma.local [hbm:s5], s20  }
0x9e: {  	_ =	swait.ge [sflag:s22], s20  }
0x9f: {  	s4 =	ssub.s32 $0x0, s20;
	[sflag:s22] =	ssyncset.done $0x0  }
0xa0: {  	[sflag:s22] =	ssyncadd.s32 s4;
	_ =	sdelay $0x1  }
0xa1: {  	s23 =	simm.s32 $0x1B8B  }
0xa2: {  	_ =	swait.ge [sflag:s23], $0x1  }
0xa3: {  	[sflag:s23] =	ssyncset.done $0x0  }
0xa4: {  	s25 =	simm.s32 $0x1B8E;
	s24 =	sld [smem:$0x3FFE];
	[sflag:s23] =	ssyncadd.s32 $0xFFFFFFFF  }
0xa5: {  	s26 =	simm.s32 $execute0_lowered;
	[smem:$0x3FD2] =	sst s25  }
0xa6: {  	s5 =	sshll.u32 s26, $0x1;
	_ =	strace $0x80000046;
	[dreg:$0x1] =	wrdreg $0xFFFFFFFF  }
0xa7: {  	s28 =	simm.s32 $_size_execute0_lowered;
	s3 =	sadd.s32 s3, s5;
	[dreg:$0x0] =	wrdreg $0x0  }
0xa8: {  	s5 =	sshll.u32 s28, $0x1;
	[dreg:$0x2] =	wrdreg s3  }
0xa9: {  	[dreg:$0x3] =	wrdreg s5  }
0xaa: {  	[dreg:$0x4] =	wrdreg $0xC0  }
0xab: {  	_ =	task [dreg:s7], $0x5FFFF  }
0xac: {  	[dreg:$0x1] =	wrdreg $0xFFFFFFFF  }
0xad: {  	[dreg:$0x0] =	wrdreg $0x60  }
0xae: {  	[dreg:$0x2] =	wrdreg s24  }
0xaf: {  	[dreg:$0x3] =	wrdreg s2  }
0xb0: {  	[dreg:$0x4] =	wrdreg $0x9  }
0xb1: {  	_ =	task.clear_ibuf [dreg:s7], $0x5FFFF;
	_ =	strace $0x90000046  }
0xb2: {  	s29 =	simm.s32 $0x9;
	_ =	strace $0x80000048  }
0xb3: {  	_ =	swait.ge [sflag:s29], $0x1  }
0xb4: {  	[sflag:s29] =	ssyncadd.s32 $0xFFFFFFFF  }
0xb5: {  	_ =	strace $0x90000048  }
0xb6: {  	_ =	sfence  }
0xb7: {  	s30 =	sld [smem:$0x0];
	_ =	sdelay $0x2  }
0xb8: {  	s31 =	sshll.u32 s1, $0xD;
	s1 =	sshrl.u32 s1, $0x2  }
0xb9: {  	s3 =	sand.u32 $0x4000, s31;
	s1 =	sadd.s32 s1, s30  }
0xba: {  	s0 =	sor.u32 s3, s0;
	s1 =	sshll.u32 s1, $0x11  }
0xbb: {  	s0 =	sor.u32 s1, s0  }
0xbc: {  	s0 =	sadd.s32 $0x8F2B, s0  }
0xbd: {  	[sflag:s0] =	ssyncadd.remote.s32 $0x1  }
0xbe: {  	_ =	sfence.sel $0xFFFF  }
0xbf: {  	[dreg:$0x0] =	wrdreg $0xFFFFFFFF;
	(pc) =	sbr.abs _section_cstart, $3  }
0xc0: {  	[dreg:$0x1] =	wrdreg $0xFFFFFFFF  }
0xc1: {  	_ =	task.clear_ibuf [dreg:s7], $0x2FFFF;
	_ =	strace $0x9FFFFFFF  }
0xc2: {  	(tm) =	ssettm $0x7FFFFFFF  }
0xc3: {  	_ =	shalt  }
tec
execute0_lowered:
.L_overlay_start_1:
0x0: {  	(tag) =	ssettag $0x1  }
0x1: {  	s1 =	srdreg.scid;
	s9 =	stileid.u32  }
0x2: {  	s0 =	rddreg [dreg:$0x0];
	s1 =	sand.u32 $0x1, s1;
	s3 =	sshll.u32 s9, $0x1  }
0x3: {  	s4 =	rddreg [dreg:$0x1];
	s3 =	sor.u32 s1, s3;
	s6 =	ssub.s32 $0x2, s1  }
0x4: {  	s2 =	simm.s32 $0x0;
	s7 =	sshrl.u32 s6, $0x1;
	s8 =	sshll.u32 s3, $0x7  }
0x5: {  	[smem:$0x7FF] =	sst s2;
	s11 =	ssub.s32 s6, s7;
	s6 =	sadd.s32 s4, s8  }
0x6: {  	_ =	strace $0x80000047;
	s12 =	sadd.s32 $0x1000, s6;
	[dreg:$0x4] =	wrdreg s6  }
0x7: {  	s13 =	sadd.s32 $0x2000, s6;
	[dreg:$0x6] =	wrdreg s12  }
0x8: {  	s14 =	sadd.s32 $0x3000, s6;
	[dreg:$0x7] =	wrdreg s13  }
0x9: {  	s15 =	sadd.s32 $0x4000, s6;
	[dreg:$0x8] =	wrdreg s14  }
0xa: {  	s16 =	sadd.s32 $0x5000, s6;
	[dreg:$0x9] =	wrdreg s15  }
0xb: {  	s17 =	sadd.s32 $0x6000, s6;
	[dreg:$0xa] =	wrdreg s16  }
0xc: {  	s18 =	sadd.s32 $0x7000, s6;
	[dreg:$0xb] =	wrdreg s17  }
0xd: {  	s19 =	sadd.s32 $0x8000, s6;
	[dreg:$0xc] =	wrdreg s18  }
0xe: {  	s20 =	sadd.s32 $0x9000, s6;
	[dreg:$0xd] =	wrdreg s19  }
0xf: {  	s21 =	sadd.s32 $0xA000, s6;
	[dreg:$0xe] =	wrdreg s20  }
0x10: {  	s22 =	sadd.s32 $0xB000, s6;
	[dreg:$0xf] =	wrdreg s21  }
0x11: {  	s23 =	sadd.s32 $0xC000, s6;
	[dreg:$0x10] =	wrdreg s22  }
0x12: {  	s24 =	sadd.s32 $0xD000, s6;
	[dreg:$0x11] =	wrdreg s23  }
0x13: {  	s26 =	sadd.s32 $0xE000, s6;
	[dreg:$0x12] =	wrdreg s24  }
0x14: {  	s28 =	sadd.s32 $0xF000, s6;
	[dreg:$0x13] =	wrdreg s26  }
0x15: {  	s25 =	sshll.u32 s9, $0x8;
	s29 =	sadd.s32 $0x10000, s6;
	[dreg:$0x14] =	wrdreg s28  }
0x16: {  	s1 =	sshll.u32 s1, $0x7;
	s7 =	sadd.s32 $0x11000, s6;
	[dreg:$0x15] =	wrdreg s29  }
0x17: {  	s4 =	sadd.s32 s25, s4;
	s8 =	sadd.s32 $0x12000, s6;
	[dreg:$0x16] =	wrdreg s7  }
0x18: {  	s5 =	smul.u32 $0xC80, s3;
	s1 =	sadd.s32 s1, s4;
	[dreg:$0x17] =	wrdreg s8  }
0x19: {  	s3 =	sadd.s32 $0xF42A00, s0;
	s9 =	sadd.s32 $0x13000, s6;
	[dreg:$0x3] =	wrdreg s1  }
0x1a: {  	s5 =	sadd.s32 s5, s0;
	s0 =	smax.u32 s11, $0x1;
	[dreg:$0x18] =	wrdreg s9  }
0x1b: {  	s10 =	sadd.s32 $0x14000, s6;
	[dreg:$0x19] =	wrdreg s0  }
0x1c: {  	s11 =	sadd.s32 $0x15000, s6;
	[dreg:$0x1a] =	wrdreg s10  }
0x1d: {  	s25 =	sadd.s32 $0x623000, s6;
	[dreg:$0x1b] =	wrdreg s11  }
0x1e: {  	s4 =	sadd.s32 $0x628000, s6;
	[smem:$0x7E1] =	sst s25  }
0x1f: {  	s5 =	sadd.s32 $0x600, s5;
	[smem:$0x7E6] =	sst s4  }
0x20: {  	s12 =	sadd.s32 $0x16000, s6;
	[dreg:$0x5] =	wrdreg s5  }
0x21: {  	s13 =	sadd.s32 $0x17000, s6;
	[dreg:$0x1c] =	wrdreg s12  }
0x22: {  	s14 =	sadd.s32 $0x18000, s6;
	[dreg:$0x1d] =	wrdreg s13  }
0x23: {  	s15 =	sadd.s32 $0x19000, s6;
	[dreg:$0x1e] =	wrdreg s14  }
0x24: {  	s16 =	sadd.s32 $0x1A000, s6;
	[dreg:$0x1f] =	wrdreg s15  }
0x25: {  	s17 =	sadd.s32 $0x1B000, s6;
	[smem:$0x7D8] =	sst s16  }
0x26: {  	s18 =	sadd.s32 $0x1C000, s6;
	[smem:$0x7D9] =	sst s17  }
0x27: {  	s19 =	sadd.s32 $0x1D000, s6;
	[smem:$0x7DA] =	sst s18  }
0x28: {  	s20 =	sadd.s32 $0x1E000, s6;
	[smem:$0x7DB] =	sst s19  }
0x29: {  	s21 =	sadd.s32 $0x1F000, s6;
	[smem:$0x7DC] =	sst s20  }
0x2a: {  	s22 =	sadd.s32 $0x620000, s6;
	[smem:$0x7DD] =	sst s21  }
0x2b: {  	s23 =	sadd.s32 $0x621000, s6;
	[smem:$0x7DE] =	sst s22  }
0x2c: {  	s24 =	sadd.s32 $0x622000, s6;
	[smem:$0x7DF] =	sst s23  }
0x2d: {  	s26 =	sadd.s32 $0x624000, s6;
	[smem:$0x7E0] =	sst s24  }
0x2e: {  	s28 =	sadd.s32 $0x625000, s6;
	[smem:$0x7E2] =	sst s26  }
0x2f: {  	s29 =	sadd.s32 $0x626000, s6;
	[smem:$0x7E3] =	sst s28  }
0x30: {  	s1 =	sadd.s32 $0x627000, s6;
	[smem:$0x7E4] =	sst s29  }
0x31: {  	s7 =	sadd.s32 $0x62A000, s6;
	[smem:$0x7E5] =	sst s1  }
0x32: {  	s8 =	sadd.s32 $0x62B000, s6;
	[smem:$0x7E8] =	sst s7  }
0x33: {  	s9 =	sadd.s32 $0x62C000, s6;
	[smem:$0x7E9] =	sst s8  }
0x34: {  	s10 =	sadd.s32 $0x62D000, s6;
	[smem:$0x7EA] =	sst s9  }
0x35: {  	s11 =	sadd.s32 $0x62E000, s6;
	[smem:$0x7EB] =	sst s10  }
0x36: {  	s25 =	sadd.s32 $0x63C000, s6;
	[smem:$0x7EC] =	sst s11  }
0x37: {  	s5 =	sadd.s32 $0x629000, s6;
	[smem:$0x7FA] =	sst s25  }
0x38: {  	s12 =	sadd.s32 $0x62F000, s6;
	[smem:$0x7E7] =	sst s5  }
0x39: {  	s13 =	sadd.s32 $0x630000, s6;
	[smem:$0x7ED] =	sst s12  }
0x3a: {  	s14 =	sadd.s32 $0x631000, s6;
	[smem:$0x7EE] =	sst s13  }
0x3b: {  	s15 =	sadd.s32 $0x632000, s6;
	[smem:$0x7EF] =	sst s14  }
0x3c: {  	s16 =	sadd.s32 $0x633000, s6;
	[smem:$0x7F0] =	sst s15  }
0x3d: {  	s17 =	sadd.s32 $0x634000, s6;
	[smem:$0x7F1] =	sst s16  }
0x3e: {  	s18 =	sadd.s32 $0x635000, s6;
	[smem:$0x7F2] =	sst s17  }
0x3f: {  	s19 =	sadd.s32 $0x636000, s6;
	[smem:$0x7F3] =	sst s18  }
0x40: {  	s30 =	simm.s32 $0x2;
	s20 =	sadd.s32 $0x637000, s6;
	[smem:$0x7F4] =	sst s19  }
0x41: {  	s31 =	simm.s32 $0x5;
	s21 =	sadd.s32 $0x638000, s6;
	[smem:$0x7F5] =	sst s20  }
0x42: {  	s0 =	simm.s32 $0x7;
	s22 =	sadd.s32 $0x639000, s6;
	[smem:$0x7F6] =	sst s21  }
0x43: {  	s4 =	simm.s32 $0x0;
	s23 =	sadd.s32 $0x63A000, s6;
	[smem:$0x7F7] =	sst s22  }
0x44: {  	s24 =	sadd.s32 $0x63B000, s6;
	s26 =	sadd.s32 $0x63D000, s6;
	[smem:$0x7F8] =	sst s23  }
0x45: {  	s28 =	sadd.s32 $0x63E000, s6;
	s29 =	sadd.s32 $0x63F000, s6;
	[smem:$0x7F9] =	sst s24  }
0x46: {  	s8 =	simm.s32 $0x6400;
	s9 =	simm.s32 $0x8400;
	[smem:$0x7FB] =	sst s26  }
0x47: {  	s11 =	simm.s32 $0xA400;
	s10 =	simm.s32 $0x3;
	[smem:$0x7FC] =	sst s28  }
0x48: {  	s1 =	simm.s32 $0x6;
	[smem:$0x7FD] =	sst s29;
	s15 =	simm.s32 $0x80  }
0x49: {  	s20 =	simm.s32 $0x1;
	s19 =	simm.s32 $0x4;
	s5 =	simm.s32 $0x8  }
.LBB2_1:
0x4a: {  	[smem:$0x7D7] =	sst s4  }
0x4b: {  	s6 =	rddreg [dreg:$0x5];
	s14 =	simm.s32 $0x9  }
0x4c: {  	[tilespmem:s2], [sflag:$0x9] =	stream.linear.gather [hbm4b:s6+s2], $0x6400, $0x38;
	[tilespmem:$0x16400] =	vst v63  }
0x4d: {  	_ =	swait.ge [sflag:s14], $0x6400  }
0x4e: {  	[sflag:s14] =	ssyncset.done $0x0  }
0x4f: {  	[sflag:s14] =	ssyncadd.s32 $0xFFFF9C00  }
0x50: {  	[tilespmem:s8], [sflag:$0x1] =	stream.indirect.gather [hbm4b:s3+s15], $0x40, s2, s15, $0xb8;
	[tilespmem:$0x16400] =	vst v63  }
0x51: {  	_ = 	snop  }
0x52: {  	[tilespmem:s9], [sflag:$0x2] =	stream.indirect.gather [hbm4b:s3+s15], $0x40, s15, s15, $0xb8;
	[tilespmem:$0x16400] =	vst v63  }
0x53: {  	s16 =	simm.s32 $0x100  }
0x54: {  	[tilespmem:s11], [sflag:$0x3] =	stream.indirect.gather [hbm4b:s3+s15], $0x40, s16, s15, $0xb8;
	[tilespmem:$0x16400] =	vst v63  }
0x55: {  	s17 =	simm.s32 $0x180;
	s7 =	simm.s32 $0xC400  }
0x56: {  	[tilespmem:s7], [sflag:$0x4] =	stream.indirect.gather [hbm4b:s3+s15], $0x40, s17, s15, $0xb8;
	[tilespmem:$0x16400] =	vst v63  }
0x57: {  	_ =	swait.ge [sflag:s20], $0x2000  }
0x58: {  	[sflag:s20] =	ssyncset.done $0x0  }
0x59: {  	s12 =	simm.s32 $0xE400;
	s18 =	rddreg [dreg:$0x4];
	[sflag:s20] =	ssyncadd.s32 $0xFFFFE000  }
0x5a: {  	[hbm4b:s18+s2] =	stream.linear.scatter [tilespmem:s12], [sflag:$0x5], $0x400, $0x38;
	[tilespmem:$0x16400] =	vst v63  }
0x5b: {  	s13 =	simm.s32 $0xE800;
	s21 =	rddreg [dreg:$0x6]  }
0x5c: {  	[hbm4b:s21+s2] =	stream.linear.scatter [tilespmem:s13], [sflag:$0x5], $0x400, $0x38;
	[tilespmem:$0x16400] =	vst v63  }
0x5d: {  	s14 =	simm.s32 $0xEC00;
	s22 =	rddreg [dreg:$0x7]  }
0x5e: {  	[hbm4b:s22+s2] =	stream.linear.scatter [tilespmem:s14], [sflag:$0x5], $0x400, $0x38;
	[tilespmem:$0x16400] =	vst v63  }
0x5f: {  	s24 =	simm.s32 $0xF000;
	s23 =	rddreg [dreg:$0x8]  }
0x60: {  	[hbm4b:s23+s2] =	stream.linear.scatter [tilespmem:s24], [sflag:$0x5], $0x400, $0x38;
	[tilespmem:$0x16400] =	vst v63  }
0x61: {  	s26 =	simm.s32 $0xF400;
	s25 =	rddreg [dreg:$0x9]  }
0x62: {  	[hbm4b:s25+s2] =	stream.linear.scatter [tilespmem:s26], [sflag:$0x5], $0x400, $0x38;
	[tilespmem:$0x16400] =	vst v63  }
0x63: {  	s17 =	simm.s32 $0xF800;
	s16 =	rddreg [dreg:$0xa]  }
0x64: {  	[hbm4b:s16+s2] =	stream.linear.scatter [tilespmem:s17], [sflag:$0x5], $0x400, $0x38;
	[tilespmem:$0x16400] =	vst v63  }
0x65: {  	s18 =	rddreg [dreg:$0xb];
	s21 =	simm.s32 $0xFC00  }
0x66: {  	[hbm4b:s18+s2] =	stream.linear.scatter [tilespmem:s21], [sflag:$0x5], $0x400, $0x38;
	[tilespmem:$0x16400] =	vst v63  }
0x67: {  	s22 =	rddreg [dreg:$0xc];
	s23 =	simm.s32 $0x10000  }
0x68: {  	[hbm4b:s22+s2] =	stream.linear.scatter [tilespmem:s23], [sflag:$0x5], $0x400, $0x38;
	[tilespmem:$0x16400] =	vst v63  }
0x69: {  	s24 =	simm.s32 $0x200  }
0x6a: {  	[tilespmem:s8], [sflag:$0x1] =	stream.indirect.gather [hbm4b:s3+s15], $0x40, s24, s15, $0xb8;
	[tilespmem:$0x16400] =	vst v63  }
0x6b: {  	_ =	swait.ge [sflag:s30], $0x2000  }
0x6c: {  	[sflag:s30] =	ssyncset.done $0x0  }
0x6d: {  	s26 =	simm.s32 $0x10400;
	s25 =	rddreg [dreg:$0xd];
	[sflag:s30] =	ssyncadd.s32 $0xFFFFE000  }
0x6e: {  	[hbm4b:s25+s2] =	stream.linear.scatter [tilespmem:s26], [sflag:$0x6], $0x400, $0x38;
	[tilespmem:$0x16400] =	vst v63  }
0x6f: {  	s17 =	simm.s32 $0x10800;
	s16 =	rddreg [dreg:$0xe]  }
0x70: {  	[hbm4b:s16+s2] =	stream.linear.scatter [tilespmem:s17], [sflag:$0x6], $0x400, $0x38;
	[tilespmem:$0x16400] =	vst v63  }
0x71: {  	s21 =	simm.s32 $0x10C00;
	s18 =	rddreg [dreg:$0xf]  }
0x72: {  	[hbm4b:s18+s2] =	stream.linear.scatter [tilespmem:s21], [sflag:$0x6], $0x400, $0x38;
	[tilespmem:$0x16400] =	vst v63  }
0x73: {  	s23 =	simm.s32 $0x11000;
	s22 =	rddreg [dreg:$0x10]  }
0x74: {  	[hbm4b:s22+s2] =	stream.linear.scatter [tilespmem:s23], [sflag:$0x6], $0x400, $0x38;
	[tilespmem:$0x16400] =	vst v63  }
0x75: {  	s24 =	rddreg [dreg:$0x11];
	s25 =	simm.s32 $0x11400  }
0x76: {  	[hbm4b:s24+s2] =	stream.linear.scatter [tilespmem:s25], [sflag:$0x6], $0x400, $0x38;
	[tilespmem:$0x16400] =	vst v63  }
0x77: {  	s26 =	rddreg [dreg:$0x12];
	s17 =	simm.s32 $0x11800  }
0x78: {  	[hbm4b:s26+s2] =	stream.linear.scatter [tilespmem:s17], [sflag:$0x6], $0x400, $0x38;
	[tilespmem:$0x16400] =	vst v63  }
0x79: {  	s4 =	rddreg [dreg:$0x13];
	s16 =	simm.s32 $0x11C00  }
0x7a: {  	[hbm4b:s4+s2] =	stream.linear.scatter [tilespmem:s16], [sflag:$0x6], $0x400, $0x38;
	[tilespmem:$0x16400] =	vst v63  }
0x7b: {  	s18 =	rddreg [dreg:$0x14];
	s21 =	simm.s32 $0x12000  }
0x7c: {  	[hbm4b:s18+s2] =	stream.linear.scatter [tilespmem:s21], [sflag:$0x6], $0x400, $0x38;
	[tilespmem:$0x16400] =	vst v63  }
0x7d: {  	s22 =	simm.s32 $0x280  }
0x7e: {  	[tilespmem:s9], [sflag:$0x2] =	stream.indirect.gather [hbm4b:s3+s15], $0x40, s22, s15, $0xb8;
	[tilespmem:$0x16400] =	vst v63  }
0x7f: {  	_ =	swait.ge [sflag:s10], $0x2000  }
0x80: {  	[sflag:s10] =	ssyncset.done $0x0  }
0x81: {  	s24 =	simm.s32 $0x12400;
	s23 =	rddreg [dreg:$0x15];
	[sflag:s10] =	ssyncadd.s32 $0xFFFFE000  }
0x82: {  	[hbm4b:s23+s2] =	stream.linear.scatter [tilespmem:s24], [sflag:$0x7], $0x400, $0x38;
	[tilespmem:$0x16400] =	vst v63  }
0x83: {  	s26 =	simm.s32 $0x12800;
	s25 =	rddreg [dreg:$0x16]  }
0x84: {  	[hbm4b:s25+s2] =	stream.linear.scatter [tilespmem:s26], [sflag:$0x7], $0x400, $0x38;
	[tilespmem:$0x16400] =	vst v63  }
0x85: {  	s18 =	simm.s32 $0x12C00;
	s16 =	rddreg [dreg:$0x17]  }
0x86: {  	[hbm4b:s16+s2] =	stream.linear.scatter [tilespmem:s18], [sflag:$0x7], $0x400, $0x38;
	[tilespmem:$0x16400] =	vst v63  }
0x87: {  	s22 =	simm.s32 $0x13000;
	s21 =	rddreg [dreg:$0x18]  }
0x88: {  	[hbm4b:s21+s2] =	stream.linear.scatter [tilespmem:s22], [sflag:$0x7], $0x400, $0x38;
	[tilespmem:$0x16400] =	vst v63  }
0x89: {  	s29 =	simm.s32 $0x13400;
	s23 =	rddreg [dreg:$0x1a]  }
0x8a: {  	[hbm4b:s23+s2] =	stream.linear.scatter [tilespmem:s29], [sflag:$0x7], $0x400, $0x38;
	[tilespmem:$0x16400] =	vst v63  }
0x8b: {  	s24 =	rddreg [dreg:$0x1b];
	s25 =	simm.s32 $0x13800  }
0x8c: {  	[hbm4b:s24+s2] =	stream.linear.scatter [tilespmem:s25], [sflag:$0x7], $0x400, $0x38;
	[tilespmem:$0x16400] =	vst v63  }
0x8d: {  	s26 =	rddreg [dreg:$0x1c];
	s16 =	simm.s32 $0x13C00  }
0x8e: {  	[hbm4b:s26+s2] =	stream.linear.scatter [tilespmem:s16], [sflag:$0x7], $0x400, $0x38;
	[tilespmem:$0x16400] =	vst v63  }
0x8f: {  	s4 =	rddreg [dreg:$0x1d];
	s18 =	simm.s32 $0x14000  }
0x90: {  	[hbm4b:s4+s2] =	stream.linear.scatter [tilespmem:s18], [sflag:$0x7], $0x400, $0x38;
	[tilespmem:$0x16400] =	vst v63  }
0x91: {  	s21 =	simm.s32 $0x300  }
0x92: {  	[tilespmem:s11], [sflag:$0x3] =	stream.indirect.gather [hbm4b:s3+s15], $0x40, s21, s15, $0xb8;
	[tilespmem:$0x16400] =	vst v63  }
0x93: {  	_ =	swait.ge [sflag:s19], $0x2000  }
0x94: {  	[sflag:s19] =	ssyncset.done $0x0;
	s22 =	rddreg [dreg:$0x1e]  }
0x95: {  	s21 =	simm.s32 $0x14400;
	s23 =	rddreg [dreg:$0x1f];
	[sflag:s19] =	ssyncadd.s32 $0xFFFFE000  }
0x96: {  	[hbm4b:s22+s2] =	stream.linear.scatter [tilespmem:s21], [sflag:$0x8], $0x400, $0x38;
	[tilespmem:$0x16400] =	vst v63  }
0x97: {  	s24 =	sld [smem:$0x7D8];
	s22 =	simm.s32 $0x14800  }
0x98: {  	[hbm4b:s23+s2] =	stream.linear.scatter [tilespmem:s22], [sflag:$0x8], $0x400, $0x38;
	[tilespmem:$0x16400] =	vst v63  }
0x99: {  	s25 =	sld [smem:$0x7D9];
	s23 =	simm.s32 $0x14C00  }
0x9a: {  	[hbm4b:s24+s2] =	stream.linear.scatter [tilespmem:s23], [sflag:$0x8], $0x400, $0x38;
	[tilespmem:$0x16400] =	vst v63  }
0x9b: {  	s26 =	sld [smem:$0x7DA];
	s24 =	simm.s32 $0x15000  }
0x9c: {  	[hbm4b:s25+s2] =	stream.linear.scatter [tilespmem:s24], [sflag:$0x8], $0x400, $0x38;
	[tilespmem:$0x16400] =	vst v63  }
0x9d: {  	s4 =	sld [smem:$0x7DB];
	s25 =	simm.s32 $0x15400  }
0x9e: {  	[hbm4b:s26+s2] =	stream.linear.scatter [tilespmem:s25], [sflag:$0x8], $0x400, $0x38;
	[tilespmem:$0x16400] =	vst v63  }
0x9f: {  	s26 =	simm.s32 $0x15800  }
0xa0: {  	[hbm4b:s4+s2] =	stream.linear.scatter [tilespmem:s26], [sflag:$0x8], $0x400, $0x38;
	[tilespmem:$0x16400] =	vst v63  }
0xa1: {  	s4 =	sld [smem:$0x7DC];
	_ =	sdelay $0x1  }
0xa2: {  	s28 =	simm.s32 $0x15C00;
	s6 =	sld [smem:$0x7DD]  }
0xa3: {  	[hbm4b:s4+s2] =	stream.linear.scatter [tilespmem:s28], [sflag:$0x8], $0x400, $0x38;
	[tilespmem:$0x16400] =	vst v63  }
0xa4: {  	s4 =	simm.s32 $0x16000  }
0xa5: {  	[hbm4b:s6+s2] =	stream.linear.scatter [tilespmem:s4], [sflag:$0x8], $0x400, $0x38;
	[tilespmem:$0x16400] =	vst v63  }
0xa6: {  	s6 =	simm.s32 $0x380  }
0xa7: {  	[tilespmem:s7], [sflag:$0x4] =	stream.indirect.gather [hbm4b:s3+s15], $0x40, s6, s15, $0xb8;
	[tilespmem:$0x16400] =	vst v63  }
0xa8: {  	_ =	swait.ge [sflag:s20], $0x2000  }
0xa9: {  	[sflag:s20] =	ssyncset.done $0x0  }
0xaa: {  	[sflag:s20] =	ssyncadd.s32 $0xFFFFE000  }
0xab: {  	_ =	swait.ge [sflag:s31], $0x2000  }
0xac: {  	s7 =	rddreg [dreg:$0x3]  }
0xad: {  	[sflag:s31] =	ssyncset.done $0x0;
	s6 =	sadd.s32 $0x0, s7  }
0xae: {  	[sflag:s31] =	ssyncadd.s32 $0xFFFFE000;
	s4 =	sadd.s32 $0x20000, s6  }
0xaf: {  	[hbm4b:s4+s2] =	stream.linear.scatter [tilespmem:s12], [sflag:$0x5], $0x400, $0x38;
	[tilespmem:$0x16400] =	vst v63  }
0xb0: {  	s4 =	sadd.s32 $0x21000, s6  }
0xb1: {  	[hbm4b:s4+s2] =	stream.linear.scatter [tilespmem:s13], [sflag:$0x5], $0x400, $0x38;
	[tilespmem:$0x16400] =	vst v63  }
0xb2: {  	s12 =	sadd.s32 $0x22000, s6  }
0xb3: {  	[hbm4b:s12+s2] =	stream.linear.scatter [tilespmem:s14], [sflag:$0x5], $0x400, $0x38;
	[tilespmem:$0x16400] =	vst v63  }
0xb4: {  	s13 =	sadd.s32 $0x23000, s6;
	s14 =	simm.s32 $0xF000  }
0xb5: {  	[hbm4b:s13+s2] =	stream.linear.scatter [tilespmem:s14], [sflag:$0x5], $0x400, $0x38;
	[tilespmem:$0x16400] =	vst v63  }
0xb6: {  	s4 =	sadd.s32 $0x24000, s6;
	s12 =	simm.s32 $0xF400  }
0xb7: {  	[hbm4b:s4+s2] =	stream.linear.scatter [tilespmem:s12], [sflag:$0x5], $0x400, $0x38;
	[tilespmem:$0x16400] =	vst v63  }
0xb8: {  	s13 =	sadd.s32 $0x25000, s6;
	s14 =	simm.s32 $0xF800  }
0xb9: {  	[hbm4b:s13+s2] =	stream.linear.scatter [tilespmem:s14], [sflag:$0x5], $0x400, $0x38;
	[tilespmem:$0x16400] =	vst v63  }
0xba: {  	s4 =	sadd.s32 $0x26000, s6;
	s12 =	simm.s32 $0xFC00  }
0xbb: {  	[hbm4b:s4+s2] =	stream.linear.scatter [tilespmem:s12], [sflag:$0x5], $0x400, $0x38;
	[tilespmem:$0x16400] =	vst v63  }
0xbc: {  	s13 =	sadd.s32 $0x27000, s6;
	s14 =	simm.s32 $0x10000  }
0xbd: {  	[hbm4b:s13+s2] =	stream.linear.scatter [tilespmem:s14], [sflag:$0x5], $0x400, $0x38;
	[tilespmem:$0x16400] =	vst v63  }
0xbe: {  	s4 =	simm.s32 $0x400  }
0xbf: {  	[tilespmem:s8], [sflag:$0x1] =	stream.indirect.gather [hbm4b:s3+s15], $0x40, s4, s15, $0xb8;
	[tilespmem:$0x16400] =	vst v63  }
0xc0: {  	_ =	swait.ge [sflag:s30], $0x2000  }
0xc1: {  	[sflag:s30] =	ssyncset.done $0x0  }
0xc2: {  	[sflag:s30] =	ssyncadd.s32 $0xFFFFE000  }
0xc3: {  	_ =	swait.ge [sflag:s1], $0x2000  }
0xc4: {  	[sflag:s1] =	ssyncset.done $0x0  }
0xc5: {  	s12 =	simm.s32 $0x10400;
	s8 =	sadd.s32 $0x28000, s6;
	[sflag:s1] =	ssyncadd.s32 $0xFFFFE000  }
0xc6: {  	[hbm4b:s8+s2] =	stream.linear.scatter [tilespmem:s12], [sflag:$0x6], $0x400, $0x38;
	[tilespmem:$0x16400] =	vst v63  }
0xc7: {  	s13 =	sadd.s32 $0x29000, s6;
	s14 =	simm.s32 $0x10800  }
0xc8: {  	[hbm4b:s13+s2] =	stream.linear.scatter [tilespmem:s14], [sflag:$0x6], $0x400, $0x38;
	[tilespmem:$0x16400] =	vst v63  }
0xc9: {  	s8 =	sadd.s32 $0x2A000, s6;
	s12 =	simm.s32 $0x10C00  }
0xca: {  	[hbm4b:s8+s2] =	stream.linear.scatter [tilespmem:s12], [sflag:$0x6], $0x400, $0x38;
	[tilespmem:$0x16400] =	vst v63  }
0xcb: {  	s13 =	sadd.s32 $0x2B000, s6;
	s14 =	simm.s32 $0x11000  }
0xcc: {  	[hbm4b:s13+s2] =	stream.linear.scatter [tilespmem:s14], [sflag:$0x6], $0x400, $0x38;
	[tilespmem:$0x16400] =	vst v63  }
0xcd: {  	s8 =	sadd.s32 $0x2C000, s6;
	s12 =	simm.s32 $0x11400  }
0xce: {  	[hbm4b:s8+s2] =	stream.linear.scatter [tilespmem:s12], [sflag:$0x6], $0x400, $0x38;
	[tilespmem:$0x16400] =	vst v63  }
0xcf: {  	s13 =	sadd.s32 $0x2D000, s6  }
0xd0: {  	[hbm4b:s13+s2] =	stream.linear.scatter [tilespmem:s17], [sflag:$0x6], $0x400, $0x38;
	[tilespmem:$0x16400] =	vst v63  }
0xd1: {  	s14 =	sadd.s32 $0x2E000, s6;
	s17 =	simm.s32 $0x11C00  }
0xd2: {  	[hbm4b:s14+s2] =	stream.linear.scatter [tilespmem:s17], [sflag:$0x6], $0x400, $0x38;
	[tilespmem:$0x16400] =	vst v63  }
0xd3: {  	s8 =	sadd.s32 $0x2F000, s6;
	s12 =	simm.s32 $0x12000  }
0xd4: {  	[hbm4b:s8+s2] =	stream.linear.scatter [tilespmem:s12], [sflag:$0x6], $0x400, $0x38;
	[tilespmem:$0x16400] =	vst v63  }
0xd5: {  	s13 =	simm.s32 $0x480  }
0xd6: {  	[tilespmem:s9], [sflag:$0x2] =	stream.indirect.gather [hbm4b:s3+s15], $0x40, s13, s15, $0xb8;
	[tilespmem:$0x16400] =	vst v63  }
0xd7: {  	_ =	swait.ge [sflag:s10], $0x2000  }
0xd8: {  	[sflag:s10] =	ssyncset.done $0x0  }
0xd9: {  	[sflag:s10] =	ssyncadd.s32 $0xFFFFE000  }
0xda: {  	_ =	swait.ge [sflag:s0], $0x2000  }
0xdb: {  	[sflag:s0] =	ssyncset.done $0x0  }
0xdc: {  	s14 =	sadd.s32 $0x30000, s6;
	s17 =	simm.s32 $0x12400;
	[sflag:s0] =	ssyncadd.s32 $0xFFFFE000  }
0xdd: {  	[hbm4b:s14+s2] =	stream.linear.scatter [tilespmem:s17], [sflag:$0x7], $0x400, $0x38;
	[tilespmem:$0x16400] =	vst v63  }
0xde: {  	s8 =	sadd.s32 $0x31000, s6;
	s9 =	simm.s32 $0x12800  }
0xdf: {  	[hbm4b:s8+s2] =	stream.linear.scatter [tilespmem:s9], [sflag:$0x7], $0x400, $0x38;
	[tilespmem:$0x16400] =	vst v63  }
0xe0: {  	s12 =	sadd.s32 $0x32000, s6;
	s13 =	simm.s32 $0x12C00  }
0xe1: {  	[hbm4b:s12+s2] =	stream.linear.scatter [tilespmem:s13], [sflag:$0x7], $0x400, $0x38;
	[tilespmem:$0x16400] =	vst v63  }
0xe2: {  	s14 =	sadd.s32 $0x33000, s6;
	s17 =	simm.s32 $0x13000  }
0xe3: {  	[hbm4b:s14+s2] =	stream.linear.scatter [tilespmem:s17], [sflag:$0x7], $0x400, $0x38;
	[tilespmem:$0x16400] =	vst v63  }
0xe4: {  	s4 =	sadd.s32 $0x34000, s6  }
0xe5: {  	[hbm4b:s4+s2] =	stream.linear.scatter [tilespmem:s29], [sflag:$0x7], $0x400, $0x38;
	[tilespmem:$0x16400] =	vst v63  }
0xe6: {  	s8 =	sadd.s32 $0x35000, s6;
	s9 =	simm.s32 $0x13800  }
0xe7: {  	[hbm4b:s8+s2] =	stream.linear.scatter [tilespmem:s9], [sflag:$0x7], $0x400, $0x38;
	[tilespmem:$0x16400] =	vst v63  }
0xe8: {  	s12 =	sadd.s32 $0x36000, s6  }
0xe9: {  	[hbm4b:s12+s2] =	stream.linear.scatter [tilespmem:s16], [sflag:$0x7], $0x400, $0x38;
	[tilespmem:$0x16400] =	vst v63  }
0xea: {  	s13 =	sadd.s32 $0x37000, s6  }
0xeb: {  	[hbm4b:s13+s2] =	stream.linear.scatter [tilespmem:s18], [sflag:$0x7], $0x400, $0x38;
	[tilespmem:$0x16400] =	vst v63  }
0xec: {  	s14 =	simm.s32 $0x500  }
0xed: {  	[tilespmem:s11], [sflag:$0x3] =	stream.indirect.gather [hbm4b:s3+s15], $0x40, s14, s15, $0xb8;
	[tilespmem:$0x16400] =	vst v63  }
0xee: {  	_ =	swait.ge [sflag:s19], $0x2000  }
0xef: {  	[sflag:s19] =	ssyncset.done $0x0  }
0xf0: {  	[sflag:s19] =	ssyncadd.s32 $0xFFFFE000  }
0xf1: {  	_ =	swait.ge [sflag:s5], $0x2000  }
0xf2: {  	[sflag:s5] =	ssyncset.done $0x0  }
0xf3: {  	s7 =	simm.s32 $0x20000;
	s17 =	sadd.s32 $0x38000, s6;
	[sflag:s5] =	ssyncadd.s32 $0xFFFFE000  }
0xf4: {  	[hbm4b:s17+s2] =	stream.linear.scatter [tilespmem:s21], [sflag:$0x8], $0x400, $0x38;
	[tilespmem:$0x16400] =	vst v63  }
0xf5: {  	s29 =	simm.s32 $0x13800;
	s4 =	simm.s32 $0x13C00;
	s8 =	sadd.s32 $0x39000, s6  }
0xf6: {  	[hbm4b:s8+s2] =	stream.linear.scatter [tilespmem:s22], [sflag:$0x8], $0x400, $0x38;
	[tilespmem:$0x16400] =	vst v63  }
0xf7: {  	s9 =	sadd.s32 $0x3A000, s6;
	s16 =	simm.s32 $0x14000;
	s12 =	sadd.s32 $0x3C000, s6  }
0xf8: {  	[hbm4b:s9+s2] =	stream.linear.scatter [tilespmem:s23], [sflag:$0x8], $0x400, $0x38;
	[tilespmem:$0x16400] =	vst v63  }
0xf9: {  	s18 =	simm.s32 $0x14400;
	s13 =	sadd.s32 $0x3D000, s6;
	s11 =	sadd.s32 $0x3B000, s6  }
0xfa: {  	[hbm4b:s11+s2] =	stream.linear.scatter [tilespmem:s24], [sflag:$0x8], $0x400, $0x38;
	[tilespmem:$0x16400] =	vst v63  }
0xfb: {  	s14 =	sadd.s32 $0x3E000, s6;
	s6 =	sadd.s32 $0x3F000, s6;
	s21 =	simm.s32 $0x14800  }
0xfc: {  	[hbm4b:s12+s2] =	stream.linear.scatter [tilespmem:s25], [sflag:$0x8], $0x400, $0x38;
	[tilespmem:$0x16400] =	vst v63  }
0xfd: {  	s17 =	simm.s32 $0x16000;
	s22 =	simm.s32 $0x14C00;
	s8 =	simm.s32 $0x780  }
0xfe: {  	[hbm4b:s13+s2] =	stream.linear.scatter [tilespmem:s26], [sflag:$0x8], $0x400, $0x38;
	[tilespmem:$0x16400] =	vst v63  }
0xff: {  	s23 =	simm.s32 $0x15000;
	s24 =	simm.s32 $0x15400;
	s25 =	simm.s32 $0x15800  }
0x100: {  	[hbm4b:s14+s2] =	stream.linear.scatter [tilespmem:s28], [sflag:$0x8], $0x400, $0x38;
	[tilespmem:$0x16400] =	vst v63  }
0x101: {  	s12 =	simm.s32 $0x6400;
	s26 =	simm.s32 $0x15C00;
	s13 =	simm.s32 $0x8400  }
0x102: {  	[hbm4b:s6+s2] =	stream.linear.scatter [tilespmem:s17], [sflag:$0x8], $0x400, $0x38;
	[tilespmem:$0x16400] =	vst v63  }
0x103: {  	s28 =	simm.s32 $0x16000;
	s14 =	simm.s32 $0xA400;
	s6 =	simm.s32 $0x580  }
.LBB2_2:
0x104: {  	s9 =	simm.s32 $0xC400  }
0x105: {  	[tilespmem:s9], [sflag:$0x4] =	stream.indirect.gather [hbm4b:s3+s15], $0x40, s6, s15, $0xb8;
	[tilespmem:$0x16400] =	vst v63  }
0x106: {  	_ =	swait.ge [sflag:s20], $0x2000  }
0x107: {  	[sflag:s20] =	ssyncset.done $0x0  }
0x108: {  	[sflag:s20] =	ssyncadd.s32 $0xFFFFE000  }
0x109: {  	_ =	swait.ge [sflag:s31], $0x2000  }
0x10a: {  	s17 =	smov.u32 s7;
	s11 =	rddreg [dreg:$0x3]  }
0x10b: {  	[sflag:s31] =	ssyncset.done $0x0;
	s9 =	sadd.s32 s17, s11  }
0x10c: {  	[sflag:s31] =	ssyncadd.s32 $0xFFFFE000;
	s17 =	simm.s32 $0xE400;
	s11 =	sadd.s32 $0x20000, s9  }
0x10d: {  	[hbm4b:s11+s2] =	stream.linear.scatter [tilespmem:s17], [sflag:$0x5], $0x400, $0x38;
	[tilespmem:$0x16400] =	vst v63  }
0x10e: {  	s11 =	sadd.s32 $0x21000, s9;
	s17 =	simm.s32 $0xE800  }
0x10f: {  	[hbm4b:s11+s2] =	stream.linear.scatter [tilespmem:s17], [sflag:$0x5], $0x400, $0x38;
	[tilespmem:$0x16400] =	vst v63  }
0x110: {  	s11 =	sadd.s32 $0x22000, s9;
	s17 =	simm.s32 $0xEC00  }
0x111: {  	[hbm4b:s11+s2] =	stream.linear.scatter [tilespmem:s17], [sflag:$0x5], $0x400, $0x38;
	[tilespmem:$0x16400] =	vst v63  }
0x112: {  	s11 =	sadd.s32 $0x23000, s9;
	s17 =	simm.s32 $0xF000  }
0x113: {  	[hbm4b:s11+s2] =	stream.linear.scatter [tilespmem:s17], [sflag:$0x5], $0x400, $0x38;
	[tilespmem:$0x16400] =	vst v63  }
0x114: {  	s11 =	sadd.s32 $0x24000, s9;
	s17 =	simm.s32 $0xF400  }
0x115: {  	[hbm4b:s11+s2] =	stream.linear.scatter [tilespmem:s17], [sflag:$0x5], $0x400, $0x38;
	[tilespmem:$0x16400] =	vst v63  }
0x116: {  	s11 =	sadd.s32 $0x25000, s9;
	s17 =	simm.s32 $0xF800  }
0x117: {  	[hbm4b:s11+s2] =	stream.linear.scatter [tilespmem:s17], [sflag:$0x5], $0x400, $0x38;
	[tilespmem:$0x16400] =	vst v63  }
0x118: {  	s11 =	sadd.s32 $0x26000, s9;
	s17 =	simm.s32 $0xFC00  }
0x119: {  	[hbm4b:s11+s2] =	stream.linear.scatter [tilespmem:s17], [sflag:$0x5], $0x400, $0x38;
	[tilespmem:$0x16400] =	vst v63  }
0x11a: {  	s11 =	sadd.s32 $0x27000, s9;
	s17 =	simm.s32 $0x10000  }
0x11b: {  	[hbm4b:s11+s2] =	stream.linear.scatter [tilespmem:s17], [sflag:$0x5], $0x400, $0x38;
	[tilespmem:$0x16400] =	vst v63  }
0x11c: {  	s17 =	sadd.s32 $0xFFFFFE80, s8  }
0x11d: {  	[tilespmem:s12], [sflag:$0x1] =	stream.indirect.gather [hbm4b:s3+s15], $0x40, s17, s15, $0xb8;
	[tilespmem:$0x16400] =	vst v63  }
0x11e: {  	_ =	swait.ge [sflag:s30], $0x2000  }
0x11f: {  	[sflag:s30] =	ssyncset.done $0x0  }
0x120: {  	[sflag:s30] =	ssyncadd.s32 $0xFFFFE000  }
0x121: {  	_ =	swait.ge [sflag:s1], $0x2000  }
0x122: {  	[sflag:s1] =	ssyncset.done $0x0  }
0x123: {  	s11 =	sadd.s32 $0x28000, s9;
	s17 =	simm.s32 $0x10400;
	[sflag:s1] =	ssyncadd.s32 $0xFFFFE000  }
0x124: {  	[hbm4b:s11+s2] =	stream.linear.scatter [tilespmem:s17], [sflag:$0x6], $0x400, $0x38;
	[tilespmem:$0x16400] =	vst v63  }
0x125: {  	s11 =	sadd.s32 $0x29000, s9;
	s17 =	simm.s32 $0x10800  }
0x126: {  	[hbm4b:s11+s2] =	stream.linear.scatter [tilespmem:s17], [sflag:$0x6], $0x400, $0x38;
	[tilespmem:$0x16400] =	vst v63  }
0x127: {  	s11 =	sadd.s32 $0x2A000, s9;
	s17 =	simm.s32 $0x10C00  }
0x128: {  	[hbm4b:s11+s2] =	stream.linear.scatter [tilespmem:s17], [sflag:$0x6], $0x400, $0x38;
	[tilespmem:$0x16400] =	vst v63  }
0x129: {  	s11 =	sadd.s32 $0x2B000, s9;
	s17 =	simm.s32 $0x11000  }
0x12a: {  	[hbm4b:s11+s2] =	stream.linear.scatter [tilespmem:s17], [sflag:$0x6], $0x400, $0x38;
	[tilespmem:$0x16400] =	vst v63  }
0x12b: {  	s11 =	sadd.s32 $0x2C000, s9;
	s17 =	simm.s32 $0x11400  }
0x12c: {  	[hbm4b:s11+s2] =	stream.linear.scatter [tilespmem:s17], [sflag:$0x6], $0x400, $0x38;
	[tilespmem:$0x16400] =	vst v63  }
0x12d: {  	s11 =	sadd.s32 $0x2D000, s9;
	s17 =	simm.s32 $0x11800  }
0x12e: {  	[hbm4b:s11+s2] =	stream.linear.scatter [tilespmem:s17], [sflag:$0x6], $0x400, $0x38;
	[tilespmem:$0x16400] =	vst v63  }
0x12f: {  	s11 =	sadd.s32 $0x2E000, s9;
	s17 =	simm.s32 $0x11C00  }
0x130: {  	[hbm4b:s11+s2] =	stream.linear.scatter [tilespmem:s17], [sflag:$0x6], $0x400, $0x38;
	[tilespmem:$0x16400] =	vst v63  }
0x131: {  	s11 =	sadd.s32 $0x2F000, s9;
	s17 =	simm.s32 $0x12000  }
0x132: {  	[hbm4b:s11+s2] =	stream.linear.scatter [tilespmem:s17], [sflag:$0x6], $0x400, $0x38;
	[tilespmem:$0x16400] =	vst v63  }
0x133: {  	s17 =	sadd.s32 $0xFFFFFF00, s8  }
0x134: {  	[tilespmem:s13], [sflag:$0x2] =	stream.indirect.gather [hbm4b:s3+s15], $0x40, s17, s15, $0xb8;
	[tilespmem:$0x16400] =	vst v63  }
0x135: {  	_ =	swait.ge [sflag:s10], $0x2000  }
0x136: {  	[sflag:s10] =	ssyncset.done $0x0  }
0x137: {  	[sflag:s10] =	ssyncadd.s32 $0xFFFFE000  }
0x138: {  	_ =	swait.ge [sflag:s0], $0x2000  }
0x139: {  	[sflag:s0] =	ssyncset.done $0x0  }
0x13a: {  	s11 =	sadd.s32 $0x30000, s9;
	s17 =	simm.s32 $0x12400;
	[sflag:s0] =	ssyncadd.s32 $0xFFFFE000  }
0x13b: {  	[hbm4b:s11+s2] =	stream.linear.scatter [tilespmem:s17], [sflag:$0x7], $0x400, $0x38;
	[tilespmem:$0x16400] =	vst v63  }
0x13c: {  	s11 =	sadd.s32 $0x31000, s9;
	s17 =	simm.s32 $0x12800  }
0x13d: {  	[hbm4b:s11+s2] =	stream.linear.scatter [tilespmem:s17], [sflag:$0x7], $0x400, $0x38;
	[tilespmem:$0x16400] =	vst v63  }
0x13e: {  	s11 =	sadd.s32 $0x32000, s9;
	s17 =	simm.s32 $0x12C00  }
0x13f: {  	[hbm4b:s11+s2] =	stream.linear.scatter [tilespmem:s17], [sflag:$0x7], $0x400, $0x38;
	[tilespmem:$0x16400] =	vst v63  }
0x140: {  	s11 =	sadd.s32 $0x33000, s9;
	s17 =	simm.s32 $0x13000  }
0x141: {  	[hbm4b:s11+s2] =	stream.linear.scatter [tilespmem:s17], [sflag:$0x7], $0x400, $0x38;
	[tilespmem:$0x16400] =	vst v63  }
0x142: {  	s11 =	sadd.s32 $0x34000, s9;
	s17 =	simm.s32 $0x13400  }
0x143: {  	[hbm4b:s11+s2] =	stream.linear.scatter [tilespmem:s17], [sflag:$0x7], $0x400, $0x38;
	[tilespmem:$0x16400] =	vst v63  }
0x144: {  	s17 =	sadd.s32 $0x35000, s9  }
0x145: {  	[hbm4b:s17+s2] =	stream.linear.scatter [tilespmem:s29], [sflag:$0x7], $0x400, $0x38;
	[tilespmem:$0x16400] =	vst v63  }
0x146: {  	s17 =	sadd.s32 $0x36000, s9  }
0x147: {  	[hbm4b:s17+s2] =	stream.linear.scatter [tilespmem:s4], [sflag:$0x7], $0x400, $0x38;
	[tilespmem:$0x16400] =	vst v63  }
0x148: {  	s17 =	sadd.s32 $0x37000, s9  }
0x149: {  	[hbm4b:s17+s2] =	stream.linear.scatter [tilespmem:s16], [sflag:$0x7], $0x400, $0x38;
	[tilespmem:$0x16400] =	vst v63  }
0x14a: {  	s17 =	sadd.s32 $0xFFFFFF80, s8  }
0x14b: {  	[tilespmem:s14], [sflag:$0x3] =	stream.indirect.gather [hbm4b:s3+s15], $0x40, s17, s15, $0xb8;
	[tilespmem:$0x16400] =	vst v63  }
0x14c: {  	_ =	swait.ge [sflag:s19], $0x2000  }
0x14d: {  	[sflag:s19] =	ssyncset.done $0x0  }
0x14e: {  	[sflag:s19] =	ssyncadd.s32 $0xFFFFE000  }
0x14f: {  	_ =	swait.ge [sflag:s5], $0x2000  }
0x150: {  	[sflag:s5] =	ssyncset.done $0x0  }
0x151: {  	s17 =	sadd.s32 $0x38000, s9;
	[sflag:s5] =	ssyncadd.s32 $0xFFFFE000  }
0x152: {  	[hbm4b:s17+s2] =	stream.linear.scatter [tilespmem:s18], [sflag:$0x8], $0x400, $0x38;
	[tilespmem:$0x16400] =	vst v63  }
0x153: {  	s17 =	sadd.s32 $0x39000, s9  }
0x154: {  	[hbm4b:s17+s2] =	stream.linear.scatter [tilespmem:s21], [sflag:$0x8], $0x400, $0x38;
	[tilespmem:$0x16400] =	vst v63  }
0x155: {  	s17 =	sadd.s32 $0x3A000, s9  }
0x156: {  	[hbm4b:s17+s2] =	stream.linear.scatter [tilespmem:s22], [sflag:$0x8], $0x400, $0x38;
	[tilespmem:$0x16400] =	vst v63  }
0x157: {  	s17 =	sadd.s32 $0x3B000, s9  }
0x158: {  	[hbm4b:s17+s2] =	stream.linear.scatter [tilespmem:s23], [sflag:$0x8], $0x400, $0x38;
	[tilespmem:$0x16400] =	vst v63  }
0x159: {  	s17 =	sadd.s32 $0x3C000, s9  }
0x15a: {  	[hbm4b:s17+s2] =	stream.linear.scatter [tilespmem:s24], [sflag:$0x8], $0x400, $0x38;
	[tilespmem:$0x16400] =	vst v63  }
0x15b: {  	p0 =	sne.s32 s7, $0x5E0000;
	s17 =	sadd.s32 $0x3D000, s9  }
0x15c: {  	[hbm4b:s17+s2] =	stream.linear.scatter [tilespmem:s25], [sflag:$0x8], $0x400, $0x38;
	[tilespmem:$0x16400] =	vst v63  }
.Ltmp0:
0x15d: {  	_ = 	snop;
	(pc) =	sbr.rel @p0 .LBB2_2-.Ltmp0, $4  }
0x15e: {  	s7 =	sadd.s32 $0x20000, s7;
	s17 =	sadd.s32 $0x3E000, s9  }
0x15f: {  	[hbm4b:s17+s2] =	stream.linear.scatter [tilespmem:s26], [sflag:$0x8], $0x400, $0x38;
	[tilespmem:$0x16400] =	vst v63  }
0x160: {  	s6 =	smov.u32 s8;
	s8 =	sadd.s32 $0x200, s8;
	s9 =	sadd.s32 $0x3F000, s9  }
0x161: {  	[hbm4b:s9+s2] =	stream.linear.scatter [tilespmem:s28], [sflag:$0x8], $0x400, $0x38;
	[tilespmem:$0x16400] =	vst v63  }
0x162: {  	s7 =	simm.s32 $0xC400  }
0x163: {  	[tilespmem:s7], [sflag:$0x4] =	stream.indirect.gather [hbm4b:s3+s15], $0x40, s6, s15, $0xb8;
	[tilespmem:$0x16400] =	vst v63  }
0x164: {  	_ =	swait.ge [sflag:s20], $0x2000  }
0x165: {  	[sflag:s20] =	ssyncset.done $0x0  }
0x166: {  	[sflag:s20] =	ssyncadd.s32 $0xFFFFE000  }
0x167: {  	_ =	swait.ge [sflag:s31], $0x2000  }
0x168: {  	s9 =	sld [smem:$0x7DE]  }
0x169: {  	[sflag:s31] =	ssyncset.done $0x0  }
0x16a: {  	s11 =	simm.s32 $0xE400;
	s12 =	sld [smem:$0x7DF];
	[sflag:s31] =	ssyncadd.s32 $0xFFFFE000  }
0x16b: {  	[hbm4b:s9+s2] =	stream.linear.scatter [tilespmem:s11], [sflag:$0x5], $0x400, $0x38;
	[tilespmem:$0x16400] =	vst v63  }
0x16c: {  	s13 =	simm.s32 $0xE800;
	s14 =	sld [smem:$0x7E0]  }
0x16d: {  	[hbm4b:s12+s2] =	stream.linear.scatter [tilespmem:s13], [sflag:$0x5], $0x400, $0x38;
	[tilespmem:$0x16400] =	vst v63  }
0x16e: {  	s17 =	simm.s32 $0xEC00;
	s7 =	sld [smem:$0x7E1]  }
0x16f: {  	[hbm4b:s14+s2] =	stream.linear.scatter [tilespmem:s17], [sflag:$0x5], $0x400, $0x38;
	[tilespmem:$0x16400] =	vst v63  }
0x170: {  	s8 =	simm.s32 $0xF000;
	s9 =	sld [smem:$0x7E2]  }
0x171: {  	[hbm4b:s7+s2] =	stream.linear.scatter [tilespmem:s8], [sflag:$0x5], $0x400, $0x38;
	[tilespmem:$0x16400] =	vst v63  }
0x172: {  	s11 =	simm.s32 $0xF400;
	s12 =	sld [smem:$0x7E3]  }
0x173: {  	[hbm4b:s9+s2] =	stream.linear.scatter [tilespmem:s11], [sflag:$0x5], $0x400, $0x38;
	[tilespmem:$0x16400] =	vst v63  }
0x174: {  	s13 =	simm.s32 $0xF800;
	s14 =	sld [smem:$0x7E4]  }
0x175: {  	[hbm4b:s12+s2] =	stream.linear.scatter [tilespmem:s13], [sflag:$0x5], $0x400, $0x38;
	[tilespmem:$0x16400] =	vst v63  }
0x176: {  	s17 =	simm.s32 $0xFC00;
	s7 =	sld [smem:$0x7E5]  }
0x177: {  	[hbm4b:s14+s2] =	stream.linear.scatter [tilespmem:s17], [sflag:$0x5], $0x400, $0x38;
	[tilespmem:$0x16400] =	vst v63  }
0x178: {  	s8 =	simm.s32 $0x10000  }
0x179: {  	[hbm4b:s7+s2] =	stream.linear.scatter [tilespmem:s8], [sflag:$0x5], $0x400, $0x38;
	[tilespmem:$0x16400] =	vst v63  }
0x17a: {  	_ =	swait.ge [sflag:s30], $0x2000  }
0x17b: {  	[sflag:s30] =	ssyncset.done $0x0  }
0x17c: {  	[sflag:s30] =	ssyncadd.s32 $0xFFFFE000  }
0x17d: {  	_ =	swait.ge [sflag:s1], $0x2000  }
0x17e: {  	s9 =	sld [smem:$0x7E6]  }
0x17f: {  	[sflag:s1] =	ssyncset.done $0x0  }
0x180: {  	s11 =	simm.s32 $0x10400;
	s12 =	sld [smem:$0x7E7];
	[sflag:s1] =	ssyncadd.s32 $0xFFFFE000  }
0x181: {  	[hbm4b:s9+s2] =	stream.linear.scatter [tilespmem:s11], [sflag:$0x6], $0x400, $0x38;
	[tilespmem:$0x16400] =	vst v63  }
0x182: {  	s13 =	simm.s32 $0x10800;
	s14 =	sld [smem:$0x7E8]  }
0x183: {  	[hbm4b:s12+s2] =	stream.linear.scatter [tilespmem:s13], [sflag:$0x6], $0x400, $0x38;
	[tilespmem:$0x16400] =	vst v63  }
0x184: {  	s17 =	simm.s32 $0x10C00;
	s7 =	sld [smem:$0x7E9]  }
0x185: {  	[hbm4b:s14+s2] =	stream.linear.scatter [tilespmem:s17], [sflag:$0x6], $0x400, $0x38;
	[tilespmem:$0x16400] =	vst v63  }
0x186: {  	s8 =	simm.s32 $0x11000;
	s9 =	sld [smem:$0x7EA]  }
0x187: {  	[hbm4b:s7+s2] =	stream.linear.scatter [tilespmem:s8], [sflag:$0x6], $0x400, $0x38;
	[tilespmem:$0x16400] =	vst v63  }
0x188: {  	s11 =	simm.s32 $0x11400;
	s12 =	sld [smem:$0x7EB]  }
0x189: {  	[hbm4b:s9+s2] =	stream.linear.scatter [tilespmem:s11], [sflag:$0x6], $0x400, $0x38;
	[tilespmem:$0x16400] =	vst v63  }
0x18a: {  	s13 =	simm.s32 $0x11800;
	s14 =	sld [smem:$0x7EC]  }
0x18b: {  	[hbm4b:s12+s2] =	stream.linear.scatter [tilespmem:s13], [sflag:$0x6], $0x400, $0x38;
	[tilespmem:$0x16400] =	vst v63  }
0x18c: {  	s17 =	simm.s32 $0x11C00;
	s7 =	sld [smem:$0x7ED]  }
0x18d: {  	[hbm4b:s14+s2] =	stream.linear.scatter [tilespmem:s17], [sflag:$0x6], $0x400, $0x38;
	[tilespmem:$0x16400] =	vst v63  }
0x18e: {  	s8 =	simm.s32 $0x12000  }
0x18f: {  	[hbm4b:s7+s2] =	stream.linear.scatter [tilespmem:s8], [sflag:$0x6], $0x400, $0x38;
	[tilespmem:$0x16400] =	vst v63  }
0x190: {  	_ =	swait.ge [sflag:s10], $0x2000  }
0x191: {  	[sflag:s10] =	ssyncset.done $0x0  }
0x192: {  	[sflag:s10] =	ssyncadd.s32 $0xFFFFE000  }
0x193: {  	_ =	swait.ge [sflag:s0], $0x2000  }
0x194: {  	s9 =	sld [smem:$0x7EE]  }
0x195: {  	[sflag:s0] =	ssyncset.done $0x0  }
0x196: {  	s11 =	simm.s32 $0x12400;
	s12 =	sld [smem:$0x7EF];
	[sflag:s0] =	ssyncadd.s32 $0xFFFFE000  }
0x197: {  	[hbm4b:s9+s2] =	stream.linear.scatter [tilespmem:s11], [sflag:$0x7], $0x400, $0x38;
	[tilespmem:$0x16400] =	vst v63  }
0x198: {  	s13 =	simm.s32 $0x12800;
	s14 =	sld [smem:$0x7F0]  }
0x199: {  	[hbm4b:s12+s2] =	stream.linear.scatter [tilespmem:s13], [sflag:$0x7], $0x400, $0x38;
	[tilespmem:$0x16400] =	vst v63  }
0x19a: {  	s17 =	simm.s32 $0x12C00;
	s7 =	sld [smem:$0x7F1]  }
0x19b: {  	[hbm4b:s14+s2] =	stream.linear.scatter [tilespmem:s17], [sflag:$0x7], $0x400, $0x38;
	[tilespmem:$0x16400] =	vst v63  }
0x19c: {  	s8 =	simm.s32 $0x13000;
	s9 =	sld [smem:$0x7F2]  }
0x19d: {  	[hbm4b:s7+s2] =	stream.linear.scatter [tilespmem:s8], [sflag:$0x7], $0x400, $0x38;
	[tilespmem:$0x16400] =	vst v63  }
0x19e: {  	s11 =	simm.s32 $0x13400;
	s12 =	sld [smem:$0x7F3]  }
0x19f: {  	[hbm4b:s9+s2] =	stream.linear.scatter [tilespmem:s11], [sflag:$0x7], $0x400, $0x38;
	[tilespmem:$0x16400] =	vst v63  }
0x1a0: {  	s13 =	sld [smem:$0x7F4]  }
0x1a1: {  	[hbm4b:s12+s2] =	stream.linear.scatter [tilespmem:s29], [sflag:$0x7], $0x400, $0x38;
	[tilespmem:$0x16400] =	vst v63  }
0x1a2: {  	s14 =	sld [smem:$0x7F5]  }
0x1a3: {  	[hbm4b:s13+s2] =	stream.linear.scatter [tilespmem:s4], [sflag:$0x7], $0x400, $0x38;
	[tilespmem:$0x16400] =	vst v63  }
0x1a4: {  	_ = 	snop  }
0x1a5: {  	[hbm4b:s14+s2] =	stream.linear.scatter [tilespmem:s16], [sflag:$0x7], $0x400, $0x38;
	[tilespmem:$0x16400] =	vst v63  }
0x1a6: {  	_ =	swait.ge [sflag:s19], $0x2000  }
0x1a7: {  	[sflag:s19] =	ssyncset.done $0x0  }
0x1a8: {  	[sflag:s19] =	ssyncadd.s32 $0xFFFFE000  }
0x1a9: {  	_ =	swait.ge [sflag:s5], $0x2000  }
0x1aa: {  	s17 =	sld [smem:$0x7F6]  }
0x1ab: {  	[sflag:s5] =	ssyncset.done $0x0  }
0x1ac: {  	[sflag:s5] =	ssyncadd.s32 $0xFFFFE000  }
0x1ad: {  	[hbm4b:s17+s2] =	stream.linear.scatter [tilespmem:s18], [sflag:$0x8], $0x400, $0x38;
	[tilespmem:$0x16400] =	vst v63  }
0x1ae: {  	s18 =	sld [smem:$0x7F7];
	_ =	sdelay $0x2  }
0x1af: {  	[hbm4b:s18+s2] =	stream.linear.scatter [tilespmem:s21], [sflag:$0x8], $0x400, $0x38;
	[tilespmem:$0x16400] =	vst v63  }
0x1b0: {  	s21 =	sld [smem:$0x7F8];
	_ =	sdelay $0x2  }
0x1b1: {  	[hbm4b:s21+s2] =	stream.linear.scatter [tilespmem:s22], [sflag:$0x8], $0x400, $0x38;
	[tilespmem:$0x16400] =	vst v63  }
0x1b2: {  	s22 =	sld [smem:$0x7F9];
	_ =	sdelay $0x2  }
0x1b3: {  	[hbm4b:s22+s2] =	stream.linear.scatter [tilespmem:s23], [sflag:$0x8], $0x400, $0x38;
	[tilespmem:$0x16400] =	vst v63  }
0x1b4: {  	s23 =	sld [smem:$0x7FA];
	_ =	sdelay $0x2  }
0x1b5: {  	[hbm4b:s23+s2] =	stream.linear.scatter [tilespmem:s24], [sflag:$0x8], $0x400, $0x38;
	[tilespmem:$0x16400] =	vst v63  }
0x1b6: {  	s24 =	sld [smem:$0x7FB];
	_ =	sdelay $0x2  }
0x1b7: {  	[hbm4b:s24+s2] =	stream.linear.scatter [tilespmem:s25], [sflag:$0x8], $0x400, $0x38;
	[tilespmem:$0x16400] =	vst v63  }
0x1b8: {  	s25 =	sld [smem:$0x7FC];
	_ =	sdelay $0x2  }
0x1b9: {  	[hbm4b:s25+s2] =	stream.linear.scatter [tilespmem:s26], [sflag:$0x8], $0x400, $0x38;
	[tilespmem:$0x16400] =	vst v63  }
0x1ba: {  	s26 =	sld [smem:$0x7FD];
	_ =	sdelay $0x2  }
0x1bb: {  	[hbm4b:s26+s2] =	stream.linear.scatter [tilespmem:s28], [sflag:$0x8], $0x400, $0x38;
	[tilespmem:$0x16400] =	vst v63  }
0x1bc: {  	_ =	swait.ge [sflag:s31], $0x2000  }
0x1bd: {  	[sflag:s31] =	ssyncset.done $0x0  }
0x1be: {  	[sflag:s31] =	ssyncadd.s32 $0xFFFFE000  }
0x1bf: {  	_ =	swait.ge [sflag:s1], $0x2000  }
0x1c0: {  	[sflag:s1] =	ssyncset.done $0x0  }
0x1c1: {  	[sflag:s1] =	ssyncadd.s32 $0xFFFFE000  }
0x1c2: {  	_ =	swait.ge [sflag:s0], $0x2000  }
0x1c3: {  	[sflag:s0] =	ssyncset.done $0x0  }
0x1c4: {  	[sflag:s0] =	ssyncadd.s32 $0xFFFFE000  }
0x1c5: {  	_ =	swait.ge [sflag:s5], $0x2000  }
0x1c6: {  	s28 =	sld [smem:$0x7D7];
	_ =	sdelay $0x2  }
0x1c7: {  	s29 =	rddreg [dreg:$0x19];
	s4 =	sadd.s32 $0x1, s28  }
0x1c8: {  	p0 =	sne.s32 s4, s29  }
.Ltmp1:
0x1c9: {  	_ = 	snop;
	(pc) =	sbr.rel @p0 .LBB2_1-.Ltmp1, $3  }
0x1ca: {  	_ =	sdelay $0x1  }
0x1cb: {  	s8 =	simm.s32 $0x6400;
	[sflag:s5] =	ssyncset.done $0x0  }
0x1cc: {  	s9 =	simm.s32 $0x8400;
	s11 =	simm.s32 $0xA400;
	[sflag:s5] =	ssyncadd.s32 $0xFFFFE000  }
0x1cd: {  	_ =	sfence.sel $0x180000  }
0x1ce: {  	[bflag:$0x0] =	sbarrier.arrive $0xFFFF  }
0x1cf: {  	_ =	strace $0x90000047  }
0x1d0: {  	s0 =	stileid.u32;
	[bflag:$0x2] =	sbarrier.arrive $0xFFFF  }
0x1d1: {  	p0 =	sne.s32 s0, $0x0;
	s0 =	rddreg [dreg:$0x2]  }
0x1d2: {  	s0 =	sadd.s32 @!p0 $0x100000, s0  }
0x1d3: {  	[sflag:s0] =	ssyncadd.tile.s32 @!p0 $0x1;
	_ =	shalt  }
.Lfunc_end2:
_tile_overlayer_lowered:
.L_overlay_start_2:
0x1d4: {  	(tag) =	ssettag $0x2  }
0x1d5: {  	s0 =	rddreg [dreg:$0x0];
	s2 =	stileid.u32  }
0x1d6: {  	s1 =	rddreg [dreg:$0x1];
	p0 =	sne.s32 s2, $0x0  }
0x1d7: {  	s3 =	rddreg [dreg:$0x2];
	[bflag:$0x3] =	sbarrier.arrive $0xFFFF;
	s2 =	simm.s32 @!p0 $0x1C09  }
0x1d8: {  	[timem:s3], [sflag:s2] =	dma.local @!p0 [hbm:s0], s1  }
0x1d9: {  	s0 =	simm.s32 @!p0 $0x9  }
0x1da: {  	_ =	swait.ge @!p0 [sflag:s0], s1  }
0x1db: {  	s1 =	ssub.s32 @!p0 $0x0, s1;
	[sflag:s0] =	ssyncset.done @!p0 $0x0  }
0x1dc: {  	[sflag:s0] =	ssyncadd.s32 @!p0 s1  }
0x1dd: {  	[bflag:$0x3] =	sbarrier.arrive $0xFFFF  }
0x1de: {  	_ =	shalt  }

</sc_bundles>
